<compile_context>
chip_gen: v7x
topology: tpu7x:2x2x1
jax: 0.10.2.dev20260603
libtpu: 0.0.44.dev20260713+nightly
codegen_flags: <defaults>
</compile_context>

<pallas_src>
import functools

import numpy as np
import jax
import jax.numpy as jnp
from jax import lax
from jax.experimental import pallas as pl
from jax.experimental.pallas import tpu as pltpu
from jax.experimental.pallas import tpu_sc as plsc

_N = 10000
_D = 128
_E = 320000
_NLAYERS = 2
_ALPHA = 0.5
_THETA = 1.0

_NC = 2
_NS = 16
_NW = _NC * _NS
_EPT = _E // _NW
_C = 125
_NCH = _EPT // _C
_HC = _NCH // 2
_NP = 10112
_RPT = _NP // _NS
_CW = 16

_MESH = plsc.VectorSubcoreMesh(
    core_axis_name="c", subcore_axis_name="s", num_cores=_NC, num_subcores=_NS
)


def _deg_body(col_hbm, ones_hbm, z16_hbm, out_hbm, colbuf, onesbuf, cnt_sh, sem):
    c = lax.axis_index("c")
    s = lax.axis_index("s")
    wid = c * _NS + s
    pltpu.sync_copy(z16_hbm, cnt_sh.at[pl.ds(s * _RPT, _RPT)])
    pltpu.sync_copy(ones_hbm, onesbuf)
    pltpu.sync_copy(col_hbm.at[wid], colbuf)
    plsc.subcore_barrier()

    def group(gi, carry):
        j = 8 * gi
        for k in range(8):
            pltpu.async_copy(onesbuf, cnt_sh.at[colbuf.at[j + k]], sem,
                             add=True)
        for k in range(8):
            pltpu.make_async_copy(onesbuf, cnt_sh.at[colbuf.at[j + k]],
                                  sem).wait()
        return carry

    lax.fori_loop(0, _NCH // 8, group, 0)
    plsc.subcore_barrier()
    pltpu.sync_copy(
        cnt_sh.at[pl.ds(s * _RPT, _RPT)], out_hbm.at[c, pl.ds(s * _RPT, _RPT)]
    )


_deg_call = pl.kernel(
    _deg_body,
    out_type=jax.ShapeDtypeStruct((_NC, _NP, _CW), jnp.float32),
    mesh=_MESH,
    compiler_params=pltpu.CompilerParams(use_tc_tiling_on_sc=False),
    scratch_types=[
        pltpu.VMEM((_NCH, _C), jnp.int32),
        pltpu.VMEM((_C, _CW), jnp.float32),
        pltpu.VMEM_SHARED((_NP, _CW), jnp.float32),
        pltpu.SemaphoreType.DMA,
    ],
)


def _scat_body(g_hbm, row_hbm, col_hbm, z128_hbm, out_hbm,
               rowbuf, colbuf, buf0, buf1, acc_sh, sem0, sem1):
    c = lax.axis_index("c")
    s = lax.axis_index("s")
    wid = c * _NS + s
    pltpu.sync_copy(z128_hbm, acc_sh.at[pl.ds(s * _RPT, _RPT)])
    plsc.subcore_barrier()

    for half in range(2):
        pltpu.sync_copy(row_hbm.at[wid, pl.ds(half * _HC, _HC)], rowbuf)
        pltpu.sync_copy(col_hbm.at[wid, pl.ds(half * _HC, _HC)], colbuf)
        pltpu.async_copy(g_hbm.at[rowbuf.at[0]], buf0, sem0)
        pltpu.async_copy(g_hbm.at[rowbuf.at[1]], buf1, sem1)

        def pair(i, carry):
            j = 2 * i
            pltpu.make_async_copy(g_hbm.at[rowbuf.at[j]], buf0, sem0).wait()
            pltpu.sync_copy(buf0, acc_sh.at[colbuf.at[j]], add=True)
            pltpu.async_copy(g_hbm.at[rowbuf.at[j + 2]], buf0, sem0)
            pltpu.make_async_copy(g_hbm.at[rowbuf.at[j + 1]], buf1, sem1).wait()
            pltpu.sync_copy(buf1, acc_sh.at[colbuf.at[j + 1]], add=True)
            pltpu.async_copy(g_hbm.at[rowbuf.at[j + 3]], buf1, sem1)
            return carry

        lax.fori_loop(0, (_HC - 2) // 2, pair, 0)
        pltpu.make_async_copy(g_hbm.at[rowbuf.at[_HC - 2]], buf0, sem0).wait()
        pltpu.sync_copy(buf0, acc_sh.at[colbuf.at[_HC - 2]], add=True)
        pltpu.make_async_copy(g_hbm.at[rowbuf.at[_HC - 1]], buf1, sem1).wait()
        pltpu.sync_copy(buf1, acc_sh.at[colbuf.at[_HC - 1]], add=True)

    plsc.subcore_barrier()
    pltpu.sync_copy(
        acc_sh.at[pl.ds(s * _RPT, _RPT)], out_hbm.at[c, pl.ds(s * _RPT, _RPT)]
    )


_scat_call = pl.kernel(
    _scat_body,
    out_type=jax.ShapeDtypeStruct((_NC, _NP, _D), jnp.float32),
    mesh=_MESH,
    scratch_types=[
        pltpu.VMEM((_HC, _C), jnp.int32),
        pltpu.VMEM((_HC, _C), jnp.int32),
        pltpu.VMEM((_C, _D), jnp.float32),
        pltpu.VMEM((_C, _D), jnp.float32),
        pltpu.VMEM_SHARED((_NP, _D), jnp.float32),
        pltpu.SemaphoreType.DMA,
        pltpu.SemaphoreType.DMA,
    ],
)


_B = 1000


def _prep_body(x_ref, cnt_ref, g0_ref):
    cnt = cnt_ref[...]
    dis = lax.rsqrt(1.0 + cnt[0, :, 0:1] + cnt[1, :, 0:1])
    g0_ref[...] = dis * jnp.maximum(x_ref[...], 0.0)


_prep_call = pl.pallas_call(
    _prep_body,
    grid=(_N // _B,),
    in_specs=[
        pl.BlockSpec((_B, _D), lambda i: (i, 0)),
        pl.BlockSpec((_NC, _B, _CW), lambda i: (0, i, 0)),
    ],
    out_specs=pl.BlockSpec((_B, _D), lambda i: (i, 0)),
    out_shape=jax.ShapeDtypeStruct((_N, _D), jnp.float32),
)


_BETA0 = float(np.log(_THETA / 1.0 + 1.0))
_BETA1 = float(np.log(_THETA / 2.0 + 1.0))


def _bterm_body(x_ref, w2_ref, b0_ref, b1_ref):
    h0 = _ALPHA * jnp.maximum(x_ref[...], 0.0)
    b0_ref[...] = (1.0 - _BETA0) * h0 + _BETA0 * jnp.dot(
        h0, w2_ref[0], preferred_element_type=jnp.float32)
    b1_ref[...] = (1.0 - _BETA1) * h0 + _BETA1 * jnp.dot(
        h0, w2_ref[1], preferred_element_type=jnp.float32)


_bterm_call = pl.pallas_call(
    _bterm_body,
    grid=(_N // _B,),
    in_specs=[
        pl.BlockSpec((_B, _D), lambda i: (i, 0)),
        pl.BlockSpec((_NLAYERS, _D, _D), lambda i: (0, 0, 0)),
    ],
    out_specs=[
        pl.BlockSpec((_B, _D), lambda i: (i, 0)),
        pl.BlockSpec((_B, _D), lambda i: (i, 0)),
    ],
    out_shape=[
        jax.ShapeDtypeStruct((_N, _D), jnp.float32),
        jax.ShapeDtypeStruct((_N, _D), jnp.float32),
    ],
)


def _layer_body(s_ref, g_ref, b_ref, cnt_ref, w1_ref, o_ref, *,
                beta, emit_g):
    cnt = cnt_ref[...]
    dis = lax.rsqrt(1.0 + cnt[0, :, 0:1] + cnt[1, :, 0:1])
    h = (1.0 - _ALPHA) * (dis * (s_ref[0] + s_ref[1] + g_ref[...]))
    out = (1.0 - beta) * h + beta * jnp.dot(
        h, w1_ref[0], preferred_element_type=jnp.float32
    ) + b_ref[...]
    f = jnp.maximum(out, 0.0)
    o_ref[...] = dis * f if emit_g else f


def _make_layer(li, emit_g):
    beta = float(np.log(_THETA / (li + 1) + 1.0))
    return pl.pallas_call(
        functools.partial(_layer_body, beta=beta, emit_g=emit_g),
        grid=(_N // _B,),
        in_specs=[
            pl.BlockSpec((_NC, _B, _D), lambda i: (0, i, 0)),
            pl.BlockSpec((_B, _D), lambda i: (i, 0)),
            pl.BlockSpec((_B, _D), lambda i: (i, 0)),
            pl.BlockSpec((_NC, _B, _CW), lambda i: (0, i, 0)),
            pl.BlockSpec((1, _D, _D), lambda i, _li=li: (_li, 0, 0)),
        ],
        out_specs=pl.BlockSpec((_B, _D), lambda i: (i, 0)),
        out_shape=jax.ShapeDtypeStruct((_N, _D), jnp.float32),
    )


_layer0_call = _make_layer(0, emit_g=True)
_layer1_call = _make_layer(1, emit_g=False)


def kernel(x, edge_index, W1, W2):
    row3 = edge_index[0].reshape(_NW, _NCH, _C)
    col3 = edge_index[1].reshape(_NW, _NCH, _C)
    ones16 = jnp.ones((_C, _CW), jnp.float32)
    z16 = jnp.zeros((_RPT, _CW), jnp.float32)
    z128 = jnp.zeros((_RPT, _D), jnp.float32)

    cnts = _deg_call(col3, ones16, z16)
    g0 = _prep_call(x, cnts)
    b0, b1 = _bterm_call(x, W2)
    s0 = _scat_call(g0, row3, col3, z128)
    g1 = _layer0_call(s0, g0, b0, cnts, W1)
    s1 = _scat_call(g1, row3, col3, z128)
    f2 = _layer1_call(s1, g1, b1, cnts, W1)
    return f2

# --- scband reference (transcript-rebuilt; emitter-appended) ---
"""Pipeline reference for scband-gcniibackbone-77378130804856 (READ-ONLY COPY).

The authoritative reference and input builder live on the scoring server;
editing this copy changes nothing except your own understanding.
"""

import jax, jax.numpy as jnp
import numpy as np

N = 10000
D = 128
E = 320000
N_LAYERS = 2
ALPHA = 0.5
THETA = 1.0


def setup_inputs(seed: int = 0) -> dict:
    key = jax.random.key(seed)
    k1, k2, k3, k4 = jax.random.split(key, 4)
    x = jax.random.normal(k1, (N, D), dtype=jnp.float32)
    edge_index = jax.random.randint(k2, (2, E), 0, N, dtype=jnp.int32)
    # GCN2Conv with shared_weights=False has weight1 and weight2, each [D, D], per layer.
    W1 = jax.random.normal(k3, (N_LAYERS, D, D), dtype=jnp.float32) * (1.0 / np.sqrt(D))
    W2 = jax.random.normal(k4, (N_LAYERS, D, D), dtype=jnp.float32) * (1.0 / np.sqrt(D))
    return {"x": x, "edge_index": edge_index, "W1": W1, "W2": W2}


def _gcn_norm(edge_index, num_nodes):
    # symmetric normalization with self-loops (fill_value=1.0), as in pyg gcn_norm
    loop = jnp.arange(num_nodes, dtype=edge_index.dtype)
    row = jnp.concatenate([edge_index[0], loop])
    col = jnp.concatenate([edge_index[1], loop])
    ew = jnp.ones(row.shape[0], dtype=jnp.float32)
    deg = jnp.zeros((num_nodes,), dtype=jnp.float32).at[col].add(ew)
    deg_inv_sqrt = jnp.where(deg > 0.0, jax.lax.rsqrt(jnp.maximum(deg, 1e-12)), 0.0)
    w = deg_inv_sqrt[row] * ew * deg_inv_sqrt[col]
    return row, col, w


def reference(x, edge_index, W1, W2):
    # GCNIIBackbone with din==dmid==dout -> lin1/lin2 are Identity; use_norm=False -> norm is Identity.
    num_nodes = x.shape[0]
    row, col, w = _gcn_norm(edge_index, num_nodes)
    f0 = jax.nn.relu(x)          # f_0 = relu(lin1(x)) with lin1=Identity
    prev_h = jnp.zeros_like(f0)
    x0 = f0 + prev_h             # second arg to each GCN2Conv
    f = f0
    for i in range(N_LAYERS):
        beta = float(np.log(THETA / (i + 1) + 1.0))
        # propagate: A_hat @ f  (gather from source row, scatter-add to target col)
        msgs = w[:, None] * f[row]
        agg = jnp.zeros_like(f).at[col].add(msgs)
        h = agg * (1.0 - ALPHA)
        h0 = ALPHA * x0
        # shared_weights=False: out = addmm(h, h, W1, beta=1-beta, alpha=beta) + addmm(h0, h0, W2, ...)
        out = (1.0 - beta) * h + beta * (h @ W1[i]) + (1.0 - beta) * h0 + beta * (h0 @ W2[i])
        f = jax.nn.relu(out)     # norm is Identity
    return jax.nn.relu(f)        # lin2 is Identity

if __name__ == "__main__":
    import jax
    _d = setup_inputs()
    print(jax.jit(kernel)(*tuple(_d.values())))

</pallas_src>

<mosaic_0001>
#map = affine_map<(d0, d1) -> (0, 0, 0)>
#map1 = affine_map<(d0, d1) -> (0, 0)>
module attributes {stable_mosaic.version = 14 : i64} {
  func.func @_deg_body(%arg0: i32, %arg1: i32, %arg2: memref<32x80x125xi32, #tpu.memory_space<hbm>>, %arg3: memref<125x16xf32, #tpu.memory_space<hbm>>, %arg4: memref<632x16xf32, #tpu.memory_space<hbm>>, %arg5: memref<2x10112x16xf32, #tpu.memory_space<hbm>>, %arg6: memref<80x125xi32, #tpu.memory_space<vmem>>, %arg7: memref<125x16xf32, #tpu.memory_space<vmem>>, %arg8: memref<10112x16xf32, #tpu.memory_space<vmem_shared>>, %arg9: memref<!tpu.dma_semaphore, #tpu.memory_space<semaphore_mem>>) attributes {dimension_semantics = [#tpu.dimension_semantics<core_parallel>, #tpu.dimension_semantics<subcore_parallel>], iteration_bounds = array<i64: 2, 16>, scalar_prefetch = 0 : i64, scratch_operands = 4 : i64, tpu.core_type = #tpu.core_type<sc_vector_subcore>, window_params = [{transform_indices = #map}, {transform_indices = #map1}, {transform_indices = #map1}, {transform_indices = #map}]} {
    %mul3A = arith.constant 16 : i32
    %mul3A_0 = arith.muli %arg0, %mul3A : i32
    %add3A = arith.addi %mul3A_0, %arg1 : i32
    %mul3A_1 = arith.constant 632 : i32
    %mul3A_2 = arith.muli %arg1, %mul3A_1 : i32
    "tpu.region"() ({
      %run_scoped3A = tpu.sem_alloc : memref<!tpu.dma_semaphore, #tpu.memory_space<semaphore_mem>>
      %dma_start3A = arith.constant 0 : i32
      %dma_start3A_13 = tpu.memref_slice %arg8[%mul3A_2, %dma_start3A] : memref<10112x16xf32, #tpu.memory_space<vmem_shared>> -> memref<632x16xf32, #tpu.memory_space<vmem_shared>>
      tpu.enqueue_dma source(%arg4 : memref<632x16xf32, #tpu.memory_space<hbm>>) target(%dma_start3A_13 : memref<632x16xf32, #tpu.memory_space<vmem_shared>>) target_semaphore(%run_scoped3A : memref<!tpu.dma_semaphore, #tpu.memory_space<semaphore_mem>>)
      %dma_wait3A = arith.constant 0 : i32
      %dma_wait3A_14 = tpu.memref_slice %arg8[%mul3A_2, %dma_wait3A] : memref<10112x16xf32, #tpu.memory_space<vmem_shared>> -> memref<632x16xf32, #tpu.memory_space<vmem_shared>>
      tpu.wait_dma2 semaphore(%run_scoped3A : memref<!tpu.dma_semaphore, #tpu.memory_space<semaphore_mem>>) src(%arg4 : memref<632x16xf32, #tpu.memory_space<hbm>>) dst(%dma_wait3A_14 : memref<632x16xf32, #tpu.memory_space<vmem_shared>>)
      tpu.yield
    }) : () -> ()
    "tpu.region"() ({
      %run_scoped3A = tpu.sem_alloc : memref<!tpu.dma_semaphore, #tpu.memory_space<semaphore_mem>>
      tpu.enqueue_dma source(%arg3 : memref<125x16xf32, #tpu.memory_space<hbm>>) target(%arg7 : memref<125x16xf32, #tpu.memory_space<vmem>>) target_semaphore(%run_scoped3A : memref<!tpu.dma_semaphore, #tpu.memory_space<semaphore_mem>>)
      tpu.wait_dma2 semaphore(%run_scoped3A : memref<!tpu.dma_semaphore, #tpu.memory_space<semaphore_mem>>) src(%arg3 : memref<125x16xf32, #tpu.memory_space<hbm>>) dst(%arg7 : memref<125x16xf32, #tpu.memory_space<vmem>>)
      tpu.yield
    }) : () -> ()
    "tpu.region"() ({
      %run_scoped3A = tpu.sem_alloc : memref<!tpu.dma_semaphore, #tpu.memory_space<semaphore_mem>>
      %dma_start3A = arith.constant 0 : i32
      %dma_start3A_13 = arith.constant 0 : i32
      %dma_start3A_14 = tpu.memref_slice %arg2[%add3A, %dma_start3A, %dma_start3A_13] : memref<32x80x125xi32, #tpu.memory_space<hbm>> -> memref<1x80x125xi32, #tpu.memory_space<hbm>>
      %dma_start3A_15 = tpu.memref_squeeze %dma_start3A_14 : memref<1x80x125xi32, #tpu.memory_space<hbm>> -> memref<80x125xi32, #tpu.memory_space<hbm>>
      %dma_start3A_16 = arith.constant 0 : i32
      %dma_start3A_17 = arith.constant 0 : i32
      %dma_start3A_18 = tpu.memref_slice %arg2[%add3A, %dma_start3A_16, %dma_start3A_17] : memref<32x80x125xi32, #tpu.memory_space<hbm>> -> memref<1x80x125xi32, #tpu.memory_space<hbm>>
      %dma_start3A_19 = tpu.memref_squeeze %dma_start3A_18 : memref<1x80x125xi32, #tpu.memory_space<hbm>> -> memref<80x125xi32, #tpu.memory_space<hbm>>
      tpu.enqueue_dma source(%dma_start3A_19 : memref<80x125xi32, #tpu.memory_space<hbm>>) target(%arg6 : memref<80x125xi32, #tpu.memory_space<vmem>>) target_semaphore(%run_scoped3A : memref<!tpu.dma_semaphore, #tpu.memory_space<semaphore_mem>>)
      %dma_wait3A = arith.constant 0 : i32
      %dma_wait3A_20 = arith.constant 0 : i32
      %dma_wait3A_21 = tpu.memref_slice %arg2[%add3A, %dma_wait3A, %dma_wait3A_20] : memref<32x80x125xi32, #tpu.memory_space<hbm>> -> memref<1x80x125xi32, #tpu.memory_space<hbm>>
      %dma_wait3A_22 = tpu.memref_squeeze %dma_wait3A_21 : memref<1x80x125xi32, #tpu.memory_space<hbm>> -> memref<80x125xi32, #tpu.memory_space<hbm>>
      %dma_wait3A_23 = arith.constant 0 : i32
      %dma_wait3A_24 = arith.constant 0 : i32
      %dma_wait3A_25 = tpu.memref_slice %arg2[%add3A, %dma_wait3A_23, %dma_wait3A_24] : memref<32x80x125xi32, #tpu.memory_space<hbm>> -> memref<1x80x125xi32, #tpu.memory_space<hbm>>
      %dma_wait3A_26 = tpu.memref_squeeze %dma_wait3A_25 : memref<1x80x125xi32, #tpu.memory_space<hbm>> -> memref<80x125xi32, #tpu.memory_space<hbm>>
      tpu.wait_dma2 semaphore(%run_scoped3A : memref<!tpu.dma_semaphore, #tpu.memory_space<semaphore_mem>>) src(%dma_wait3A_26 : memref<80x125xi32, #tpu.memory_space<hbm>>) dst(%arg6 : memref<80x125xi32, #tpu.memory_space<vmem>>)
      tpu.yield
    }) : () -> ()
    %barrier3A = arith.constant 0 : index
    tpu.barrier barrier_id(%barrier3A)
    %scan3A = arith.constant 0 : i32
    %scan3A_3 = arith.constant 0 : i32
    %scan3A_4 = arith.constant 10 : i32
    %scan3A_5 = arith.addi %scan3A_3, %scan3A_4 : i32
    %scan3A_6 = arith.constant 1 : i32
    scf.for %scan3A_13 = %scan3A_3 to %scan3A_5 step %scan3A_6  : i32 {
      %mul3A_14 = arith.constant 8 : i32
      %mul3A_15 = arith.muli %mul3A_14, %scan3A_13 : i32
      %add3A_16 = arith.constant 0 : i32
      %add3A_17 = arith.addi %mul3A_15, %add3A_16 : i32
      %dma_start3A = arith.constant 0 : i32
      %dma_start3A_18 = tpu.memref_slice %arg6[%add3A_17, %dma_start3A] : memref<80x125xi32, #tpu.memory_space<vmem>> -> memref<1x125xi32, #tpu.memory_space<vmem>>
      %dma_start3A_19 = tpu.memref_squeeze %dma_start3A_18 : memref<1x125xi32, #tpu.memory_space<vmem>> -> memref<125xi32, #tpu.memory_space<vmem>>
      %dma_start3A_20 = arith.constant 0 : i32
      %dma_start3A_21 = arith.constant 0 : i32
      %dma_start3A_22 = tpu.memref_slice %arg8[%dma_start3A_20, %dma_start3A_21] : memref<10112x16xf32, #tpu.memory_space<vmem_shared>> -> memref<10112x16xf32, #tpu.memory_space<vmem_shared>>
      tpu.enqueue_indirect_dma source(%arg7 : memref<125x16xf32, #tpu.memory_space<vmem>>) target(%dma_start3A_22 : memref<10112x16xf32, #tpu.memory_space<vmem_shared>>) offsets(%dma_start3A_19 : memref<125xi32, #tpu.memory_space<vmem>>) semaphore(%arg9 : memref<!tpu.dma_semaphore, #tpu.memory_space<semaphore_mem>>) {add = true}
      %add3A_23 = arith.constant 1 : i32
      %add3A_24 = arith.addi %mul3A_15, %add3A_23 : i32
      %dma_start3A_25 = arith.constant 0 : i32
      %dma_start3A_26 = tpu.memref_slice %arg6[%add3A_24, %dma_start3A_25] : memref<80x125xi32, #tpu.memory_space<vmem>> -> memref<1x125xi32, #tpu.memory_space<vmem>>
      %dma_start3A_27 = tpu.memref_squeeze %dma_start3A_26 : memref<1x125xi32, #tpu.memory_space<vmem>> -> memref<125xi32, #tpu.memory_space<vmem>>
      %dma_start3A_28 = arith.constant 0 : i32
      %dma_start3A_29 = arith.constant 0 : i32
      %dma_start3A_30 = tpu.memref_slice %arg8[%dma_start3A_28, %dma_start3A_29] : memref<10112x16xf32, #tpu.memory_space<vmem_shared>> -> memref<10112x16xf32, #tpu.memory_space<vmem_shared>>
      tpu.enqueue_indirect_dma source(%arg7 : memref<125x16xf32, #tpu.memory_space<vmem>>) target(%dma_start3A_30 : memref<10112x16xf32, #tpu.memory_space<vmem_shared>>) offsets(%dma_start3A_27 : memref<125xi32, #tpu.memory_space<vmem>>) semaphore(%arg9 : memref<!tpu.dma_semaphore, #tpu.memory_space<semaphore_mem>>) {add = true}
      %add3A_31 = arith.constant 2 : i32
      %add3A_32 = arith.addi %mul3A_15, %add3A_31 : i32
      %dma_start3A_33 = arith.constant 0 : i32
      %dma_start3A_34 = tpu.memref_slice %arg6[%add3A_32, %dma_start3A_33] : memref<80x125xi32, #tpu.memory_space<vmem>> -> memref<1x125xi32, #tpu.memory_space<vmem>>
      %dma_start3A_35 = tpu.memref_squeeze %dma_start3A_34 : memref<1x125xi32, #tpu.memory_space<vmem>> -> memref<125xi32, #tpu.memory_space<vmem>>
      %dma_start3A_36 = arith.constant 0 : i32
      %dma_start3A_37 = arith.constant 0 : i32
      %dma_start3A_38 = tpu.memref_slice %arg8[%dma_start3A_36, %dma_start3A_37] : memref<10112x16xf32, #tpu.memory_space<vmem_shared>> -> memref<10112x16xf32, #tpu.memory_space<vmem_shared>>
      tpu.enqueue_indirect_dma source(%arg7 : memref<125x16xf32, #tpu.memory_space<vmem>>) target(%dma_start3A_38 : memref<10112x16xf32, #tpu.memory_space<vmem_shared>>) offsets(%dma_start3A_35 : memref<125xi32, #tpu.memory_space<vmem>>) semaphore(%arg9 : memref<!tpu.dma_semaphore, #tpu.memory_space<semaphore_mem>>) {add = true}
      %add3A_39 = arith.constant 3 : i32
      %add3A_40 = arith.addi %mul3A_15, %add3A_39 : i32
      %dma_start3A_41 = arith.constant 0 : i32
      %dma_start3A_42 = tpu.memref_slice %arg6[%add3A_40, %dma_start3A_41] : memref<80x125xi32, #tpu.memory_space<vmem>> -> memref<1x125xi32, #tpu.memory_space<vmem>>
      %dma_start3A_43 = tpu.memref_squeeze %dma_start3A_42 : memref<1x125xi32, #tpu.memory_space<vmem>> -> memref<125xi32, #tpu.memory_space<vmem>>
      %dma_start3A_44 = arith.constant 0 : i32
      %dma_start3A_45 = arith.constant 0 : i32
      %dma_start3A_46 = tpu.memref_slice %arg8[%dma_start3A_44, %dma_start3A_45] : memref<10112x16xf32, #tpu.memory_space<vmem_shared>> -> memref<10112x16xf32, #tpu.memory_space<vmem_shared>>
      tpu.enqueue_indirect_dma source(%arg7 : memref<125x16xf32, #tpu.memory_space<vmem>>) target(%dma_start3A_46 : memref<10112x16xf32, #tpu.memory_space<vmem_shared>>) offsets(%dma_start3A_43 : memref<125xi32, #tpu.memory_space<vmem>>) semaphore(%arg9 : memref<!tpu.dma_semaphore, #tpu.memory_space<semaphore_mem>>) {add = true}
      %add3A_47 = arith.constant 4 : i32
      %add3A_48 = arith.addi %mul3A_15, %add3A_47 : i32
      %dma_start3A_49 = arith.constant 0 : i32
      %dma_start3A_50 = tpu.memref_slice %arg6[%add3A_48, %dma_start3A_49] : memref<80x125xi32, #tpu.memory_space<vmem>> -> memref<1x125xi32, #tpu.memory_space<vmem>>
      %dma_start3A_51 = tpu.memref_squeeze %dma_start3A_50 : memref<1x125xi32, #tpu.memory_space<vmem>> -> memref<125xi32, #tpu.memory_space<vmem>>
      %dma_start3A_52 = arith.constant 0 : i32
      %dma_start3A_53 = arith.constant 0 : i32
      %dma_start3A_54 = tpu.memref_slice %arg8[%dma_start3A_52, %dma_start3A_53] : memref<10112x16xf32, #tpu.memory_space<vmem_shared>> -> memref<10112x16xf32, #tpu.memory_space<vmem_shared>>
      tpu.enqueue_indirect_dma source(%arg7 : memref<125x16xf32, #tpu.memory_space<vmem>>) target(%dma_start3A_54 : memref<10112x16xf32, #tpu.memory_space<vmem_shared>>) offsets(%dma_start3A_51 : memref<125xi32, #tpu.memory_space<vmem>>) semaphore(%arg9 : memref<!tpu.dma_semaphore, #tpu.memory_space<semaphore_mem>>) {add = true}
      %add3A_55 = arith.constant 5 : i32
      %add3A_56 = arith.addi %mul3A_15, %add3A_55 : i32
      %dma_start3A_57 = arith.constant 0 : i32
      %dma_start3A_58 = tpu.memref_slice %arg6[%add3A_56, %dma_start3A_57] : memref<80x125xi32, #tpu.memory_space<vmem>> -> memref<1x125xi32, #tpu.memory_space<vmem>>
      %dma_start3A_59 = tpu.memref_squeeze %dma_start3A_58 : memref<1x125xi32, #tpu.memory_space<vmem>> -> memref<125xi32, #tpu.memory_space<vmem>>
      %dma_start3A_60 = arith.constant 0 : i32
      %dma_start3A_61 = arith.constant 0 : i32
      %dma_start3A_62 = tpu.memref_slice %arg8[%dma_start3A_60, %dma_start3A_61] : memref<10112x16xf32, #tpu.memory_space<vmem_shared>> -> memref<10112x16xf32, #tpu.memory_space<vmem_shared>>
      tpu.enqueue_indirect_dma source(%arg7 : memref<125x16xf32, #tpu.memory_space<vmem>>) target(%dma_start3A_62 : memref<10112x16xf32, #tpu.memory_space<vmem_shared>>) offsets(%dma_start3A_59 : memref<125xi32, #tpu.memory_space<vmem>>) semaphore(%arg9 : memref<!tpu.dma_semaphore, #tpu.memory_space<semaphore_mem>>) {add = true}
      %add3A_63 = arith.constant 6 : i32
      %add3A_64 = arith.addi %mul3A_15, %add3A_63 : i32
      %dma_start3A_65 = arith.constant 0 : i32
      %dma_start3A_66 = tpu.memref_slice %arg6[%add3A_64, %dma_start3A_65] : memref<80x125xi32, #tpu.memory_space<vmem>> -> memref<1x125xi32, #tpu.memory_space<vmem>>
      %dma_start3A_67 = tpu.memref_squeeze %dma_start3A_66 : memref<1x125xi32, #tpu.memory_space<vmem>> -> memref<125xi32, #tpu.memory_space<vmem>>
      %dma_start3A_68 = arith.constant 0 : i32
      %dma_start3A_69 = arith.constant 0 : i32
      %dma_start3A_70 = tpu.memref_slice %arg8[%dma_start3A_68, %dma_start3A_69] : memref<10112x16xf32, #tpu.memory_space<vmem_shared>> -> memref<10112x16xf32, #tpu.memory_space<vmem_shared>>
      tpu.enqueue_indirect_dma source(%arg7 : memref<125x16xf32, #tpu.memory_space<vmem>>) target(%dma_start3A_70 : memref<10112x16xf32, #tpu.memory_space<vmem_shared>>) offsets(%dma_start3A_67 : memref<125xi32, #tpu.memory_space<vmem>>) semaphore(%arg9 : memref<!tpu.dma_semaphore, #tpu.memory_space<semaphore_mem>>) {add = true}
      %add3A_71 = arith.constant 7 : i32
      %add3A_72 = arith.addi %mul3A_15, %add3A_71 : i32
      %dma_start3A_73 = arith.constant 0 : i32
      %dma_start3A_74 = tpu.memref_slice %arg6[%add3A_72, %dma_start3A_73] : memref<80x125xi32, #tpu.memory_space<vmem>> -> memref<1x125xi32, #tpu.memory_space<vmem>>
      %dma_start3A_75 = tpu.memref_squeeze %dma_start3A_74 : memref<1x125xi32, #tpu.memory_space<vmem>> -> memref<125xi32, #tpu.memory_space<vmem>>
      %dma_start3A_76 = arith.constant 0 : i32
      %dma_start3A_77 = arith.constant 0 : i32
      %dma_start3A_78 = tpu.memref_slice %arg8[%dma_start3A_76, %dma_start3A_77] : memref<10112x16xf32, #tpu.memory_space<vmem_shared>> -> memref<10112x16xf32, #tpu.memory_space<vmem_shared>>
      tpu.enqueue_indirect_dma source(%arg7 : memref<125x16xf32, #tpu.memory_space<vmem>>) target(%dma_start3A_78 : memref<10112x16xf32, #tpu.memory_space<vmem_shared>>) offsets(%dma_start3A_75 : memref<125xi32, #tpu.memory_space<vmem>>) semaphore(%arg9 : memref<!tpu.dma_semaphore, #tpu.memory_space<semaphore_mem>>) {add = true}
      %add3A_79 = arith.constant 0 : i32
      %add3A_80 = arith.addi %mul3A_15, %add3A_79 : i32
      %dma_wait3A = arith.constant 0 : i32
      %dma_wait3A_81 = tpu.memref_slice %arg6[%add3A_80, %dma_wait3A] : memref<80x125xi32, #tpu.memory_space<vmem>> -> memref<1x125xi32, #tpu.memory_space<vmem>>
      %dma_wait3A_82 = tpu.memref_squeeze %dma_wait3A_81 : memref<1x125xi32, #tpu.memory_space<vmem>> -> memref<125xi32, #tpu.memory_space<vmem>>
      %dma_wait3A_83 = arith.constant 0 : i32
      %dma_wait3A_84 = arith.constant 0 : i32
      %dma_wait3A_85 = tpu.memref_slice %arg8[%dma_wait3A_83, %dma_wait3A_84] : memref<10112x16xf32, #tpu.memory_space<vmem_shared>> -> memref<10112x16xf32, #tpu.memory_space<vmem_shared>>
      tpu.wait_indirect_dma semaphore(%arg9 : memref<!tpu.dma_semaphore, #tpu.memory_space<semaphore_mem>>) src(%arg7 : memref<125x16xf32, #tpu.memory_space<vmem>>) dst(%dma_wait3A_85 : memref<10112x16xf32, #tpu.memory_space<vmem_shared>>)
      %add3A_86 = arith.constant 1 : i32
      %add3A_87 = arith.addi %mul3A_15, %add3A_86 : i32
      %dma_wait3A_88 = arith.constant 0 : i32
      %dma_wait3A_89 = tpu.memref_slice %arg6[%add3A_87, %dma_wait3A_88] : memref<80x125xi32, #tpu.memory_space<vmem>> -> memref<1x125xi32, #tpu.memory_space<vmem>>
      %dma_wait3A_90 = tpu.memref_squeeze %dma_wait3A_89 : memref<1x125xi32, #tpu.memory_space<vmem>> -> memref<125xi32, #tpu.memory_space<vmem>>
      %dma_wait3A_91 = arith.constant 0 : i32
      %dma_wait3A_92 = arith.constant 0 : i32
      %dma_wait3A_93 = tpu.memref_slice %arg8[%dma_wait3A_91, %dma_wait3A_92] : memref<10112x16xf32, #tpu.memory_space<vmem_shared>> -> memref<10112x16xf32, #tpu.memory_space<vmem_shared>>
      tpu.wait_indirect_dma semaphore(%arg9 : memref<!tpu.dma_semaphore, #tpu.memory_space<semaphore_mem>>) src(%arg7 : memref<125x16xf32, #tpu.memory_space<vmem>>) dst(%dma_wait3A_93 : memref<10112x16xf32, #tpu.memory_space<vmem_shared>>)
      %add3A_94 = arith.constant 2 : i32
      %add3A_95 = arith.addi %mul3A_15, %add3A_94 : i32
      %dma_wait3A_96 = arith.constant 0 : i32
      %dma_wait3A_97 = tpu.memref_slice %arg6[%add3A_95, %dma_wait3A_96] : memref<80x125xi32, #tpu.memory_space<vmem>> -> memref<1x125xi32, #tpu.memory_space<vmem>>
      %dma_wait3A_98 = tpu.memref_squeeze %dma_wait3A_97 : memref<1x125xi32, #tpu.memory_space<vmem>> -> memref<125xi32, #tpu.memory_space<vmem>>
      %dma_wait3A_99 = arith.constant 0 : i32
      %dma_wait3A_100 = arith.constant 0 : i32
      %dma_wait3A_101 = tpu.memref_slice %arg8[%dma_wait3A_99, %dma_wait3A_100] : memref<10112x16xf32, #tpu.memory_space<vmem_shared>> -> memref<10112x16xf32, #tpu.memory_space<vmem_shared>>
      tpu.wait_indirect_dma semaphore(%arg9 : memref<!tpu.dma_semaphore, #tpu.memory_space<semaphore_mem>>) src(%arg7 : memref<125x16xf32, #tpu.memory_space<vmem>>) dst(%dma_wait3A_101 : memref<10112x16xf32, #tpu.memory_space<vmem_shared>>)
      %add3A_102 = arith.constant 3 : i32
      %add3A_103 = arith.addi %mul3A_15, %add3A_102 : i32
      %dma_wait3A_104 = arith.constant 0 : i32
      %dma_wait3A_105 = tpu.memref_slice %arg6[%add3A_103, %dma_wait3A_104] : memref<80x125xi32, #tpu.memory_space<vmem>> -> memref<1x125xi32, #tpu.memory_space<vmem>>
      %dma_wait3A_106 = tpu.memref_squeeze %dma_wait3A_105 : memref<1x125xi32, #tpu.memory_space<vmem>> -> memref<125xi32, #tpu.memory_space<vmem>>
      %dma_wait3A_107 = arith.constant 0 : i32
      %dma_wait3A_108 = arith.constant 0 : i32
      %dma_wait3A_109 = tpu.memref_slice %arg8[%dma_wait3A_107, %dma_wait3A_108] : memref<10112x16xf32, #tpu.memory_space<vmem_shared>> -> memref<10112x16xf32, #tpu.memory_space<vmem_shared>>
      tpu.wait_indirect_dma semaphore(%arg9 : memref<!tpu.dma_semaphore, #tpu.memory_space<semaphore_mem>>) src(%arg7 : memref<125x16xf32, #tpu.memory_space<vmem>>) dst(%dma_wait3A_109 : memref<10112x16xf32, #tpu.memory_space<vmem_shared>>)
      %add3A_110 = arith.constant 4 : i32
      %add3A_111 = arith.addi %mul3A_15, %add3A_110 : i32
      %dma_wait3A_112 = arith.constant 0 : i32
      %dma_wait3A_113 = tpu.memref_slice %arg6[%add3A_111, %dma_wait3A_112] : memref<80x125xi32, #tpu.memory_space<vmem>> -> memref<1x125xi32, #tpu.memory_space<vmem>>
      %dma_wait3A_114 = tpu.memref_squeeze %dma_wait3A_113 : memref<1x125xi32, #tpu.memory_space<vmem>> -> memref<125xi32, #tpu.memory_space<vmem>>
      %dma_wait3A_115 = arith.constant 0 : i32
      %dma_wait3A_116 = arith.constant 0 : i32
      %dma_wait3A_117 = tpu.memref_slice %arg8[%dma_wait3A_115, %dma_wait3A_116] : memref<10112x16xf32, #tpu.memory_space<vmem_shared>> -> memref<10112x16xf32, #tpu.memory_space<vmem_shared>>
      tpu.wait_indirect_dma semaphore(%arg9 : memref<!tpu.dma_semaphore, #tpu.memory_space<semaphore_mem>>) src(%arg7 : memref<125x16xf32, #tpu.memory_space<vmem>>) dst(%dma_wait3A_117 : memref<10112x16xf32, #tpu.memory_space<vmem_shared>>)
      %add3A_118 = arith.constant 5 : i32
      %add3A_119 = arith.addi %mul3A_15, %add3A_118 : i32
      %dma_wait3A_120 = arith.constant 0 : i32
      %dma_wait3A_121 = tpu.memref_slice %arg6[%add3A_119, %dma_wait3A_120] : memref<80x125xi32, #tpu.memory_space<vmem>> -> memref<1x125xi32, #tpu.memory_space<vmem>>
      %dma_wait3A_122 = tpu.memref_squeeze %dma_wait3A_121 : memref<1x125xi32, #tpu.memory_space<vmem>> -> memref<125xi32, #tpu.memory_space<vmem>>
      %dma_wait3A_123 = arith.constant 0 : i32
      %dma_wait3A_124 = arith.constant 0 : i32
      %dma_wait3A_125 = tpu.memref_slice %arg8[%dma_wait3A_123, %dma_wait3A_124] : memref<10112x16xf32, #tpu.memory_space<vmem_shared>> -> memref<10112x16xf32, #tpu.memory_space<vmem_shared>>
      tpu.wait_indirect_dma semaphore(%arg9 : memref<!tpu.dma_semaphore, #tpu.memory_space<semaphore_mem>>) src(%arg7 : memref<125x16xf32, #tpu.memory_space<vmem>>) dst(%dma_wait3A_125 : memref<10112x16xf32, #tpu.memory_space<vmem_shared>>)
      %add3A_126 = arith.constant 6 : i32
      %add3A_127 = arith.addi %mul3A_15, %add3A_126 : i32
      %dma_wait3A_128 = arith.constant 0 : i32
      %dma_wait3A_129 = tpu.memref_slice %arg6[%add3A_127, %dma_wait3A_128] : memref<80x125xi32, #tpu.memory_space<vmem>> -> memref<1x125xi32, #tpu.memory_space<vmem>>
      %dma_wait3A_130 = tpu.memref_squeeze %dma_wait3A_129 : memref<1x125xi32, #tpu.memory_space<vmem>> -> memref<125xi32, #tpu.memory_space<vmem>>
      %dma_wait3A_131 = arith.constant 0 : i32
      %dma_wait3A_132 = arith.constant 0 : i32
      %dma_wait3A_133 = tpu.memref_slice %arg8[%dma_wait3A_131, %dma_wait3A_132] : memref<10112x16xf32, #tpu.memory_space<vmem_shared>> -> memref<10112x16xf32, #tpu.memory_space<vmem_shared>>
      tpu.wait_indirect_dma semaphore(%arg9 : memref<!tpu.dma_semaphore, #tpu.memory_space<semaphore_mem>>) src(%arg7 : memref<125x16xf32, #tpu.memory_space<vmem>>) dst(%dma_wait3A_133 : memref<10112x16xf32, #tpu.memory_space<vmem_shared>>)
      %add3A_134 = arith.constant 7 : i32
      %add3A_135 = arith.addi %mul3A_15, %add3A_134 : i32
      %dma_wait3A_136 = arith.constant 0 : i32
      %dma_wait3A_137 = tpu.memref_slice %arg6[%add3A_135, %dma_wait3A_136] : memref<80x125xi32, #tpu.memory_space<vmem>> -> memref<1x125xi32, #tpu.memory_space<vmem>>
      %dma_wait3A_138 = tpu.memref_squeeze %dma_wait3A_137 : memref<1x125xi32, #tpu.memory_space<vmem>> -> memref<125xi32, #tpu.memory_space<vmem>>
      %dma_wait3A_139 = arith.constant 0 : i32
      %dma_wait3A_140 = arith.constant 0 : i32
      %dma_wait3A_141 = tpu.memref_slice %arg8[%dma_wait3A_139, %dma_wait3A_140] : memref<10112x16xf32, #tpu.memory_space<vmem_shared>> -> memref<10112x16xf32, #tpu.memory_space<vmem_shared>>
      tpu.wait_indirect_dma semaphore(%arg9 : memref<!tpu.dma_semaphore, #tpu.memory_space<semaphore_mem>>) src(%arg7 : memref<125x16xf32, #tpu.memory_space<vmem>>) dst(%dma_wait3A_141 : memref<10112x16xf32, #tpu.memory_space<vmem_shared>>)
    }
    %scan3A_7 = arith.constant 10 : i32
    %barrier3A_8 = arith.constant 0 : index
    tpu.barrier barrier_id(%barrier3A_8)
    %mul3A_9 = arith.constant 632 : i32
    %mul3A_10 = arith.muli %arg1, %mul3A_9 : i32
    %mul3A_11 = arith.constant 632 : i32
    %mul3A_12 = arith.muli %arg1, %mul3A_11 : i32
    "tpu.region"() ({
      %run_scoped3A = tpu.sem_alloc : memref<!tpu.dma_semaphore, #tpu.memory_space<semaphore_mem>>
      %dma_start3A = arith.constant 0 : i32
      %dma_start3A_13 = tpu.memref_slice %arg5[%arg0, %mul3A_12, %dma_start3A] : memref<2x10112x16xf32, #tpu.memory_space<hbm>> -> memref<1x632x16xf32, #tpu.memory_space<hbm>>
      %dma_start3A_14 = tpu.memref_squeeze %dma_start3A_13 : memref<1x632x16xf32, #tpu.memory_space<hbm>> -> memref<632x16xf32, #tpu.memory_space<hbm>>
      %dma_start3A_15 = arith.constant 0 : i32
      %dma_start3A_16 = tpu.memref_slice %arg8[%mul3A_10, %dma_start3A_15] : memref<10112x16xf32, #tpu.memory_space<vmem_shared>> -> memref<632x16xf32, #tpu.memory_space<vmem_shared>>
      tpu.enqueue_dma source(%dma_start3A_16 : memref<632x16xf32, #tpu.memory_space<vmem_shared>>) target(%dma_start3A_14 : memref<632x16xf32, #tpu.memory_space<hbm>>) target_semaphore(%run_scoped3A : memref<!tpu.dma_semaphore, #tpu.memory_space<semaphore_mem>>)
      %dma_wait3A = arith.constant 0 : i32
      %dma_wait3A_17 = tpu.memref_slice %arg5[%arg0, %mul3A_12, %dma_wait3A] : memref<2x10112x16xf32, #tpu.memory_space<hbm>> -> memref<1x632x16xf32, #tpu.memory_space<hbm>>
      %dma_wait3A_18 = tpu.memref_squeeze %dma_wait3A_17 : memref<1x632x16xf32, #tpu.memory_space<hbm>> -> memref<632x16xf32, #tpu.memory_space<hbm>>
      %dma_wait3A_19 = arith.constant 0 : i32
      %dma_wait3A_20 = tpu.memref_slice %arg8[%mul3A_10, %dma_wait3A_19] : memref<10112x16xf32, #tpu.memory_space<vmem_shared>> -> memref<632x16xf32, #tpu.memory_space<vmem_shared>>
      tpu.wait_dma2 semaphore(%run_scoped3A : memref<!tpu.dma_semaphore, #tpu.memory_space<semaphore_mem>>) src(%dma_wait3A_20 : memref<632x16xf32, #tpu.memory_space<vmem_shared>>) dst(%dma_wait3A_18 : memref<632x16xf32, #tpu.memory_space<hbm>>)
      tpu.yield
    }) : () -> ()
    return
  }
}

#map = affine_map<(d0, d1) -> (0, 0)>
#map1 = affine_map<(d0, d1) -> (0, 0, 0)>
module attributes {stable_mosaic.version = 14 : i64} {
  func.func @_scat_body(%arg0: i32, %arg1: i32, %arg2: memref<10000x128xf32, #tpu.memory_space<hbm>>, %arg3: memref<32x80x125xi32, #tpu.memory_space<hbm>>, %arg4: memref<32x80x125xi32, #tpu.memory_space<hbm>>, %arg5: memref<632x128xf32, #tpu.memory_space<hbm>>, %arg6: memref<2x10112x128xf32, #tpu.memory_space<hbm>>, %arg7: memref<40x125xi32, #tpu.memory_space<vmem>>, %arg8: memref<40x125xi32, #tpu.memory_space<vmem>>, %arg9: memref<125x128xf32, #tpu.memory_space<vmem>>, %arg10: memref<125x128xf32, #tpu.memory_space<vmem>>, %arg11: memref<10112x128xf32, #tpu.memory_space<vmem_shared>>, %arg12: memref<!tpu.dma_semaphore, #tpu.memory_space<semaphore_mem>>, %arg13: memref<!tpu.dma_semaphore, #tpu.memory_space<semaphore_mem>>) attributes {dimension_semantics = [#tpu.dimension_semantics<core_parallel>, #tpu.dimension_semantics<subcore_parallel>], iteration_bounds = array<i64: 2, 16>, scalar_prefetch = 0 : i64, scratch_operands = 7 : i64, tpu.core_type = #tpu.core_type<sc_vector_subcore>, window_params = [{transform_indices = #map}, {transform_indices = #map1}, {transform_indices = #map1}, {transform_indices = #map}, {transform_indices = #map1}]} {
    %mul3A = arith.constant 16 : i32
    %mul3A_0 = arith.muli %arg0, %mul3A : i32
    %add3A = arith.addi %mul3A_0, %arg1 : i32
    %mul3A_1 = arith.constant 632 : i32
    %mul3A_2 = arith.muli %arg1, %mul3A_1 : i32
    "tpu.region"() ({
      %run_scoped3A_76 = tpu.sem_alloc : memref<!tpu.dma_semaphore, #tpu.memory_space<semaphore_mem>>
      %dma_start3A_77 = arith.constant 0 : i32
      %dma_start3A_78 = tpu.memref_slice %arg11[%mul3A_2, %dma_start3A_77] : memref<10112x128xf32, #tpu.memory_space<vmem_shared>> -> memref<632x128xf32, #tpu.memory_space<vmem_shared>>
      tpu.enqueue_dma source(%arg5 : memref<632x128xf32, #tpu.memory_space<hbm>>) target(%dma_start3A_78 : memref<632x128xf32, #tpu.memory_space<vmem_shared>>) target_semaphore(%run_scoped3A_76 : memref<!tpu.dma_semaphore, #tpu.memory_space<semaphore_mem>>)
      %dma_wait3A_79 = arith.constant 0 : i32
      %dma_wait3A_80 = tpu.memref_slice %arg11[%mul3A_2, %dma_wait3A_79] : memref<10112x128xf32, #tpu.memory_space<vmem_shared>> -> memref<632x128xf32, #tpu.memory_space<vmem_shared>>
      tpu.wait_dma2 semaphore(%run_scoped3A_76 : memref<!tpu.dma_semaphore, #tpu.memory_space<semaphore_mem>>) src(%arg5 : memref<632x128xf32, #tpu.memory_space<hbm>>) dst(%dma_wait3A_80 : memref<632x128xf32, #tpu.memory_space<vmem_shared>>)
      tpu.yield
    }) : () -> ()
    %barrier3A = arith.constant 0 : index
    tpu.barrier barrier_id(%barrier3A)
    "tpu.region"() ({
      %run_scoped3A_76 = tpu.sem_alloc : memref<!tpu.dma_semaphore, #tpu.memory_space<semaphore_mem>>
      %dma_start3A_77 = arith.constant 0 : i32
      %dma_start3A_78 = arith.constant 0 : i32
      %dma_start3A_79 = tpu.memref_slice %arg3[%add3A, %dma_start3A_77, %dma_start3A_78] : memref<32x80x125xi32, #tpu.memory_space<hbm>> -> memref<1x40x125xi32, #tpu.memory_space<hbm>>
      %dma_start3A_80 = tpu.memref_squeeze %dma_start3A_79 : memref<1x40x125xi32, #tpu.memory_space<hbm>> -> memref<40x125xi32, #tpu.memory_space<hbm>>
      %dma_start3A_81 = arith.constant 0 : i32
      %dma_start3A_82 = arith.constant 0 : i32
      %dma_start3A_83 = tpu.memref_slice %arg3[%add3A, %dma_start3A_81, %dma_start3A_82] : memref<32x80x125xi32, #tpu.memory_space<hbm>> -> memref<1x40x125xi32, #tpu.memory_space<hbm>>
      %dma_start3A_84 = tpu.memref_squeeze %dma_start3A_83 : memref<1x40x125xi32, #tpu.memory_space<hbm>> -> memref<40x125xi32, #tpu.memory_space<hbm>>
      tpu.enqueue_dma source(%dma_start3A_84 : memref<40x125xi32, #tpu.memory_space<hbm>>) target(%arg7 : memref<40x125xi32, #tpu.memory_space<vmem>>) target_semaphore(%run_scoped3A_76 : memref<!tpu.dma_semaphore, #tpu.memory_space<semaphore_mem>>)
      %dma_wait3A_85 = arith.constant 0 : i32
      %dma_wait3A_86 = arith.constant 0 : i32
      %dma_wait3A_87 = tpu.memref_slice %arg3[%add3A, %dma_wait3A_85, %dma_wait3A_86] : memref<32x80x125xi32, #tpu.memory_space<hbm>> -> memref<1x40x125xi32, #tpu.memory_space<hbm>>
      %dma_wait3A_88 = tpu.memref_squeeze %dma_wait3A_87 : memref<1x40x125xi32, #tpu.memory_space<hbm>> -> memref<40x125xi32, #tpu.memory_space<hbm>>
      %dma_wait3A_89 = arith.constant 0 : i32
      %dma_wait3A_90 = arith.constant 0 : i32
      %dma_wait3A_91 = tpu.memref_slice %arg3[%add3A, %dma_wait3A_89, %dma_wait3A_90] : memref<32x80x125xi32, #tpu.memory_space<hbm>> -> memref<1x40x125xi32, #tpu.memory_space<hbm>>
      %dma_wait3A_92 = tpu.memref_squeeze %dma_wait3A_91 : memref<1x40x125xi32, #tpu.memory_space<hbm>> -> memref<40x125xi32, #tpu.memory_space<hbm>>
      tpu.wait_dma2 semaphore(%run_scoped3A_76 : memref<!tpu.dma_semaphore, #tpu.memory_space<semaphore_mem>>) src(%dma_wait3A_92 : memref<40x125xi32, #tpu.memory_space<hbm>>) dst(%arg7 : memref<40x125xi32, #tpu.memory_space<vmem>>)
      tpu.yield
    }) : () -> ()
    "tpu.region"() ({
      %run_scoped3A_76 = tpu.sem_alloc : memref<!tpu.dma_semaphore, #tpu.memory_space<semaphore_mem>>
      %dma_start3A_77 = arith.constant 0 : i32
      %dma_start3A_78 = arith.constant 0 : i32
      %dma_start3A_79 = tpu.memref_slice %arg4[%add3A, %dma_start3A_77, %dma_start3A_78] : memref<32x80x125xi32, #tpu.memory_space<hbm>> -> memref<1x40x125xi32, #tpu.memory_space<hbm>>
      %dma_start3A_80 = tpu.memref_squeeze %dma_start3A_79 : memref<1x40x125xi32, #tpu.memory_space<hbm>> -> memref<40x125xi32, #tpu.memory_space<hbm>>
      %dma_start3A_81 = arith.constant 0 : i32
      %dma_start3A_82 = arith.constant 0 : i32
      %dma_start3A_83 = tpu.memref_slice %arg4[%add3A, %dma_start3A_81, %dma_start3A_82] : memref<32x80x125xi32, #tpu.memory_space<hbm>> -> memref<1x40x125xi32, #tpu.memory_space<hbm>>
      %dma_start3A_84 = tpu.memref_squeeze %dma_start3A_83 : memref<1x40x125xi32, #tpu.memory_space<hbm>> -> memref<40x125xi32, #tpu.memory_space<hbm>>
      tpu.enqueue_dma source(%dma_start3A_84 : memref<40x125xi32, #tpu.memory_space<hbm>>) target(%arg8 : memref<40x125xi32, #tpu.memory_space<vmem>>) target_semaphore(%run_scoped3A_76 : memref<!tpu.dma_semaphore, #tpu.memory_space<semaphore_mem>>)
      %dma_wait3A_85 = arith.constant 0 : i32
      %dma_wait3A_86 = arith.constant 0 : i32
      %dma_wait3A_87 = tpu.memref_slice %arg4[%add3A, %dma_wait3A_85, %dma_wait3A_86] : memref<32x80x125xi32, #tpu.memory_space<hbm>> -> memref<1x40x125xi32, #tpu.memory_space<hbm>>
      %dma_wait3A_88 = tpu.memref_squeeze %dma_wait3A_87 : memref<1x40x125xi32, #tpu.memory_space<hbm>> -> memref<40x125xi32, #tpu.memory_space<hbm>>
      %dma_wait3A_89 = arith.constant 0 : i32
      %dma_wait3A_90 = arith.constant 0 : i32
      %dma_wait3A_91 = tpu.memref_slice %arg4[%add3A, %dma_wait3A_89, %dma_wait3A_90] : memref<32x80x125xi32, #tpu.memory_space<hbm>> -> memref<1x40x125xi32, #tpu.memory_space<hbm>>
      %dma_wait3A_92 = tpu.memref_squeeze %dma_wait3A_91 : memref<1x40x125xi32, #tpu.memory_space<hbm>> -> memref<40x125xi32, #tpu.memory_space<hbm>>
      tpu.wait_dma2 semaphore(%run_scoped3A_76 : memref<!tpu.dma_semaphore, #tpu.memory_space<semaphore_mem>>) src(%dma_wait3A_92 : memref<40x125xi32, #tpu.memory_space<hbm>>) dst(%arg8 : memref<40x125xi32, #tpu.memory_space<vmem>>)
      tpu.yield
    }) : () -> ()
    %dma_start3A = arith.constant 0 : i32
    %dma_start3A_3 = arith.constant 0 : i32
    %dma_start3A_4 = tpu.memref_slice %arg7[%dma_start3A, %dma_start3A_3] : memref<40x125xi32, #tpu.memory_space<vmem>> -> memref<1x125xi32, #tpu.memory_space<vmem>>
    %dma_start3A_5 = tpu.memref_squeeze %dma_start3A_4 : memref<1x125xi32, #tpu.memory_space<vmem>> -> memref<125xi32, #tpu.memory_space<vmem>>
    %dma_start3A_6 = arith.constant 0 : i32
    %dma_start3A_7 = arith.constant 0 : i32
    %dma_start3A_8 = tpu.memref_slice %arg2[%dma_start3A_6, %dma_start3A_7] : memref<10000x128xf32, #tpu.memory_space<hbm>> -> memref<10000x128xf32, #tpu.memory_space<hbm>>
    tpu.enqueue_indirect_dma source(%dma_start3A_8 : memref<10000x128xf32, #tpu.memory_space<hbm>>) target(%arg9 : memref<125x128xf32, #tpu.memory_space<vmem>>) offsets(%dma_start3A_5 : memref<125xi32, #tpu.memory_space<vmem>>) semaphore(%arg12 : memref<!tpu.dma_semaphore, #tpu.memory_space<semaphore_mem>>)
    %dma_start3A_9 = arith.constant 1 : i32
    %dma_start3A_10 = arith.constant 0 : i32
    %dma_start3A_11 = tpu.memref_slice %arg7[%dma_start3A_9, %dma_start3A_10] : memref<40x125xi32, #tpu.memory_space<vmem>> -> memref<1x125xi32, #tpu.memory_space<vmem>>
    %dma_start3A_12 = tpu.memref_squeeze %dma_start3A_11 : memref<1x125xi32, #tpu.memory_space<vmem>> -> memref<125xi32, #tpu.memory_space<vmem>>
    %dma_start3A_13 = arith.constant 0 : i32
    %dma_start3A_14 = arith.constant 0 : i32
    %dma_start3A_15 = tpu.memref_slice %arg2[%dma_start3A_13, %dma_start3A_14] : memref<10000x128xf32, #tpu.memory_space<hbm>> -> memref<10000x128xf32, #tpu.memory_space<hbm>>
    tpu.enqueue_indirect_dma source(%dma_start3A_15 : memref<10000x128xf32, #tpu.memory_space<hbm>>) target(%arg10 : memref<125x128xf32, #tpu.memory_space<vmem>>) offsets(%dma_start3A_12 : memref<125xi32, #tpu.memory_space<vmem>>) semaphore(%arg13 : memref<!tpu.dma_semaphore, #tpu.memory_space<semaphore_mem>>)
    %scan3A = arith.constant 0 : i32
    %scan3A_16 = arith.constant 0 : i32
    %scan3A_17 = arith.constant 19 : i32
    %scan3A_18 = arith.addi %scan3A_16, %scan3A_17 : i32
    %scan3A_19 = arith.constant 1 : i32
    scf.for %scan3A_76 = %scan3A_16 to %scan3A_18 step %scan3A_19  : i32 {
      %mul3A_77 = arith.constant 2 : i32
      %mul3A_78 = arith.muli %mul3A_77, %scan3A_76 : i32
      %dma_wait3A_79 = arith.constant 0 : i32
      %dma_wait3A_80 = tpu.memref_slice %arg7[%mul3A_78, %dma_wait3A_79] : memref<40x125xi32, #tpu.memory_space<vmem>> -> memref<1x125xi32, #tpu.memory_space<vmem>>
      %dma_wait3A_81 = tpu.memref_squeeze %dma_wait3A_80 : memref<1x125xi32, #tpu.memory_space<vmem>> -> memref<125xi32, #tpu.memory_space<vmem>>
      %dma_wait3A_82 = arith.constant 0 : i32
      %dma_wait3A_83 = arith.constant 0 : i32
      %dma_wait3A_84 = tpu.memref_slice %arg2[%dma_wait3A_82, %dma_wait3A_83] : memref<10000x128xf32, #tpu.memory_space<hbm>> -> memref<10000x128xf32, #tpu.memory_space<hbm>>
      tpu.wait_indirect_dma semaphore(%arg12 : memref<!tpu.dma_semaphore, #tpu.memory_space<semaphore_mem>>) src(%dma_wait3A_84 : memref<10000x128xf32, #tpu.memory_space<hbm>>) dst(%arg9 : memref<125x128xf32, #tpu.memory_space<vmem>>)
      "tpu.region"() ({
        %run_scoped3A_111 = tpu.sem_alloc : memref<!tpu.dma_semaphore, #tpu.memory_space<semaphore_mem>>
        %dma_start3A_112 = arith.constant 0 : i32
        %dma_start3A_113 = tpu.memref_slice %arg8[%mul3A_78, %dma_start3A_112] : memref<40x125xi32, #tpu.memory_space<vmem>> -> memref<1x125xi32, #tpu.memory_space<vmem>>
        %dma_start3A_114 = tpu.memref_squeeze %dma_start3A_113 : memref<1x125xi32, #tpu.memory_space<vmem>> -> memref<125xi32, #tpu.memory_space<vmem>>
        %dma_start3A_115 = arith.constant 0 : i32
        %dma_start3A_116 = arith.constant 0 : i32
        %dma_start3A_117 = tpu.memref_slice %arg11[%dma_start3A_115, %dma_start3A_116] : memref<10112x128xf32, #tpu.memory_space<vmem_shared>> -> memref<10112x128xf32, #tpu.memory_space<vmem_shared>>
        tpu.enqueue_indirect_dma source(%arg9 : memref<125x128xf32, #tpu.memory_space<vmem>>) target(%dma_start3A_117 : memref<10112x128xf32, #tpu.memory_space<vmem_shared>>) offsets(%dma_start3A_114 : memref<125xi32, #tpu.memory_space<vmem>>) semaphore(%run_scoped3A_111 : memref<!tpu.dma_semaphore, #tpu.memory_space<semaphore_mem>>) {add = true}
        %dma_wait3A_118 = arith.constant 0 : i32
        %dma_wait3A_119 = tpu.memref_slice %arg8[%mul3A_78, %dma_wait3A_118] : memref<40x125xi32, #tpu.memory_space<vmem>> -> memref<1x125xi32, #tpu.memory_space<vmem>>
        %dma_wait3A_120 = tpu.memref_squeeze %dma_wait3A_119 : memref<1x125xi32, #tpu.memory_space<vmem>> -> memref<125xi32, #tpu.memory_space<vmem>>
        %dma_wait3A_121 = arith.constant 0 : i32
        %dma_wait3A_122 = arith.constant 0 : i32
        %dma_wait3A_123 = tpu.memref_slice %arg11[%dma_wait3A_121, %dma_wait3A_122] : memref<10112x128xf32, #tpu.memory_space<vmem_shared>> -> memref<10112x128xf32, #tpu.memory_space<vmem_shared>>
        tpu.wait_indirect_dma semaphore(%run_scoped3A_111 : memref<!tpu.dma_semaphore, #tpu.memory_space<semaphore_mem>>) src(%arg9 : memref<125x128xf32, #tpu.memory_space<vmem>>) dst(%dma_wait3A_123 : memref<10112x128xf32, #tpu.memory_space<vmem_shared>>)
        tpu.yield
      }) : () -> ()
      %add3A_85 = arith.constant 2 : i32
      %add3A_86 = arith.addi %mul3A_78, %add3A_85 : i32
      %dma_start3A_87 = arith.constant 0 : i32
      %dma_start3A_88 = tpu.memref_slice %arg7[%add3A_86, %dma_start3A_87] : memref<40x125xi32, #tpu.memory_space<vmem>> -> memref<1x125xi32, #tpu.memory_space<vmem>>
      %dma_start3A_89 = tpu.memref_squeeze %dma_start3A_88 : memref<1x125xi32, #tpu.memory_space<vmem>> -> memref<125xi32, #tpu.memory_space<vmem>>
      %dma_start3A_90 = arith.constant 0 : i32
      %dma_start3A_91 = arith.constant 0 : i32
      %dma_start3A_92 = tpu.memref_slice %arg2[%dma_start3A_90, %dma_start3A_91] : memref<10000x128xf32, #tpu.memory_space<hbm>> -> memref<10000x128xf32, #tpu.memory_space<hbm>>
      tpu.enqueue_indirect_dma source(%dma_start3A_92 : memref<10000x128xf32, #tpu.memory_space<hbm>>) target(%arg9 : memref<125x128xf32, #tpu.memory_space<vmem>>) offsets(%dma_start3A_89 : memref<125xi32, #tpu.memory_space<vmem>>) semaphore(%arg12 : memref<!tpu.dma_semaphore, #tpu.memory_space<semaphore_mem>>)
      %add3A_93 = arith.constant 1 : i32
      %add3A_94 = arith.addi %mul3A_78, %add3A_93 : i32
      %dma_wait3A_95 = arith.constant 0 : i32
      %dma_wait3A_96 = tpu.memref_slice %arg7[%add3A_94, %dma_wait3A_95] : memref<40x125xi32, #tpu.memory_space<vmem>> -> memref<1x125xi32, #tpu.memory_space<vmem>>
      %dma_wait3A_97 = tpu.memref_squeeze %dma_wait3A_96 : memref<1x125xi32, #tpu.memory_space<vmem>> -> memref<125xi32, #tpu.memory_space<vmem>>
      %dma_wait3A_98 = arith.constant 0 : i32
      %dma_wait3A_99 = arith.constant 0 : i32
      %dma_wait3A_100 = tpu.memref_slice %arg2[%dma_wait3A_98, %dma_wait3A_99] : memref<10000x128xf32, #tpu.memory_space<hbm>> -> memref<10000x128xf32, #tpu.memory_space<hbm>>
      tpu.wait_indirect_dma semaphore(%arg13 : memref<!tpu.dma_semaphore, #tpu.memory_space<semaphore_mem>>) src(%dma_wait3A_100 : memref<10000x128xf32, #tpu.memory_space<hbm>>) dst(%arg10 : memref<125x128xf32, #tpu.memory_space<vmem>>)
      %add3A_101 = arith.constant 1 : i32
      %add3A_102 = arith.addi %mul3A_78, %add3A_101 : i32
      "tpu.region"() ({
        %run_scoped3A_111 = tpu.sem_alloc : memref<!tpu.dma_semaphore, #tpu.memory_space<semaphore_mem>>
        %dma_start3A_112 = arith.constant 0 : i32
        %dma_start3A_113 = tpu.memref_slice %arg8[%add3A_102, %dma_start3A_112] : memref<40x125xi32, #tpu.memory_space<vmem>> -> memref<1x125xi32, #tpu.memory_space<vmem>>
        %dma_start3A_114 = tpu.memref_squeeze %dma_start3A_113 : memref<1x125xi32, #tpu.memory_space<vmem>> -> memref<125xi32, #tpu.memory_space<vmem>>
        %dma_start3A_115 = arith.constant 0 : i32
        %dma_start3A_116 = arith.constant 0 : i32
        %dma_start3A_117 = tpu.memref_slice %arg11[%dma_start3A_115, %dma_start3A_116] : memref<10112x128xf32, #tpu.memory_space<vmem_shared>> -> memref<10112x128xf32, #tpu.memory_space<vmem_shared>>
        tpu.enqueue_indirect_dma source(%arg10 : memref<125x128xf32, #tpu.memory_space<vmem>>) target(%dma_start3A_117 : memref<10112x128xf32, #tpu.memory_space<vmem_shared>>) offsets(%dma_start3A_114 : memref<125xi32, #tpu.memory_space<vmem>>) semaphore(%run_scoped3A_111 : memref<!tpu.dma_semaphore, #tpu.memory_space<semaphore_mem>>) {add = true}
        %dma_wait3A_118 = arith.constant 0 : i32
        %dma_wait3A_119 = tpu.memref_slice %arg8[%add3A_102, %dma_wait3A_118] : memref<40x125xi32, #tpu.memory_space<vmem>> -> memref<1x125xi32, #tpu.memory_space<vmem>>
        %dma_wait3A_120 = tpu.memref_squeeze %dma_wait3A_119 : memref<1x125xi32, #tpu.memory_space<vmem>> -> memref<125xi32, #tpu.memory_space<vmem>>
        %dma_wait3A_121 = arith.constant 0 : i32
        %dma_wait3A_122 = arith.constant 0 : i32
        %dma_wait3A_123 = tpu.memref_slice %arg11[%dma_wait3A_121, %dma_wait3A_122] : memref<10112x128xf32, #tpu.memory_space<vmem_shared>> -> memref<10112x128xf32, #tpu.memory_space<vmem_shared>>
        tpu.wait_indirect_dma semaphore(%run_scoped3A_111 : memref<!tpu.dma_semaphore, #tpu.memory_space<semaphore_mem>>) src(%arg10 : memref<125x128xf32, #tpu.memory_space<vmem>>) dst(%dma_wait3A_123 : memref<10112x128xf32, #tpu.memory_space<vmem_shared>>)
        tpu.yield
      }) : () -> ()
      %add3A_103 = arith.constant 3 : i32
      %add3A_104 = arith.addi %mul3A_78, %add3A_103 : i32
      %dma_start3A_105 = arith.constant 0 : i32
      %dma_start3A_106 = tpu.memref_slice %arg7[%add3A_104, %dma_start3A_105] : memref<40x125xi32, #tpu.memory_space<vmem>> -> memref<1x125xi32, #tpu.memory_space<vmem>>
      %dma_start3A_107 = tpu.memref_squeeze %dma_start3A_106 : memref<1x125xi32, #tpu.memory_space<vmem>> -> memref<125xi32, #tpu.memory_space<vmem>>
      %dma_start3A_108 = arith.constant 0 : i32
      %dma_start3A_109 = arith.constant 0 : i32
      %dma_start3A_110 = tpu.memref_slice %arg2[%dma_start3A_108, %dma_start3A_109] : memref<10000x128xf32, #tpu.memory_space<hbm>> -> memref<10000x128xf32, #tpu.memory_space<hbm>>
      tpu.enqueue_indirect_dma source(%dma_start3A_110 : memref<10000x128xf32, #tpu.memory_space<hbm>>) target(%arg10 : memref<125x128xf32, #tpu.memory_space<vmem>>) offsets(%dma_start3A_107 : memref<125xi32, #tpu.memory_space<vmem>>) semaphore(%arg13 : memref<!tpu.dma_semaphore, #tpu.memory_space<semaphore_mem>>)
    }
    %scan3A_20 = arith.constant 19 : i32
    %dma_wait3A = arith.constant 38 : i32
    %dma_wait3A_21 = arith.constant 0 : i32
    %dma_wait3A_22 = tpu.memref_slice %arg7[%dma_wait3A, %dma_wait3A_21] : memref<40x125xi32, #tpu.memory_space<vmem>> -> memref<1x125xi32, #tpu.memory_space<vmem>>
    %dma_wait3A_23 = tpu.memref_squeeze %dma_wait3A_22 : memref<1x125xi32, #tpu.memory_space<vmem>> -> memref<125xi32, #tpu.memory_space<vmem>>
    %dma_wait3A_24 = arith.constant 0 : i32
    %dma_wait3A_25 = arith.constant 0 : i32
    %dma_wait3A_26 = tpu.memref_slice %arg2[%dma_wait3A_24, %dma_wait3A_25] : memref<10000x128xf32, #tpu.memory_space<hbm>> -> memref<10000x128xf32, #tpu.memory_space<hbm>>
    tpu.wait_indirect_dma semaphore(%arg12 : memref<!tpu.dma_semaphore, #tpu.memory_space<semaphore_mem>>) src(%dma_wait3A_26 : memref<10000x128xf32, #tpu.memory_space<hbm>>) dst(%arg9 : memref<125x128xf32, #tpu.memory_space<vmem>>)
    %run_scoped3A = arith.constant 38 : i32
    "tpu.region"() ({
      %run_scoped3A_76 = tpu.sem_alloc : memref<!tpu.dma_semaphore, #tpu.memory_space<semaphore_mem>>
      %dma_start3A_77 = arith.constant 0 : i32
      %dma_start3A_78 = tpu.memref_slice %arg8[%run_scoped3A, %dma_start3A_77] : memref<40x125xi32, #tpu.memory_space<vmem>> -> memref<1x125xi32, #tpu.memory_space<vmem>>
      %dma_start3A_79 = tpu.memref_squeeze %dma_start3A_78 : memref<1x125xi32, #tpu.memory_space<vmem>> -> memref<125xi32, #tpu.memory_space<vmem>>
      %dma_start3A_80 = arith.constant 0 : i32
      %dma_start3A_81 = arith.constant 0 : i32
      %dma_start3A_82 = tpu.memref_slice %arg11[%dma_start3A_80, %dma_start3A_81] : memref<10112x128xf32, #tpu.memory_space<vmem_shared>> -> memref<10112x128xf32, #tpu.memory_space<vmem_shared>>
      tpu.enqueue_indirect_dma source(%arg9 : memref<125x128xf32, #tpu.memory_space<vmem>>) target(%dma_start3A_82 : memref<10112x128xf32, #tpu.memory_space<vmem_shared>>) offsets(%dma_start3A_79 : memref<125xi32, #tpu.memory_space<vmem>>) semaphore(%run_scoped3A_76 : memref<!tpu.dma_semaphore, #tpu.memory_space<semaphore_mem>>) {add = true}
      %dma_wait3A_83 = arith.constant 0 : i32
      %dma_wait3A_84 = tpu.memref_slice %arg8[%run_scoped3A, %dma_wait3A_83] : memref<40x125xi32, #tpu.memory_space<vmem>> -> memref<1x125xi32, #tpu.memory_space<vmem>>
      %dma_wait3A_85 = tpu.memref_squeeze %dma_wait3A_84 : memref<1x125xi32, #tpu.memory_space<vmem>> -> memref<125xi32, #tpu.memory_space<vmem>>
      %dma_wait3A_86 = arith.constant 0 : i32
      %dma_wait3A_87 = arith.constant 0 : i32
      %dma_wait3A_88 = tpu.memref_slice %arg11[%dma_wait3A_86, %dma_wait3A_87] : memref<10112x128xf32, #tpu.memory_space<vmem_shared>> -> memref<10112x128xf32, #tpu.memory_space<vmem_shared>>
      tpu.wait_indirect_dma semaphore(%run_scoped3A_76 : memref<!tpu.dma_semaphore, #tpu.memory_space<semaphore_mem>>) src(%arg9 : memref<125x128xf32, #tpu.memory_space<vmem>>) dst(%dma_wait3A_88 : memref<10112x128xf32, #tpu.memory_space<vmem_shared>>)
      tpu.yield
    }) : () -> ()
    %dma_wait3A_27 = arith.constant 39 : i32
    %dma_wait3A_28 = arith.constant 0 : i32
    %dma_wait3A_29 = tpu.memref_slice %arg7[%dma_wait3A_27, %dma_wait3A_28] : memref<40x125xi32, #tpu.memory_space<vmem>> -> memref<1x125xi32, #tpu.memory_space<vmem>>
    %dma_wait3A_30 = tpu.memref_squeeze %dma_wait3A_29 : memref<1x125xi32, #tpu.memory_space<vmem>> -> memref<125xi32, #tpu.memory_space<vmem>>
    %dma_wait3A_31 = arith.constant 0 : i32
    %dma_wait3A_32 = arith.constant 0 : i32
    %dma_wait3A_33 = tpu.memref_slice %arg2[%dma_wait3A_31, %dma_wait3A_32] : memref<10000x128xf32, #tpu.memory_space<hbm>> -> memref<10000x128xf32, #tpu.memory_space<hbm>>
    tpu.wait_indirect_dma semaphore(%arg13 : memref<!tpu.dma_semaphore, #tpu.memory_space<semaphore_mem>>) src(%dma_wait3A_33 : memref<10000x128xf32, #tpu.memory_space<hbm>>) dst(%arg10 : memref<125x128xf32, #tpu.memory_space<vmem>>)
    %run_scoped3A_34 = arith.constant 39 : i32
    "tpu.region"() ({
      %run_scoped3A_76 = tpu.sem_alloc : memref<!tpu.dma_semaphore, #tpu.memory_space<semaphore_mem>>
      %dma_start3A_77 = arith.constant 0 : i32
      %dma_start3A_78 = tpu.memref_slice %arg8[%run_scoped3A_34, %dma_start3A_77] : memref<40x125xi32, #tpu.memory_space<vmem>> -> memref<1x125xi32, #tpu.memory_space<vmem>>
      %dma_start3A_79 = tpu.memref_squeeze %dma_start3A_78 : memref<1x125xi32, #tpu.memory_space<vmem>> -> memref<125xi32, #tpu.memory_space<vmem>>
      %dma_start3A_80 = arith.constant 0 : i32
      %dma_start3A_81 = arith.constant 0 : i32
      %dma_start3A_82 = tpu.memref_slice %arg11[%dma_start3A_80, %dma_start3A_81] : memref<10112x128xf32, #tpu.memory_space<vmem_shared>> -> memref<10112x128xf32, #tpu.memory_space<vmem_shared>>
      tpu.enqueue_indirect_dma source(%arg10 : memref<125x128xf32, #tpu.memory_space<vmem>>) target(%dma_start3A_82 : memref<10112x128xf32, #tpu.memory_space<vmem_shared>>) offsets(%dma_start3A_79 : memref<125xi32, #tpu.memory_space<vmem>>) semaphore(%run_scoped3A_76 : memref<!tpu.dma_semaphore, #tpu.memory_space<semaphore_mem>>) {add = true}
      %dma_wait3A_83 = arith.constant 0 : i32
      %dma_wait3A_84 = tpu.memref_slice %arg8[%run_scoped3A_34, %dma_wait3A_83] : memref<40x125xi32, #tpu.memory_space<vmem>> -> memref<1x125xi32, #tpu.memory_space<vmem>>
      %dma_wait3A_85 = tpu.memref_squeeze %dma_wait3A_84 : memref<1x125xi32, #tpu.memory_space<vmem>> -> memref<125xi32, #tpu.memory_space<vmem>>
      %dma_wait3A_86 = arith.constant 0 : i32
      %dma_wait3A_87 = arith.constant 0 : i32
      %dma_wait3A_88 = tpu.memref_slice %arg11[%dma_wait3A_86, %dma_wait3A_87] : memref<10112x128xf32, #tpu.memory_space<vmem_shared>> -> memref<10112x128xf32, #tpu.memory_space<vmem_shared>>
      tpu.wait_indirect_dma semaphore(%run_scoped3A_76 : memref<!tpu.dma_semaphore, #tpu.memory_space<semaphore_mem>>) src(%arg10 : memref<125x128xf32, #tpu.memory_space<vmem>>) dst(%dma_wait3A_88 : memref<10112x128xf32, #tpu.memory_space<vmem_shared>>)
      tpu.yield
    }) : () -> ()
    "tpu.region"() ({
      %run_scoped3A_76 = tpu.sem_alloc : memref<!tpu.dma_semaphore, #tpu.memory_space<semaphore_mem>>
      %dma_start3A_77 = arith.constant 40 : i32
      %dma_start3A_78 = arith.constant 0 : i32
      %dma_start3A_79 = tpu.memref_slice %arg3[%add3A, %dma_start3A_77, %dma_start3A_78] : memref<32x80x125xi32, #tpu.memory_space<hbm>> -> memref<1x40x125xi32, #tpu.memory_space<hbm>>
      %dma_start3A_80 = tpu.memref_squeeze %dma_start3A_79 : memref<1x40x125xi32, #tpu.memory_space<hbm>> -> memref<40x125xi32, #tpu.memory_space<hbm>>
      %dma_start3A_81 = arith.constant 40 : i32
      %dma_start3A_82 = arith.constant 0 : i32
      %dma_start3A_83 = tpu.memref_slice %arg3[%add3A, %dma_start3A_81, %dma_start3A_82] : memref<32x80x125xi32, #tpu.memory_space<hbm>> -> memref<1x40x125xi32, #tpu.memory_space<hbm>>
      %dma_start3A_84 = tpu.memref_squeeze %dma_start3A_83 : memref<1x40x125xi32, #tpu.memory_space<hbm>> -> memref<40x125xi32, #tpu.memory_space<hbm>>
      tpu.enqueue_dma source(%dma_start3A_84 : memref<40x125xi32, #tpu.memory_space<hbm>>) target(%arg7 : memref<40x125xi32, #tpu.memory_space<vmem>>) target_semaphore(%run_scoped3A_76 : memref<!tpu.dma_semaphore, #tpu.memory_space<semaphore_mem>>)
      %dma_wait3A_85 = arith.constant 40 : i32
      %dma_wait3A_86 = arith.constant 0 : i32
      %dma_wait3A_87 = tpu.memref_slice %arg3[%add3A, %dma_wait3A_85, %dma_wait3A_86] : memref<32x80x125xi32, #tpu.memory_space<hbm>> -> memref<1x40x125xi32, #tpu.memory_space<hbm>>
      %dma_wait3A_88 = tpu.memref_squeeze %dma_wait3A_87 : memref<1x40x125xi32, #tpu.memory_space<hbm>> -> memref<40x125xi32, #tpu.memory_space<hbm>>
      %dma_wait3A_89 = arith.constant 40 : i32
      %dma_wait3A_90 = arith.constant 0 : i32
      %dma_wait3A_91 = tpu.memref_slice %arg3[%add3A, %dma_wait3A_89, %dma_wait3A_90] : memref<32x80x125xi32, #tpu.memory_space<hbm>> -> memref<1x40x125xi32, #tpu.memory_space<hbm>>
      %dma_wait3A_92 = tpu.memref_squeeze %dma_wait3A_91 : memref<1x40x125xi32, #tpu.memory_space<hbm>> -> memref<40x125xi32, #tpu.memory_space<hbm>>
      tpu.wait_dma2 semaphore(%run_scoped3A_76 : memref<!tpu.dma_semaphore, #tpu.memory_space<semaphore_mem>>) src(%dma_wait3A_92 : memref<40x125xi32, #tpu.memory_space<hbm>>) dst(%arg7 : memref<40x125xi32, #tpu.memory_space<vmem>>)
      tpu.yield
    }) : () -> ()
    "tpu.region"() ({
      %run_scoped3A_76 = tpu.sem_alloc : memref<!tpu.dma_semaphore, #tpu.memory_space<semaphore_mem>>
      %dma_start3A_77 = arith.constant 40 : i32
      %dma_start3A_78 = arith.constant 0 : i32
      %dma_start3A_79 = tpu.memref_slice %arg4[%add3A, %dma_start3A_77, %dma_start3A_78] : memref<32x80x125xi32, #tpu.memory_space<hbm>> -> memref<1x40x125xi32, #tpu.memory_space<hbm>>
      %dma_start3A_80 = tpu.memref_squeeze %dma_start3A_79 : memref<1x40x125xi32, #tpu.memory_space<hbm>> -> memref<40x125xi32, #tpu.memory_space<hbm>>
      %dma_start3A_81 = arith.constant 40 : i32
      %dma_start3A_82 = arith.constant 0 : i32
      %dma_start3A_83 = tpu.memref_slice %arg4[%add3A, %dma_start3A_81, %dma_start3A_82] : memref<32x80x125xi32, #tpu.memory_space<hbm>> -> memref<1x40x125xi32, #tpu.memory_space<hbm>>
      %dma_start3A_84 = tpu.memref_squeeze %dma_start3A_83 : memref<1x40x125xi32, #tpu.memory_space<hbm>> -> memref<40x125xi32, #tpu.memory_space<hbm>>
      tpu.enqueue_dma source(%dma_start3A_84 : memref<40x125xi32, #tpu.memory_space<hbm>>) target(%arg8 : memref<40x125xi32, #tpu.memory_space<vmem>>) target_semaphore(%run_scoped3A_76 : memref<!tpu.dma_semaphore, #tpu.memory_space<semaphore_mem>>)
      %dma_wait3A_85 = arith.constant 40 : i32
      %dma_wait3A_86 = arith.constant 0 : i32
      %dma_wait3A_87 = tpu.memref_slice %arg4[%add3A, %dma_wait3A_85, %dma_wait3A_86] : memref<32x80x125xi32, #tpu.memory_space<hbm>> -> memref<1x40x125xi32, #tpu.memory_space<hbm>>
      %dma_wait3A_88 = tpu.memref_squeeze %dma_wait3A_87 : memref<1x40x125xi32, #tpu.memory_space<hbm>> -> memref<40x125xi32, #tpu.memory_space<hbm>>
      %dma_wait3A_89 = arith.constant 40 : i32
      %dma_wait3A_90 = arith.constant 0 : i32
      %dma_wait3A_91 = tpu.memref_slice %arg4[%add3A, %dma_wait3A_89, %dma_wait3A_90] : memref<32x80x125xi32, #tpu.memory_space<hbm>> -> memref<1x40x125xi32, #tpu.memory_space<hbm>>
      %dma_wait3A_92 = tpu.memref_squeeze %dma_wait3A_91 : memref<1x40x125xi32, #tpu.memory_space<hbm>> -> memref<40x125xi32, #tpu.memory_space<hbm>>
      tpu.wait_dma2 semaphore(%run_scoped3A_76 : memref<!tpu.dma_semaphore, #tpu.memory_space<semaphore_mem>>) src(%dma_wait3A_92 : memref<40x125xi32, #tpu.memory_space<hbm>>) dst(%arg8 : memref<40x125xi32, #tpu.memory_space<vmem>>)
      tpu.yield
    }) : () -> ()
    %dma_start3A_35 = arith.constant 0 : i32
    %dma_start3A_36 = arith.constant 0 : i32
    %dma_start3A_37 = tpu.memref_slice %arg7[%dma_start3A_35, %dma_start3A_36] : memref<40x125xi32, #tpu.memory_space<vmem>> -> memref<1x125xi32, #tpu.memory_space<vmem>>
    %dma_start3A_38 = tpu.memref_squeeze %dma_start3A_37 : memref<1x125xi32, #tpu.memory_space<vmem>> -> memref<125xi32, #tpu.memory_space<vmem>>
    %dma_start3A_39 = arith.constant 0 : i32
    %dma_start3A_40 = arith.constant 0 : i32
    %dma_start3A_41 = tpu.memref_slice %arg2[%dma_start3A_39, %dma_start3A_40] : memref<10000x128xf32, #tpu.memory_space<hbm>> -> memref<10000x128xf32, #tpu.memory_space<hbm>>
    tpu.enqueue_indirect_dma source(%dma_start3A_41 : memref<10000x128xf32, #tpu.memory_space<hbm>>) target(%arg9 : memref<125x128xf32, #tpu.memory_space<vmem>>) offsets(%dma_start3A_38 : memref<125xi32, #tpu.memory_space<vmem>>) semaphore(%arg12 : memref<!tpu.dma_semaphore, #tpu.memory_space<semaphore_mem>>)
    %dma_start3A_42 = arith.constant 1 : i32
    %dma_start3A_43 = arith.constant 0 : i32
    %dma_start3A_44 = tpu.memref_slice %arg7[%dma_start3A_42, %dma_start3A_43] : memref<40x125xi32, #tpu.memory_space<vmem>> -> memref<1x125xi32, #tpu.memory_space<vmem>>
    %dma_start3A_45 = tpu.memref_squeeze %dma_start3A_44 : memref<1x125xi32, #tpu.memory_space<vmem>> -> memref<125xi32, #tpu.memory_space<vmem>>
    %dma_start3A_46 = arith.constant 0 : i32
    %dma_start3A_47 = arith.constant 0 : i32
    %dma_start3A_48 = tpu.memref_slice %arg2[%dma_start3A_46, %dma_start3A_47] : memref<10000x128xf32, #tpu.memory_space<hbm>> -> memref<10000x128xf32, #tpu.memory_space<hbm>>
    tpu.enqueue_indirect_dma source(%dma_start3A_48 : memref<10000x128xf32, #tpu.memory_space<hbm>>) target(%arg10 : memref<125x128xf32, #tpu.memory_space<vmem>>) offsets(%dma_start3A_45 : memref<125xi32, #tpu.memory_space<vmem>>) semaphore(%arg13 : memref<!tpu.dma_semaphore, #tpu.memory_space<semaphore_mem>>)
    %scan3A_49 = arith.constant 0 : i32
    %scan3A_50 = arith.constant 0 : i32
    %scan3A_51 = arith.constant 19 : i32
    %scan3A_52 = arith.addi %scan3A_50, %scan3A_51 : i32
    %scan3A_53 = arith.constant 1 : i32
    scf.for %scan3A_76 = %scan3A_50 to %scan3A_52 step %scan3A_53  : i32 {
      %mul3A_77 = arith.constant 2 : i32
      %mul3A_78 = arith.muli %mul3A_77, %scan3A_76 : i32
      %dma_wait3A_79 = arith.constant 0 : i32
      %dma_wait3A_80 = tpu.memref_slice %arg7[%mul3A_78, %dma_wait3A_79] : memref<40x125xi32, #tpu.memory_space<vmem>> -> memref<1x125xi32, #tpu.memory_space<vmem>>
      %dma_wait3A_81 = tpu.memref_squeeze %dma_wait3A_80 : memref<1x125xi32, #tpu.memory_space<vmem>> -> memref<125xi32, #tpu.memory_space<vmem>>
      %dma_wait3A_82 = arith.constant 0 : i32
      %dma_wait3A_83 = arith.constant 0 : i32
      %dma_wait3A_84 = tpu.memref_slice %arg2[%dma_wait3A_82, %dma_wait3A_83] : memref<10000x128xf32, #tpu.memory_space<hbm>> -> memref<10000x128xf32, #tpu.memory_space<hbm>>
      tpu.wait_indirect_dma semaphore(%arg12 : memref<!tpu.dma_semaphore, #tpu.memory_space<semaphore_mem>>) src(%dma_wait3A_84 : memref<10000x128xf32, #tpu.memory_space<hbm>>) dst(%arg9 : memref<125x128xf32, #tpu.memory_space<vmem>>)
      "tpu.region"() ({
        %run_scoped3A_111 = tpu.sem_alloc : memref<!tpu.dma_semaphore, #tpu.memory_space<semaphore_mem>>
        %dma_start3A_112 = arith.constant 0 : i32
        %dma_start3A_113 = tpu.memref_slice %arg8[%mul3A_78, %dma_start3A_112] : memref<40x125xi32, #tpu.memory_space<vmem>> -> memref<1x125xi32, #tpu.memory_space<vmem>>
        %dma_start3A_114 = tpu.memref_squeeze %dma_start3A_113 : memref<1x125xi32, #tpu.memory_space<vmem>> -> memref<125xi32, #tpu.memory_space<vmem>>
        %dma_start3A_115 = arith.constant 0 : i32
        %dma_start3A_116 = arith.constant 0 : i32
        %dma_start3A_117 = tpu.memref_slice %arg11[%dma_start3A_115, %dma_start3A_116] : memref<10112x128xf32, #tpu.memory_space<vmem_shared>> -> memref<10112x128xf32, #tpu.memory_space<vmem_shared>>
        tpu.enqueue_indirect_dma source(%arg9 : memref<125x128xf32, #tpu.memory_space<vmem>>) target(%dma_start3A_117 : memref<10112x128xf32, #tpu.memory_space<vmem_shared>>) offsets(%dma_start3A_114 : memref<125xi32, #tpu.memory_space<vmem>>) semaphore(%run_scoped3A_111 : memref<!tpu.dma_semaphore, #tpu.memory_space<semaphore_mem>>) {add = true}
        %dma_wait3A_118 = arith.constant 0 : i32
        %dma_wait3A_119 = tpu.memref_slice %arg8[%mul3A_78, %dma_wait3A_118] : memref<40x125xi32, #tpu.memory_space<vmem>> -> memref<1x125xi32, #tpu.memory_space<vmem>>
        %dma_wait3A_120 = tpu.memref_squeeze %dma_wait3A_119 : memref<1x125xi32, #tpu.memory_space<vmem>> -> memref<125xi32, #tpu.memory_space<vmem>>
        %dma_wait3A_121 = arith.constant 0 : i32
        %dma_wait3A_122 = arith.constant 0 : i32
        %dma_wait3A_123 = tpu.memref_slice %arg11[%dma_wait3A_121, %dma_wait3A_122] : memref<10112x128xf32, #tpu.memory_space<vmem_shared>> -> memref<10112x128xf32, #tpu.memory_space<vmem_shared>>
        tpu.wait_indirect_dma semaphore(%run_scoped3A_111 : memref<!tpu.dma_semaphore, #tpu.memory_space<semaphore_mem>>) src(%arg9 : memref<125x128xf32, #tpu.memory_space<vmem>>) dst(%dma_wait3A_123 : memref<10112x128xf32, #tpu.memory_space<vmem_shared>>)
        tpu.yield
      }) : () -> ()
      %add3A_85 = arith.constant 2 : i32
      %add3A_86 = arith.addi %mul3A_78, %add3A_85 : i32
      %dma_start3A_87 = arith.constant 0 : i32
      %dma_start3A_88 = tpu.memref_slice %arg7[%add3A_86, %dma_start3A_87] : memref<40x125xi32, #tpu.memory_space<vmem>> -> memref<1x125xi32, #tpu.memory_space<vmem>>
      %dma_start3A_89 = tpu.memref_squeeze %dma_start3A_88 : memref<1x125xi32, #tpu.memory_space<vmem>> -> memref<125xi32, #tpu.memory_space<vmem>>
      %dma_start3A_90 = arith.constant 0 : i32
      %dma_start3A_91 = arith.constant 0 : i32
      %dma_start3A_92 = tpu.memref_slice %arg2[%dma_start3A_90, %dma_start3A_91] : memref<10000x128xf32, #tpu.memory_space<hbm>> -> memref<10000x128xf32, #tpu.memory_space<hbm>>
      tpu.enqueue_indirect_dma source(%dma_start3A_92 : memref<10000x128xf32, #tpu.memory_space<hbm>>) target(%arg9 : memref<125x128xf32, #tpu.memory_space<vmem>>) offsets(%dma_start3A_89 : memref<125xi32, #tpu.memory_space<vmem>>) semaphore(%arg12 : memref<!tpu.dma_semaphore, #tpu.memory_space<semaphore_mem>>)
      %add3A_93 = arith.constant 1 : i32
      %add3A_94 = arith.addi %mul3A_78, %add3A_93 : i32
      %dma_wait3A_95 = arith.constant 0 : i32
      %dma_wait3A_96 = tpu.memref_slice %arg7[%add3A_94, %dma_wait3A_95] : memref<40x125xi32, #tpu.memory_space<vmem>> -> memref<1x125xi32, #tpu.memory_space<vmem>>
      %dma_wait3A_97 = tpu.memref_squeeze %dma_wait3A_96 : memref<1x125xi32, #tpu.memory_space<vmem>> -> memref<125xi32, #tpu.memory_space<vmem>>
      %dma_wait3A_98 = arith.constant 0 : i32
      %dma_wait3A_99 = arith.constant 0 : i32
      %dma_wait3A_100 = tpu.memref_slice %arg2[%dma_wait3A_98, %dma_wait3A_99] : memref<10000x128xf32, #tpu.memory_space<hbm>> -> memref<10000x128xf32, #tpu.memory_space<hbm>>
      tpu.wait_indirect_dma semaphore(%arg13 : memref<!tpu.dma_semaphore, #tpu.memory_space<semaphore_mem>>) src(%dma_wait3A_100 : memref<10000x128xf32, #tpu.memory_space<hbm>>) dst(%arg10 : memref<125x128xf32, #tpu.memory_space<vmem>>)
      %add3A_101 = arith.constant 1 : i32
      %add3A_102 = arith.addi %mul3A_78, %add3A_101 : i32
      "tpu.region"() ({
        %run_scoped3A_111 = tpu.sem_alloc : memref<!tpu.dma_semaphore, #tpu.memory_space<semaphore_mem>>
        %dma_start3A_112 = arith.constant 0 : i32
        %dma_start3A_113 = tpu.memref_slice %arg8[%add3A_102, %dma_start3A_112] : memref<40x125xi32, #tpu.memory_space<vmem>> -> memref<1x125xi32, #tpu.memory_space<vmem>>
        %dma_start3A_114 = tpu.memref_squeeze %dma_start3A_113 : memref<1x125xi32, #tpu.memory_space<vmem>> -> memref<125xi32, #tpu.memory_space<vmem>>
        %dma_start3A_115 = arith.constant 0 : i32
        %dma_start3A_116 = arith.constant 0 : i32
        %dma_start3A_117 = tpu.memref_slice %arg11[%dma_start3A_115, %dma_start3A_116] : memref<10112x128xf32, #tpu.memory_space<vmem_shared>> -> memref<10112x128xf32, #tpu.memory_space<vmem_shared>>
        tpu.enqueue_indirect_dma source(%arg10 : memref<125x128xf32, #tpu.memory_space<vmem>>) target(%dma_start3A_117 : memref<10112x128xf32, #tpu.memory_space<vmem_shared>>) offsets(%dma_start3A_114 : memref<125xi32, #tpu.memory_space<vmem>>) semaphore(%run_scoped3A_111 : memref<!tpu.dma_semaphore, #tpu.memory_space<semaphore_mem>>) {add = true}
        %dma_wait3A_118 = arith.constant 0 : i32
        %dma_wait3A_119 = tpu.memref_slice %arg8[%add3A_102, %dma_wait3A_118] : memref<40x125xi32, #tpu.memory_space<vmem>> -> memref<1x125xi32, #tpu.memory_space<vmem>>
        %dma_wait3A_120 = tpu.memref_squeeze %dma_wait3A_119 : memref<1x125xi32, #tpu.memory_space<vmem>> -> memref<125xi32, #tpu.memory_space<vmem>>
        %dma_wait3A_121 = arith.constant 0 : i32
        %dma_wait3A_122 = arith.constant 0 : i32
        %dma_wait3A_123 = tpu.memref_slice %arg11[%dma_wait3A_121, %dma_wait3A_122] : memref<10112x128xf32, #tpu.memory_space<vmem_shared>> -> memref<10112x128xf32, #tpu.memory_space<vmem_shared>>
        tpu.wait_indirect_dma semaphore(%run_scoped3A_111 : memref<!tpu.dma_semaphore, #tpu.memory_space<semaphore_mem>>) src(%arg10 : memref<125x128xf32, #tpu.memory_space<vmem>>) dst(%dma_wait3A_123 : memref<10112x128xf32, #tpu.memory_space<vmem_shared>>)
        tpu.yield
      }) : () -> ()
      %add3A_103 = arith.constant 3 : i32
      %add3A_104 = arith.addi %mul3A_78, %add3A_103 : i32
      %dma_start3A_105 = arith.constant 0 : i32
      %dma_start3A_106 = tpu.memref_slice %arg7[%add3A_104, %dma_start3A_105] : memref<40x125xi32, #tpu.memory_space<vmem>> -> memref<1x125xi32, #tpu.memory_space<vmem>>
      %dma_start3A_107 = tpu.memref_squeeze %dma_start3A_106 : memref<1x125xi32, #tpu.memory_space<vmem>> -> memref<125xi32, #tpu.memory_space<vmem>>
      %dma_start3A_108 = arith.constant 0 : i32
      %dma_start3A_109 = arith.constant 0 : i32
      %dma_start3A_110 = tpu.memref_slice %arg2[%dma_start3A_108, %dma_start3A_109] : memref<10000x128xf32, #tpu.memory_space<hbm>> -> memref<10000x128xf32, #tpu.memory_space<hbm>>
      tpu.enqueue_indirect_dma source(%dma_start3A_110 : memref<10000x128xf32, #tpu.memory_space<hbm>>) target(%arg10 : memref<125x128xf32, #tpu.memory_space<vmem>>) offsets(%dma_start3A_107 : memref<125xi32, #tpu.memory_space<vmem>>) semaphore(%arg13 : memref<!tpu.dma_semaphore, #tpu.memory_space<semaphore_mem>>)
    }
    %scan3A_54 = arith.constant 19 : i32
    %dma_wait3A_55 = arith.constant 38 : i32
    %dma_wait3A_56 = arith.constant 0 : i32
    %dma_wait3A_57 = tpu.memref_slice %arg7[%dma_wait3A_55, %dma_wait3A_56] : memref<40x125xi32, #tpu.memory_space<vmem>> -> memref<1x125xi32, #tpu.memory_space<vmem>>
    %dma_wait3A_58 = tpu.memref_squeeze %dma_wait3A_57 : memref<1x125xi32, #tpu.memory_space<vmem>> -> memref<125xi32, #tpu.memory_space<vmem>>
    %dma_wait3A_59 = arith.constant 0 : i32
    %dma_wait3A_60 = arith.constant 0 : i32
    %dma_wait3A_61 = tpu.memref_slice %arg2[%dma_wait3A_59, %dma_wait3A_60] : memref<10000x128xf32, #tpu.memory_space<hbm>> -> memref<10000x128xf32, #tpu.memory_space<hbm>>
    tpu.wait_indirect_dma semaphore(%arg12 : memref<!tpu.dma_semaphore, #tpu.memory_space<semaphore_mem>>) src(%dma_wait3A_61 : memref<10000x128xf32, #tpu.memory_space<hbm>>) dst(%arg9 : memref<125x128xf32, #tpu.memory_space<vmem>>)
    %run_scoped3A_62 = arith.constant 38 : i32
    "tpu.region"() ({
      %run_scoped3A_76 = tpu.sem_alloc : memref<!tpu.dma_semaphore, #tpu.memory_space<semaphore_mem>>
      %dma_start3A_77 = arith.constant 0 : i32
      %dma_start3A_78 = tpu.memref_slice %arg8[%run_scoped3A_62, %dma_start3A_77] : memref<40x125xi32, #tpu.memory_space<vmem>> -> memref<1x125xi32, #tpu.memory_space<vmem>>
      %dma_start3A_79 = tpu.memref_squeeze %dma_start3A_78 : memref<1x125xi32, #tpu.memory_space<vmem>> -> memref<125xi32, #tpu.memory_space<vmem>>
      %dma_start3A_80 = arith.constant 0 : i32
      %dma_start3A_81 = arith.constant 0 : i32
      %dma_start3A_82 = tpu.memref_slice %arg11[%dma_start3A_80, %dma_start3A_81] : memref<10112x128xf32, #tpu.memory_space<vmem_shared>> -> memref<10112x128xf32, #tpu.memory_space<vmem_shared>>
      tpu.enqueue_indirect_dma source(%arg9 : memref<125x128xf32, #tpu.memory_space<vmem>>) target(%dma_start3A_82 : memref<10112x128xf32, #tpu.memory_space<vmem_shared>>) offsets(%dma_start3A_79 : memref<125xi32, #tpu.memory_space<vmem>>) semaphore(%run_scoped3A_76 : memref<!tpu.dma_semaphore, #tpu.memory_space<semaphore_mem>>) {add = true}
      %dma_wait3A_83 = arith.constant 0 : i32
      %dma_wait3A_84 = tpu.memref_slice %arg8[%run_scoped3A_62, %dma_wait3A_83] : memref<40x125xi32, #tpu.memory_space<vmem>> -> memref<1x125xi32, #tpu.memory_space<vmem>>
      %dma_wait3A_85 = tpu.memref_squeeze %dma_wait3A_84 : memref<1x125xi32, #tpu.memory_space<vmem>> -> memref<125xi32, #tpu.memory_space<vmem>>
      %dma_wait3A_86 = arith.constant 0 : i32
      %dma_wait3A_87 = arith.constant 0 : i32
      %dma_wait3A_88 = tpu.memref_slice %arg11[%dma_wait3A_86, %dma_wait3A_87] : memref<10112x128xf32, #tpu.memory_space<vmem_shared>> -> memref<10112x128xf32, #tpu.memory_space<vmem_shared>>
      tpu.wait_indirect_dma semaphore(%run_scoped3A_76 : memref<!tpu.dma_semaphore, #tpu.memory_space<semaphore_mem>>) src(%arg9 : memref<125x128xf32, #tpu.memory_space<vmem>>) dst(%dma_wait3A_88 : memref<10112x128xf32, #tpu.memory_space<vmem_shared>>)
      tpu.yield
    }) : () -> ()
    %dma_wait3A_63 = arith.constant 39 : i32
    %dma_wait3A_64 = arith.constant 0 : i32
    %dma_wait3A_65 = tpu.memref_slice %arg7[%dma_wait3A_63, %dma_wait3A_64] : memref<40x125xi32, #tpu.memory_space<vmem>> -> memref<1x125xi32, #tpu.memory_space<vmem>>
    %dma_wait3A_66 = tpu.memref_squeeze %dma_wait3A_65 : memref<1x125xi32, #tpu.memory_space<vmem>> -> memref<125xi32, #tpu.memory_space<vmem>>
    %dma_wait3A_67 = arith.constant 0 : i32
    %dma_wait3A_68 = arith.constant 0 : i32
    %dma_wait3A_69 = tpu.memref_slice %arg2[%dma_wait3A_67, %dma_wait3A_68] : memref<10000x128xf32, #tpu.memory_space<hbm>> -> memref<10000x128xf32, #tpu.memory_space<hbm>>
    tpu.wait_indirect_dma semaphore(%arg13 : memref<!tpu.dma_semaphore, #tpu.memory_space<semaphore_mem>>) src(%dma_wait3A_69 : memref<10000x128xf32, #tpu.memory_space<hbm>>) dst(%arg10 : memref<125x128xf32, #tpu.memory_space<vmem>>)
    %run_scoped3A_70 = arith.constant 39 : i32
    "tpu.region"() ({
      %run_scoped3A_76 = tpu.sem_alloc : memref<!tpu.dma_semaphore, #tpu.memory_space<semaphore_mem>>
      %dma_start3A_77 = arith.constant 0 : i32
      %dma_start3A_78 = tpu.memref_slice %arg8[%run_scoped3A_70, %dma_start3A_77] : memref<40x125xi32, #tpu.memory_space<vmem>> -> memref<1x125xi32, #tpu.memory_space<vmem>>
      %dma_start3A_79 = tpu.memref_squeeze %dma_start3A_78 : memref<1x125xi32, #tpu.memory_space<vmem>> -> memref<125xi32, #tpu.memory_space<vmem>>
      %dma_start3A_80 = arith.constant 0 : i32
      %dma_start3A_81 = arith.constant 0 : i32
      %dma_start3A_82 = tpu.memref_slice %arg11[%dma_start3A_80, %dma_start3A_81] : memref<10112x128xf32, #tpu.memory_space<vmem_shared>> -> memref<10112x128xf32, #tpu.memory_space<vmem_shared>>
      tpu.enqueue_indirect_dma source(%arg10 : memref<125x128xf32, #tpu.memory_space<vmem>>) target(%dma_start3A_82 : memref<10112x128xf32, #tpu.memory_space<vmem_shared>>) offsets(%dma_start3A_79 : memref<125xi32, #tpu.memory_space<vmem>>) semaphore(%run_scoped3A_76 : memref<!tpu.dma_semaphore, #tpu.memory_space<semaphore_mem>>) {add = true}
      %dma_wait3A_83 = arith.constant 0 : i32
      %dma_wait3A_84 = tpu.memref_slice %arg8[%run_scoped3A_70, %dma_wait3A_83] : memref<40x125xi32, #tpu.memory_space<vmem>> -> memref<1x125xi32, #tpu.memory_space<vmem>>
      %dma_wait3A_85 = tpu.memref_squeeze %dma_wait3A_84 : memref<1x125xi32, #tpu.memory_space<vmem>> -> memref<125xi32, #tpu.memory_space<vmem>>
      %dma_wait3A_86 = arith.constant 0 : i32
      %dma_wait3A_87 = arith.constant 0 : i32
      %dma_wait3A_88 = tpu.memref_slice %arg11[%dma_wait3A_86, %dma_wait3A_87] : memref<10112x128xf32, #tpu.memory_space<vmem_shared>> -> memref<10112x128xf32, #tpu.memory_space<vmem_shared>>
      tpu.wait_indirect_dma semaphore(%run_scoped3A_76 : memref<!tpu.dma_semaphore, #tpu.memory_space<semaphore_mem>>) src(%arg10 : memref<125x128xf32, #tpu.memory_space<vmem>>) dst(%dma_wait3A_88 : memref<10112x128xf32, #tpu.memory_space<vmem_shared>>)
      tpu.yield
    }) : () -> ()
    %barrier3A_71 = arith.constant 0 : index
    tpu.barrier barrier_id(%barrier3A_71)
    %mul3A_72 = arith.constant 632 : i32
    %mul3A_73 = arith.muli %arg1, %mul3A_72 : i32
    %mul3A_74 = arith.constant 632 : i32
    %mul3A_75 = arith.muli %arg1, %mul3A_74 : i32
    "tpu.region"() ({
      %run_scoped3A_76 = tpu.sem_alloc : memref<!tpu.dma_semaphore, #tpu.memory_space<semaphore_mem>>
      %dma_start3A_77 = arith.constant 0 : i32
      %dma_start3A_78 = tpu.memref_slice %arg6[%arg0, %mul3A_75, %dma_start3A_77] : memref<2x10112x128xf32, #tpu.memory_space<hbm>> -> memref<1x632x128xf32, #tpu.memory_space<hbm>>
      %dma_start3A_79 = tpu.memref_squeeze %dma_start3A_78 : memref<1x632x128xf32, #tpu.memory_space<hbm>> -> memref<632x128xf32, #tpu.memory_space<hbm>>
      %dma_start3A_80 = arith.constant 0 : i32
      %dma_start3A_81 = tpu.memref_slice %arg11[%mul3A_73, %dma_start3A_80] : memref<10112x128xf32, #tpu.memory_space<vmem_shared>> -> memref<632x128xf32, #tpu.memory_space<vmem_shared>>
      tpu.enqueue_dma source(%dma_start3A_81 : memref<632x128xf32, #tpu.memory_space<vmem_shared>>) target(%dma_start3A_79 : memref<632x128xf32, #tpu.memory_space<hbm>>) target_semaphore(%run_scoped3A_76 : memref<!tpu.dma_semaphore, #tpu.memory_space<semaphore_mem>>)
      %dma_wait3A_82 = arith.constant 0 : i32
      %dma_wait3A_83 = tpu.memref_slice %arg6[%arg0, %mul3A_75, %dma_wait3A_82] : memref<2x10112x128xf32, #tpu.memory_space<hbm>> -> memref<1x632x128xf32, #tpu.memory_space<hbm>>
      %dma_wait3A_84 = tpu.memref_squeeze %dma_wait3A_83 : memref<1x632x128xf32, #tpu.memory_space<hbm>> -> memref<632x128xf32, #tpu.memory_space<hbm>>
      %dma_wait3A_85 = arith.constant 0 : i32
      %dma_wait3A_86 = tpu.memref_slice %arg11[%mul3A_73, %dma_wait3A_85] : memref<10112x128xf32, #tpu.memory_space<vmem_shared>> -> memref<632x128xf32, #tpu.memory_space<vmem_shared>>
      tpu.wait_dma2 semaphore(%run_scoped3A_76 : memref<!tpu.dma_semaphore, #tpu.memory_space<semaphore_mem>>) src(%dma_wait3A_86 : memref<632x128xf32, #tpu.memory_space<vmem_shared>>) dst(%dma_wait3A_84 : memref<632x128xf32, #tpu.memory_space<hbm>>)
      tpu.yield
    }) : () -> ()
    return
  }
}

#map = affine_map<(d0, d1) -> (0, 0)>
#map1 = affine_map<(d0, d1) -> (0, 0, 0)>
module attributes {stable_mosaic.version = 14 : i64} {
  func.func @_scat_body(%arg0: i32, %arg1: i32, %arg2: memref<10000x128xf32, #tpu.memory_space<hbm>>, %arg3: memref<32x80x125xi32, #tpu.memory_space<hbm>>, %arg4: memref<32x80x125xi32, #tpu.memory_space<hbm>>, %arg5: memref<632x128xf32, #tpu.memory_space<hbm>>, %arg6: memref<2x10112x128xf32, #tpu.memory_space<hbm>>, %arg7: memref<40x125xi32, #tpu.memory_space<vmem>>, %arg8: memref<40x125xi32, #tpu.memory_space<vmem>>, %arg9: memref<125x128xf32, #tpu.memory_space<vmem>>, %arg10: memref<125x128xf32, #tpu.memory_space<vmem>>, %arg11: memref<10112x128xf32, #tpu.memory_space<vmem_shared>>, %arg12: memref<!tpu.dma_semaphore, #tpu.memory_space<semaphore_mem>>, %arg13: memref<!tpu.dma_semaphore, #tpu.memory_space<semaphore_mem>>) attributes {dimension_semantics = [#tpu.dimension_semantics<core_parallel>, #tpu.dimension_semantics<subcore_parallel>], iteration_bounds = array<i64: 2, 16>, scalar_prefetch = 0 : i64, scratch_operands = 7 : i64, tpu.core_type = #tpu.core_type<sc_vector_subcore>, window_params = [{transform_indices = #map}, {transform_indices = #map1}, {transform_indices = #map1}, {transform_indices = #map}, {transform_indices = #map1}]} {
    %mul3A = arith.constant 16 : i32
    %mul3A_0 = arith.muli %arg0, %mul3A : i32
    %add3A = arith.addi %mul3A_0, %arg1 : i32
    %mul3A_1 = arith.constant 632 : i32
    %mul3A_2 = arith.muli %arg1, %mul3A_1 : i32
    "tpu.region"() ({
      %run_scoped3A_76 = tpu.sem_alloc : memref<!tpu.dma_semaphore, #tpu.memory_space<semaphore_mem>>
      %dma_start3A_77 = arith.constant 0 : i32
      %dma_start3A_78 = tpu.memref_slice %arg11[%mul3A_2, %dma_start3A_77] : memref<10112x128xf32, #tpu.memory_space<vmem_shared>> -> memref<632x128xf32, #tpu.memory_space<vmem_shared>>
      tpu.enqueue_dma source(%arg5 : memref<632x128xf32, #tpu.memory_space<hbm>>) target(%dma_start3A_78 : memref<632x128xf32, #tpu.memory_space<vmem_shared>>) target_semaphore(%run_scoped3A_76 : memref<!tpu.dma_semaphore, #tpu.memory_space<semaphore_mem>>)
      %dma_wait3A_79 = arith.constant 0 : i32
      %dma_wait3A_80 = tpu.memref_slice %arg11[%mul3A_2, %dma_wait3A_79] : memref<10112x128xf32, #tpu.memory_space<vmem_shared>> -> memref<632x128xf32, #tpu.memory_space<vmem_shared>>
      tpu.wait_dma2 semaphore(%run_scoped3A_76 : memref<!tpu.dma_semaphore, #tpu.memory_space<semaphore_mem>>) src(%arg5 : memref<632x128xf32, #tpu.memory_space<hbm>>) dst(%dma_wait3A_80 : memref<632x128xf32, #tpu.memory_space<vmem_shared>>)
      tpu.yield
    }) : () -> ()
    %barrier3A = arith.constant 0 : index
    tpu.barrier barrier_id(%barrier3A)
    "tpu.region"() ({
      %run_scoped3A_76 = tpu.sem_alloc : memref<!tpu.dma_semaphore, #tpu.memory_space<semaphore_mem>>
      %dma_start3A_77 = arith.constant 0 : i32
      %dma_start3A_78 = arith.constant 0 : i32
      %dma_start3A_79 = tpu.memref_slice %arg3[%add3A, %dma_start3A_77, %dma_start3A_78] : memref<32x80x125xi32, #tpu.memory_space<hbm>> -> memref<1x40x125xi32, #tpu.memory_space<hbm>>
      %dma_start3A_80 = tpu.memref_squeeze %dma_start3A_79 : memref<1x40x125xi32, #tpu.memory_space<hbm>> -> memref<40x125xi32, #tpu.memory_space<hbm>>
      %dma_start3A_81 = arith.constant 0 : i32
      %dma_start3A_82 = arith.constant 0 : i32
      %dma_start3A_83 = tpu.memref_slice %arg3[%add3A, %dma_start3A_81, %dma_start3A_82] : memref<32x80x125xi32, #tpu.memory_space<hbm>> -> memref<1x40x125xi32, #tpu.memory_space<hbm>>
      %dma_start3A_84 = tpu.memref_squeeze %dma_start3A_83 : memref<1x40x125xi32, #tpu.memory_space<hbm>> -> memref<40x125xi32, #tpu.memory_space<hbm>>
      tpu.enqueue_dma source(%dma_start3A_84 : memref<40x125xi32, #tpu.memory_space<hbm>>) target(%arg7 : memref<40x125xi32, #tpu.memory_space<vmem>>) target_semaphore(%run_scoped3A_76 : memref<!tpu.dma_semaphore, #tpu.memory_space<semaphore_mem>>)
      %dma_wait3A_85 = arith.constant 0 : i32
      %dma_wait3A_86 = arith.constant 0 : i32
      %dma_wait3A_87 = tpu.memref_slice %arg3[%add3A, %dma_wait3A_85, %dma_wait3A_86] : memref<32x80x125xi32, #tpu.memory_space<hbm>> -> memref<1x40x125xi32, #tpu.memory_space<hbm>>
      %dma_wait3A_88 = tpu.memref_squeeze %dma_wait3A_87 : memref<1x40x125xi32, #tpu.memory_space<hbm>> -> memref<40x125xi32, #tpu.memory_space<hbm>>
      %dma_wait3A_89 = arith.constant 0 : i32
      %dma_wait3A_90 = arith.constant 0 : i32
      %dma_wait3A_91 = tpu.memref_slice %arg3[%add3A, %dma_wait3A_89, %dma_wait3A_90] : memref<32x80x125xi32, #tpu.memory_space<hbm>> -> memref<1x40x125xi32, #tpu.memory_space<hbm>>
      %dma_wait3A_92 = tpu.memref_squeeze %dma_wait3A_91 : memref<1x40x125xi32, #tpu.memory_space<hbm>> -> memref<40x125xi32, #tpu.memory_space<hbm>>
      tpu.wait_dma2 semaphore(%run_scoped3A_76 : memref<!tpu.dma_semaphore, #tpu.memory_space<semaphore_mem>>) src(%dma_wait3A_92 : memref<40x125xi32, #tpu.memory_space<hbm>>) dst(%arg7 : memref<40x125xi32, #tpu.memory_space<vmem>>)
      tpu.yield
    }) : () -> ()
    "tpu.region"() ({
      %run_scoped3A_76 = tpu.sem_alloc : memref<!tpu.dma_semaphore, #tpu.memory_space<semaphore_mem>>
      %dma_start3A_77 = arith.constant 0 : i32
      %dma_start3A_78 = arith.constant 0 : i32
      %dma_start3A_79 = tpu.memref_slice %arg4[%add3A, %dma_start3A_77, %dma_start3A_78] : memref<32x80x125xi32, #tpu.memory_space<hbm>> -> memref<1x40x125xi32, #tpu.memory_space<hbm>>
      %dma_start3A_80 = tpu.memref_squeeze %dma_start3A_79 : memref<1x40x125xi32, #tpu.memory_space<hbm>> -> memref<40x125xi32, #tpu.memory_space<hbm>>
      %dma_start3A_81 = arith.constant 0 : i32
      %dma_start3A_82 = arith.constant 0 : i32
      %dma_start3A_83 = tpu.memref_slice %arg4[%add3A, %dma_start3A_81, %dma_start3A_82] : memref<32x80x125xi32, #tpu.memory_space<hbm>> -> memref<1x40x125xi32, #tpu.memory_space<hbm>>
      %dma_start3A_84 = tpu.memref_squeeze %dma_start3A_83 : memref<1x40x125xi32, #tpu.memory_space<hbm>> -> memref<40x125xi32, #tpu.memory_space<hbm>>
      tpu.enqueue_dma source(%dma_start3A_84 : memref<40x125xi32, #tpu.memory_space<hbm>>) target(%arg8 : memref<40x125xi32, #tpu.memory_space<vmem>>) target_semaphore(%run_scoped3A_76 : memref<!tpu.dma_semaphore, #tpu.memory_space<semaphore_mem>>)
      %dma_wait3A_85 = arith.constant 0 : i32
      %dma_wait3A_86 = arith.constant 0 : i32
      %dma_wait3A_87 = tpu.memref_slice %arg4[%add3A, %dma_wait3A_85, %dma_wait3A_86] : memref<32x80x125xi32, #tpu.memory_space<hbm>> -> memref<1x40x125xi32, #tpu.memory_space<hbm>>
      %dma_wait3A_88 = tpu.memref_squeeze %dma_wait3A_87 : memref<1x40x125xi32, #tpu.memory_space<hbm>> -> memref<40x125xi32, #tpu.memory_space<hbm>>
      %dma_wait3A_89 = arith.constant 0 : i32
      %dma_wait3A_90 = arith.constant 0 : i32
      %dma_wait3A_91 = tpu.memref_slice %arg4[%add3A, %dma_wait3A_89, %dma_wait3A_90] : memref<32x80x125xi32, #tpu.memory_space<hbm>> -> memref<1x40x125xi32, #tpu.memory_space<hbm>>
      %dma_wait3A_92 = tpu.memref_squeeze %dma_wait3A_91 : memref<1x40x125xi32, #tpu.memory_space<hbm>> -> memref<40x125xi32, #tpu.memory_space<hbm>>
      tpu.wait_dma2 semaphore(%run_scoped3A_76 : memref<!tpu.dma_semaphore, #tpu.memory_space<semaphore_mem>>) src(%dma_wait3A_92 : memref<40x125xi32, #tpu.memory_space<hbm>>) dst(%arg8 : memref<40x125xi32, #tpu.memory_space<vmem>>)
      tpu.yield
    }) : () -> ()
    %dma_start3A = arith.constant 0 : i32
    %dma_start3A_3 = arith.constant 0 : i32
    %dma_start3A_4 = tpu.memref_slice %arg7[%dma_start3A, %dma_start3A_3] : memref<40x125xi32, #tpu.memory_space<vmem>> -> memref<1x125xi32, #tpu.memory_space<vmem>>
    %dma_start3A_5 = tpu.memref_squeeze %dma_start3A_4 : memref<1x125xi32, #tpu.memory_space<vmem>> -> memref<125xi32, #tpu.memory_space<vmem>>
    %dma_start3A_6 = arith.constant 0 : i32
    %dma_start3A_7 = arith.constant 0 : i32
    %dma_start3A_8 = tpu.memref_slice %arg2[%dma_start3A_6, %dma_start3A_7] : memref<10000x128xf32, #tpu.memory_space<hbm>> -> memref<10000x128xf32, #tpu.memory_space<hbm>>
    tpu.enqueue_indirect_dma source(%dma_start3A_8 : memref<10000x128xf32, #tpu.memory_space<hbm>>) target(%arg9 : memref<125x128xf32, #tpu.memory_space<vmem>>) offsets(%dma_start3A_5 : memref<125xi32, #tpu.memory_space<vmem>>) semaphore(%arg12 : memref<!tpu.dma_semaphore, #tpu.memory_space<semaphore_mem>>)
    %dma_start3A_9 = arith.constant 1 : i32
    %dma_start3A_10 = arith.constant 0 : i32
    %dma_start3A_11 = tpu.memref_slice %arg7[%dma_start3A_9, %dma_start3A_10] : memref<40x125xi32, #tpu.memory_space<vmem>> -> memref<1x125xi32, #tpu.memory_space<vmem>>
    %dma_start3A_12 = tpu.memref_squeeze %dma_start3A_11 : memref<1x125xi32, #tpu.memory_space<vmem>> -> memref<125xi32, #tpu.memory_space<vmem>>
    %dma_start3A_13 = arith.constant 0 : i32
    %dma_start3A_14 = arith.constant 0 : i32
    %dma_start3A_15 = tpu.memref_slice %arg2[%dma_start3A_13, %dma_start3A_14] : memref<10000x128xf32, #tpu.memory_space<hbm>> -> memref<10000x128xf32, #tpu.memory_space<hbm>>
    tpu.enqueue_indirect_dma source(%dma_start3A_15 : memref<10000x128xf32, #tpu.memory_space<hbm>>) target(%arg10 : memref<125x128xf32, #tpu.memory_space<vmem>>) offsets(%dma_start3A_12 : memref<125xi32, #tpu.memory_space<vmem>>) semaphore(%arg13 : memref<!tpu.dma_semaphore, #tpu.memory_space<semaphore_mem>>)
    %scan3A = arith.constant 0 : i32
    %scan3A_16 = arith.constant 0 : i32
    %scan3A_17 = arith.constant 19 : i32
    %scan3A_18 = arith.addi %scan3A_16, %scan3A_17 : i32
    %scan3A_19 = arith.constant 1 : i32
    scf.for %scan3A_76 = %scan3A_16 to %scan3A_18 step %scan3A_19  : i32 {
      %mul3A_77 = arith.constant 2 : i32
      %mul3A_78 = arith.muli %mul3A_77, %scan3A_76 : i32
      %dma_wait3A_79 = arith.constant 0 : i32
      %dma_wait3A_80 = tpu.memref_slice %arg7[%mul3A_78, %dma_wait3A_79] : memref<40x125xi32, #tpu.memory_space<vmem>> -> memref<1x125xi32, #tpu.memory_space<vmem>>
      %dma_wait3A_81 = tpu.memref_squeeze %dma_wait3A_80 : memref<1x125xi32, #tpu.memory_space<vmem>> -> memref<125xi32, #tpu.memory_space<vmem>>
      %dma_wait3A_82 = arith.constant 0 : i32
      %dma_wait3A_83 = arith.constant 0 : i32
      %dma_wait3A_84 = tpu.memref_slice %arg2[%dma_wait3A_82, %dma_wait3A_83] : memref<10000x128xf32, #tpu.memory_space<hbm>> -> memref<10000x128xf32, #tpu.memory_space<hbm>>
      tpu.wait_indirect_dma semaphore(%arg12 : memref<!tpu.dma_semaphore, #tpu.memory_space<semaphore_mem>>) src(%dma_wait3A_84 : memref<10000x128xf32, #tpu.memory_space<hbm>>) dst(%arg9 : memref<125x128xf32, #tpu.memory_space<vmem>>)
      "tpu.region"() ({
        %run_scoped3A_111 = tpu.sem_alloc : memref<!tpu.dma_semaphore, #tpu.memory_space<semaphore_mem>>
        %dma_start3A_112 = arith.constant 0 : i32
        %dma_start3A_113 = tpu.memref_slice %arg8[%mul3A_78, %dma_start3A_112] : memref<40x125xi32, #tpu.memory_space<vmem>> -> memref<1x125xi32, #tpu.memory_space<vmem>>
        %dma_start3A_114 = tpu.memref_squeeze %dma_start3A_113 : memref<1x125xi32, #tpu.memory_space<vmem>> -> memref<125xi32, #tpu.memory_space<vmem>>
        %dma_start3A_115 = arith.constant 0 : i32
        %dma_start3A_116 = arith.constant 0 : i32
        %dma_start3A_117 = tpu.memref_slice %arg11[%dma_start3A_115, %dma_start3A_116] : memref<10112x128xf32, #tpu.memory_space<vmem_shared>> -> memref<10112x128xf32, #tpu.memory_space<vmem_shared>>
        tpu.enqueue_indirect_dma source(%arg9 : memref<125x128xf32, #tpu.memory_space<vmem>>) target(%dma_start3A_117 : memref<10112x128xf32, #tpu.memory_space<vmem_shared>>) offsets(%dma_start3A_114 : memref<125xi32, #tpu.memory_space<vmem>>) semaphore(%run_scoped3A_111 : memref<!tpu.dma_semaphore, #tpu.memory_space<semaphore_mem>>) {add = true}
        %dma_wait3A_118 = arith.constant 0 : i32
        %dma_wait3A_119 = tpu.memref_slice %arg8[%mul3A_78, %dma_wait3A_118] : memref<40x125xi32, #tpu.memory_space<vmem>> -> memref<1x125xi32, #tpu.memory_space<vmem>>
        %dma_wait3A_120 = tpu.memref_squeeze %dma_wait3A_119 : memref<1x125xi32, #tpu.memory_space<vmem>> -> memref<125xi32, #tpu.memory_space<vmem>>
        %dma_wait3A_121 = arith.constant 0 : i32
        %dma_wait3A_122 = arith.constant 0 : i32
        %dma_wait3A_123 = tpu.memref_slice %arg11[%dma_wait3A_121, %dma_wait3A_122] : memref<10112x128xf32, #tpu.memory_space<vmem_shared>> -> memref<10112x128xf32, #tpu.memory_space<vmem_shared>>
        tpu.wait_indirect_dma semaphore(%run_scoped3A_111 : memref<!tpu.dma_semaphore, #tpu.memory_space<semaphore_mem>>) src(%arg9 : memref<125x128xf32, #tpu.memory_space<vmem>>) dst(%dma_wait3A_123 : memref<10112x128xf32, #tpu.memory_space<vmem_shared>>)
        tpu.yield
      }) : () -> ()
      %add3A_85 = arith.constant 2 : i32
      %add3A_86 = arith.addi %mul3A_78, %add3A_85 : i32
      %dma_start3A_87 = arith.constant 0 : i32
      %dma_start3A_88 = tpu.memref_slice %arg7[%add3A_86, %dma_start3A_87] : memref<40x125xi32, #tpu.memory_space<vmem>> -> memref<1x125xi32, #tpu.memory_space<vmem>>
      %dma_start3A_89 = tpu.memref_squeeze %dma_start3A_88 : memref<1x125xi32, #tpu.memory_space<vmem>> -> memref<125xi32, #tpu.memory_space<vmem>>
      %dma_start3A_90 = arith.constant 0 : i32
      %dma_start3A_91 = arith.constant 0 : i32
      %dma_start3A_92 = tpu.memref_slice %arg2[%dma_start3A_90, %dma_start3A_91] : memref<10000x128xf32, #tpu.memory_space<hbm>> -> memref<10000x128xf32, #tpu.memory_space<hbm>>
      tpu.enqueue_indirect_dma source(%dma_start3A_92 : memref<10000x128xf32, #tpu.memory_space<hbm>>) target(%arg9 : memref<125x128xf32, #tpu.memory_space<vmem>>) offsets(%dma_start3A_89 : memref<125xi32, #tpu.memory_space<vmem>>) semaphore(%arg12 : memref<!tpu.dma_semaphore, #tpu.memory_space<semaphore_mem>>)
      %add3A_93 = arith.constant 1 : i32
      %add3A_94 = arith.addi %mul3A_78, %add3A_93 : i32
      %dma_wait3A_95 = arith.constant 0 : i32
      %dma_wait3A_96 = tpu.memref_slice %arg7[%add3A_94, %dma_wait3A_95] : memref<40x125xi32, #tpu.memory_space<vmem>> -> memref<1x125xi32, #tpu.memory_space<vmem>>
      %dma_wait3A_97 = tpu.memref_squeeze %dma_wait3A_96 : memref<1x125xi32, #tpu.memory_space<vmem>> -> memref<125xi32, #tpu.memory_space<vmem>>
      %dma_wait3A_98 = arith.constant 0 : i32
      %dma_wait3A_99 = arith.constant 0 : i32
      %dma_wait3A_100 = tpu.memref_slice %arg2[%dma_wait3A_98, %dma_wait3A_99] : memref<10000x128xf32, #tpu.memory_space<hbm>> -> memref<10000x128xf32, #tpu.memory_space<hbm>>
      tpu.wait_indirect_dma semaphore(%arg13 : memref<!tpu.dma_semaphore, #tpu.memory_space<semaphore_mem>>) src(%dma_wait3A_100 : memref<10000x128xf32, #tpu.memory_space<hbm>>) dst(%arg10 : memref<125x128xf32, #tpu.memory_space<vmem>>)
      %add3A_101 = arith.constant 1 : i32
      %add3A_102 = arith.addi %mul3A_78, %add3A_101 : i32
      "tpu.region"() ({
        %run_scoped3A_111 = tpu.sem_alloc : memref<!tpu.dma_semaphore, #tpu.memory_space<semaphore_mem>>
        %dma_start3A_112 = arith.constant 0 : i32
        %dma_start3A_113 = tpu.memref_slice %arg8[%add3A_102, %dma_start3A_112] : memref<40x125xi32, #tpu.memory_space<vmem>> -> memref<1x125xi32, #tpu.memory_space<vmem>>
        %dma_start3A_114 = tpu.memref_squeeze %dma_start3A_113 : memref<1x125xi32, #tpu.memory_space<vmem>> -> memref<125xi32, #tpu.memory_space<vmem>>
        %dma_start3A_115 = arith.constant 0 : i32
        %dma_start3A_116 = arith.constant 0 : i32
        %dma_start3A_117 = tpu.memref_slice %arg11[%dma_start3A_115, %dma_start3A_116] : memref<10112x128xf32, #tpu.memory_space<vmem_shared>> -> memref<10112x128xf32, #tpu.memory_space<vmem_shared>>
        tpu.enqueue_indirect_dma source(%arg10 : memref<125x128xf32, #tpu.memory_space<vmem>>) target(%dma_start3A_117 : memref<10112x128xf32, #tpu.memory_space<vmem_shared>>) offsets(%dma_start3A_114 : memref<125xi32, #tpu.memory_space<vmem>>) semaphore(%run_scoped3A_111 : memref<!tpu.dma_semaphore, #tpu.memory_space<semaphore_mem>>) {add = true}
        %dma_wait3A_118 = arith.constant 0 : i32
        %dma_wait3A_119 = tpu.memref_slice %arg8[%add3A_102, %dma_wait3A_118] : memref<40x125xi32, #tpu.memory_space<vmem>> -> memref<1x125xi32, #tpu.memory_space<vmem>>
        %dma_wait3A_120 = tpu.memref_squeeze %dma_wait3A_119 : memref<1x125xi32, #tpu.memory_space<vmem>> -> memref<125xi32, #tpu.memory_space<vmem>>
        %dma_wait3A_121 = arith.constant 0 : i32
        %dma_wait3A_122 = arith.constant 0 : i32
        %dma_wait3A_123 = tpu.memref_slice %arg11[%dma_wait3A_121, %dma_wait3A_122] : memref<10112x128xf32, #tpu.memory_space<vmem_shared>> -> memref<10112x128xf32, #tpu.memory_space<vmem_shared>>
        tpu.wait_indirect_dma semaphore(%run_scoped3A_111 : memref<!tpu.dma_semaphore, #tpu.memory_space<semaphore_mem>>) src(%arg10 : memref<125x128xf32, #tpu.memory_space<vmem>>) dst(%dma_wait3A_123 : memref<10112x128xf32, #tpu.memory_space<vmem_shared>>)
        tpu.yield
      }) : () -> ()
      %add3A_103 = arith.constant 3 : i32
      %add3A_104 = arith.addi %mul3A_78, %add3A_103 : i32
      %dma_start3A_105 = arith.constant 0 : i32
      %dma_start3A_106 = tpu.memref_slice %arg7[%add3A_104, %dma_start3A_105] : memref<40x125xi32, #tpu.memory_space<vmem>> -> memref<1x125xi32, #tpu.memory_space<vmem>>
      %dma_start3A_107 = tpu.memref_squeeze %dma_start3A_106 : memref<1x125xi32, #tpu.memory_space<vmem>> -> memref<125xi32, #tpu.memory_space<vmem>>
      %dma_start3A_108 = arith.constant 0 : i32
      %dma_start3A_109 = arith.constant 0 : i32
      %dma_start3A_110 = tpu.memref_slice %arg2[%dma_start3A_108, %dma_start3A_109] : memref<10000x128xf32, #tpu.memory_space<hbm>> -> memref<10000x128xf32, #tpu.memory_space<hbm>>
      tpu.enqueue_indirect_dma source(%dma_start3A_110 : memref<10000x128xf32, #tpu.memory_space<hbm>>) target(%arg10 : memref<125x128xf32, #tpu.memory_space<vmem>>) offsets(%dma_start3A_107 : memref<125xi32, #tpu.memory_space<vmem>>) semaphore(%arg13 : memref<!tpu.dma_semaphore, #tpu.memory_space<semaphore_mem>>)
    }
    %scan3A_20 = arith.constant 19 : i32
    %dma_wait3A = arith.constant 38 : i32
    %dma_wait3A_21 = arith.constant 0 : i32
    %dma_wait3A_22 = tpu.memref_slice %arg7[%dma_wait3A, %dma_wait3A_21] : memref<40x125xi32, #tpu.memory_space<vmem>> -> memref<1x125xi32, #tpu.memory_space<vmem>>
    %dma_wait3A_23 = tpu.memref_squeeze %dma_wait3A_22 : memref<1x125xi32, #tpu.memory_space<vmem>> -> memref<125xi32, #tpu.memory_space<vmem>>
    %dma_wait3A_24 = arith.constant 0 : i32
    %dma_wait3A_25 = arith.constant 0 : i32
    %dma_wait3A_26 = tpu.memref_slice %arg2[%dma_wait3A_24, %dma_wait3A_25] : memref<10000x128xf32, #tpu.memory_space<hbm>> -> memref<10000x128xf32, #tpu.memory_space<hbm>>
    tpu.wait_indirect_dma semaphore(%arg12 : memref<!tpu.dma_semaphore, #tpu.memory_space<semaphore_mem>>) src(%dma_wait3A_26 : memref<10000x128xf32, #tpu.memory_space<hbm>>) dst(%arg9 : memref<125x128xf32, #tpu.memory_space<vmem>>)
    %run_scoped3A = arith.constant 38 : i32
    "tpu.region"() ({
      %run_scoped3A_76 = tpu.sem_alloc : memref<!tpu.dma_semaphore, #tpu.memory_space<semaphore_mem>>
      %dma_start3A_77 = arith.constant 0 : i32
      %dma_start3A_78 = tpu.memref_slice %arg8[%run_scoped3A, %dma_start3A_77] : memref<40x125xi32, #tpu.memory_space<vmem>> -> memref<1x125xi32, #tpu.memory_space<vmem>>
      %dma_start3A_79 = tpu.memref_squeeze %dma_start3A_78 : memref<1x125xi32, #tpu.memory_space<vmem>> -> memref<125xi32, #tpu.memory_space<vmem>>
      %dma_start3A_80 = arith.constant 0 : i32
      %dma_start3A_81 = arith.constant 0 : i32
      %dma_start3A_82 = tpu.memref_slice %arg11[%dma_start3A_80, %dma_start3A_81] : memref<10112x128xf32, #tpu.memory_space<vmem_shared>> -> memref<10112x128xf32, #tpu.memory_space<vmem_shared>>
      tpu.enqueue_indirect_dma source(%arg9 : memref<125x128xf32, #tpu.memory_space<vmem>>) target(%dma_start3A_82 : memref<10112x128xf32, #tpu.memory_space<vmem_shared>>) offsets(%dma_start3A_79 : memref<125xi32, #tpu.memory_space<vmem>>) semaphore(%run_scoped3A_76 : memref<!tpu.dma_semaphore, #tpu.memory_space<semaphore_mem>>) {add = true}
      %dma_wait3A_83 = arith.constant 0 : i32
      %dma_wait3A_84 = tpu.memref_slice %arg8[%run_scoped3A, %dma_wait3A_83] : memref<40x125xi32, #tpu.memory_space<vmem>> -> memref<1x125xi32, #tpu.memory_space<vmem>>
      %dma_wait3A_85 = tpu.memref_squeeze %dma_wait3A_84 : memref<1x125xi32, #tpu.memory_space<vmem>> -> memref<125xi32, #tpu.memory_space<vmem>>
      %dma_wait3A_86 = arith.constant 0 : i32
      %dma_wait3A_87 = arith.constant 0 : i32
      %dma_wait3A_88 = tpu.memref_slice %arg11[%dma_wait3A_86, %dma_wait3A_87] : memref<10112x128xf32, #tpu.memory_space<vmem_shared>> -> memref<10112x128xf32, #tpu.memory_space<vmem_shared>>
      tpu.wait_indirect_dma semaphore(%run_scoped3A_76 : memref<!tpu.dma_semaphore, #tpu.memory_space<semaphore_mem>>) src(%arg9 : memref<125x128xf32, #tpu.memory_space<vmem>>) dst(%dma_wait3A_88 : memref<10112x128xf32, #tpu.memory_space<vmem_shared>>)
      tpu.yield
    }) : () -> ()
    %dma_wait3A_27 = arith.constant 39 : i32
    %dma_wait3A_28 = arith.constant 0 : i32
    %dma_wait3A_29 = tpu.memref_slice %arg7[%dma_wait3A_27, %dma_wait3A_28] : memref<40x125xi32, #tpu.memory_space<vmem>> -> memref<1x125xi32, #tpu.memory_space<vmem>>
    %dma_wait3A_30 = tpu.memref_squeeze %dma_wait3A_29 : memref<1x125xi32, #tpu.memory_space<vmem>> -> memref<125xi32, #tpu.memory_space<vmem>>
    %dma_wait3A_31 = arith.constant 0 : i32
    %dma_wait3A_32 = arith.constant 0 : i32
    %dma_wait3A_33 = tpu.memref_slice %arg2[%dma_wait3A_31, %dma_wait3A_32] : memref<10000x128xf32, #tpu.memory_space<hbm>> -> memref<10000x128xf32, #tpu.memory_space<hbm>>
    tpu.wait_indirect_dma semaphore(%arg13 : memref<!tpu.dma_semaphore, #tpu.memory_space<semaphore_mem>>) src(%dma_wait3A_33 : memref<10000x128xf32, #tpu.memory_space<hbm>>) dst(%arg10 : memref<125x128xf32, #tpu.memory_space<vmem>>)
    %run_scoped3A_34 = arith.constant 39 : i32
    "tpu.region"() ({
      %run_scoped3A_76 = tpu.sem_alloc : memref<!tpu.dma_semaphore, #tpu.memory_space<semaphore_mem>>
      %dma_start3A_77 = arith.constant 0 : i32
      %dma_start3A_78 = tpu.memref_slice %arg8[%run_scoped3A_34, %dma_start3A_77] : memref<40x125xi32, #tpu.memory_space<vmem>> -> memref<1x125xi32, #tpu.memory_space<vmem>>
      %dma_start3A_79 = tpu.memref_squeeze %dma_start3A_78 : memref<1x125xi32, #tpu.memory_space<vmem>> -> memref<125xi32, #tpu.memory_space<vmem>>
      %dma_start3A_80 = arith.constant 0 : i32
      %dma_start3A_81 = arith.constant 0 : i32
      %dma_start3A_82 = tpu.memref_slice %arg11[%dma_start3A_80, %dma_start3A_81] : memref<10112x128xf32, #tpu.memory_space<vmem_shared>> -> memref<10112x128xf32, #tpu.memory_space<vmem_shared>>
      tpu.enqueue_indirect_dma source(%arg10 : memref<125x128xf32, #tpu.memory_space<vmem>>) target(%dma_start3A_82 : memref<10112x128xf32, #tpu.memory_space<vmem_shared>>) offsets(%dma_start3A_79 : memref<125xi32, #tpu.memory_space<vmem>>) semaphore(%run_scoped3A_76 : memref<!tpu.dma_semaphore, #tpu.memory_space<semaphore_mem>>) {add = true}
      %dma_wait3A_83 = arith.constant 0 : i32
      %dma_wait3A_84 = tpu.memref_slice %arg8[%run_scoped3A_34, %dma_wait3A_83] : memref<40x125xi32, #tpu.memory_space<vmem>> -> memref<1x125xi32, #tpu.memory_space<vmem>>
      %dma_wait3A_85 = tpu.memref_squeeze %dma_wait3A_84 : memref<1x125xi32, #tpu.memory_space<vmem>> -> memref<125xi32, #tpu.memory_space<vmem>>
      %dma_wait3A_86 = arith.constant 0 : i32
      %dma_wait3A_87 = arith.constant 0 : i32
      %dma_wait3A_88 = tpu.memref_slice %arg11[%dma_wait3A_86, %dma_wait3A_87] : memref<10112x128xf32, #tpu.memory_space<vmem_shared>> -> memref<10112x128xf32, #tpu.memory_space<vmem_shared>>
      tpu.wait_indirect_dma semaphore(%run_scoped3A_76 : memref<!tpu.dma_semaphore, #tpu.memory_space<semaphore_mem>>) src(%arg10 : memref<125x128xf32, #tpu.memory_space<vmem>>) dst(%dma_wait3A_88 : memref<10112x128xf32, #tpu.memory_space<vmem_shared>>)
      tpu.yield
    }) : () -> ()
    "tpu.region"() ({
      %run_scoped3A_76 = tpu.sem_alloc : memref<!tpu.dma_semaphore, #tpu.memory_space<semaphore_mem>>
      %dma_start3A_77 = arith.constant 40 : i32
      %dma_start3A_78 = arith.constant 0 : i32
      %dma_start3A_79 = tpu.memref_slice %arg3[%add3A, %dma_start3A_77, %dma_start3A_78] : memref<32x80x125xi32, #tpu.memory_space<hbm>> -> memref<1x40x125xi32, #tpu.memory_space<hbm>>
      %dma_start3A_80 = tpu.memref_squeeze %dma_start3A_79 : memref<1x40x125xi32, #tpu.memory_space<hbm>> -> memref<40x125xi32, #tpu.memory_space<hbm>>
      %dma_start3A_81 = arith.constant 40 : i32
      %dma_start3A_82 = arith.constant 0 : i32
      %dma_start3A_83 = tpu.memref_slice %arg3[%add3A, %dma_start3A_81, %dma_start3A_82] : memref<32x80x125xi32, #tpu.memory_space<hbm>> -> memref<1x40x125xi32, #tpu.memory_space<hbm>>
      %dma_start3A_84 = tpu.memref_squeeze %dma_start3A_83 : memref<1x40x125xi32, #tpu.memory_space<hbm>> -> memref<40x125xi32, #tpu.memory_space<hbm>>
      tpu.enqueue_dma source(%dma_start3A_84 : memref<40x125xi32, #tpu.memory_space<hbm>>) target(%arg7 : memref<40x125xi32, #tpu.memory_space<vmem>>) target_semaphore(%run_scoped3A_76 : memref<!tpu.dma_semaphore, #tpu.memory_space<semaphore_mem>>)
      %dma_wait3A_85 = arith.constant 40 : i32
      %dma_wait3A_86 = arith.constant 0 : i32
      %dma_wait3A_87 = tpu.memref_slice %arg3[%add3A, %dma_wait3A_85, %dma_wait3A_86] : memref<32x80x125xi32, #tpu.memory_space<hbm>> -> memref<1x40x125xi32, #tpu.memory_space<hbm>>
      %dma_wait3A_88 = tpu.memref_squeeze %dma_wait3A_87 : memref<1x40x125xi32, #tpu.memory_space<hbm>> -> memref<40x125xi32, #tpu.memory_space<hbm>>
      %dma_wait3A_89 = arith.constant 40 : i32
      %dma_wait3A_90 = arith.constant 0 : i32
      %dma_wait3A_91 = tpu.memref_slice %arg3[%add3A, %dma_wait3A_89, %dma_wait3A_90] : memref<32x80x125xi32, #tpu.memory_space<hbm>> -> memref<1x40x125xi32, #tpu.memory_space<hbm>>
      %dma_wait3A_92 = tpu.memref_squeeze %dma_wait3A_91 : memref<1x40x125xi32, #tpu.memory_space<hbm>> -> memref<40x125xi32, #tpu.memory_space<hbm>>
      tpu.wait_dma2 semaphore(%run_scoped3A_76 : memref<!tpu.dma_semaphore, #tpu.memory_space<semaphore_mem>>) src(%dma_wait3A_92 : memref<40x125xi32, #tpu.memory_space<hbm>>) dst(%arg7 : memref<40x125xi32, #tpu.memory_space<vmem>>)
      tpu.yield
    }) : () -> ()
    "tpu.region"() ({
      %run_scoped3A_76 = tpu.sem_alloc : memref<!tpu.dma_semaphore, #tpu.memory_space<semaphore_mem>>
      %dma_start3A_77 = arith.constant 40 : i32
      %dma_start3A_78 = arith.constant 0 : i32
      %dma_start3A_79 = tpu.memref_slice %arg4[%add3A, %dma_start3A_77, %dma_start3A_78] : memref<32x80x125xi32, #tpu.memory_space<hbm>> -> memref<1x40x125xi32, #tpu.memory_space<hbm>>
      %dma_start3A_80 = tpu.memref_squeeze %dma_start3A_79 : memref<1x40x125xi32, #tpu.memory_space<hbm>> -> memref<40x125xi32, #tpu.memory_space<hbm>>
      %dma_start3A_81 = arith.constant 40 : i32
      %dma_start3A_82 = arith.constant 0 : i32
      %dma_start3A_83 = tpu.memref_slice %arg4[%add3A, %dma_start3A_81, %dma_start3A_82] : memref<32x80x125xi32, #tpu.memory_space<hbm>> -> memref<1x40x125xi32, #tpu.memory_space<hbm>>
      %dma_start3A_84 = tpu.memref_squeeze %dma_start3A_83 : memref<1x40x125xi32, #tpu.memory_space<hbm>> -> memref<40x125xi32, #tpu.memory_space<hbm>>
      tpu.enqueue_dma source(%dma_start3A_84 : memref<40x125xi32, #tpu.memory_space<hbm>>) target(%arg8 : memref<40x125xi32, #tpu.memory_space<vmem>>) target_semaphore(%run_scoped3A_76 : memref<!tpu.dma_semaphore, #tpu.memory_space<semaphore_mem>>)
      %dma_wait3A_85 = arith.constant 40 : i32
      %dma_wait3A_86 = arith.constant 0 : i32
      %dma_wait3A_87 = tpu.memref_slice %arg4[%add3A, %dma_wait3A_85, %dma_wait3A_86] : memref<32x80x125xi32, #tpu.memory_space<hbm>> -> memref<1x40x125xi32, #tpu.memory_space<hbm>>
      %dma_wait3A_88 = tpu.memref_squeeze %dma_wait3A_87 : memref<1x40x125xi32, #tpu.memory_space<hbm>> -> memref<40x125xi32, #tpu.memory_space<hbm>>
      %dma_wait3A_89 = arith.constant 40 : i32
      %dma_wait3A_90 = arith.constant 0 : i32
      %dma_wait3A_91 = tpu.memref_slice %arg4[%add3A, %dma_wait3A_89, %dma_wait3A_90] : memref<32x80x125xi32, #tpu.memory_space<hbm>> -> memref<1x40x125xi32, #tpu.memory_space<hbm>>
      %dma_wait3A_92 = tpu.memref_squeeze %dma_wait3A_91 : memref<1x40x125xi32, #tpu.memory_space<hbm>> -> memref<40x125xi32, #tpu.memory_space<hbm>>
      tpu.wait_dma2 semaphore(%run_scoped3A_76 : memref<!tpu.dma_semaphore, #tpu.memory_space<semaphore_mem>>) src(%dma_wait3A_92 : memref<40x125xi32, #tpu.memory_space<hbm>>) dst(%arg8 : memref<40x125xi32, #tpu.memory_space<vmem>>)
      tpu.yield
    }) : () -> ()
    %dma_start3A_35 = arith.constant 0 : i32
    %dma_start3A_36 = arith.constant 0 : i32
    %dma_start3A_37 = tpu.memref_slice %arg7[%dma_start3A_35, %dma_start3A_36] : memref<40x125xi32, #tpu.memory_space<vmem>> -> memref<1x125xi32, #tpu.memory_space<vmem>>
    %dma_start3A_38 = tpu.memref_squeeze %dma_start3A_37 : memref<1x125xi32, #tpu.memory_space<vmem>> -> memref<125xi32, #tpu.memory_space<vmem>>
    %dma_start3A_39 = arith.constant 0 : i32
    %dma_start3A_40 = arith.constant 0 : i32
    %dma_start3A_41 = tpu.memref_slice %arg2[%dma_start3A_39, %dma_start3A_40] : memref<10000x128xf32, #tpu.memory_space<hbm>> -> memref<10000x128xf32, #tpu.memory_space<hbm>>
    tpu.enqueue_indirect_dma source(%dma_start3A_41 : memref<10000x128xf32, #tpu.memory_space<hbm>>) target(%arg9 : memref<125x128xf32, #tpu.memory_space<vmem>>) offsets(%dma_start3A_38 : memref<125xi32, #tpu.memory_space<vmem>>) semaphore(%arg12 : memref<!tpu.dma_semaphore, #tpu.memory_space<semaphore_mem>>)
    %dma_start3A_42 = arith.constant 1 : i32
    %dma_start3A_43 = arith.constant 0 : i32
    %dma_start3A_44 = tpu.memref_slice %arg7[%dma_start3A_42, %dma_start3A_43] : memref<40x125xi32, #tpu.memory_space<vmem>> -> memref<1x125xi32, #tpu.memory_space<vmem>>
    %dma_start3A_45 = tpu.memref_squeeze %dma_start3A_44 : memref<1x125xi32, #tpu.memory_space<vmem>> -> memref<125xi32, #tpu.memory_space<vmem>>
    %dma_start3A_46 = arith.constant 0 : i32
    %dma_start3A_47 = arith.constant 0 : i32
    %dma_start3A_48 = tpu.memref_slice %arg2[%dma_start3A_46, %dma_start3A_47] : memref<10000x128xf32, #tpu.memory_space<hbm>> -> memref<10000x128xf32, #tpu.memory_space<hbm>>
    tpu.enqueue_indirect_dma source(%dma_start3A_48 : memref<10000x128xf32, #tpu.memory_space<hbm>>) target(%arg10 : memref<125x128xf32, #tpu.memory_space<vmem>>) offsets(%dma_start3A_45 : memref<125xi32, #tpu.memory_space<vmem>>) semaphore(%arg13 : memref<!tpu.dma_semaphore, #tpu.memory_space<semaphore_mem>>)
    %scan3A_49 = arith.constant 0 : i32
    %scan3A_50 = arith.constant 0 : i32
    %scan3A_51 = arith.constant 19 : i32
    %scan3A_52 = arith.addi %scan3A_50, %scan3A_51 : i32
    %scan3A_53 = arith.constant 1 : i32
    scf.for %scan3A_76 = %scan3A_50 to %scan3A_52 step %scan3A_53  : i32 {
      %mul3A_77 = arith.constant 2 : i32
      %mul3A_78 = arith.muli %mul3A_77, %scan3A_76 : i32
      %dma_wait3A_79 = arith.constant 0 : i32
      %dma_wait3A_80 = tpu.memref_slice %arg7[%mul3A_78, %dma_wait3A_79] : memref<40x125xi32, #tpu.memory_space<vmem>> -> memref<1x125xi32, #tpu.memory_space<vmem>>
      %dma_wait3A_81 = tpu.memref_squeeze %dma_wait3A_80 : memref<1x125xi32, #tpu.memory_space<vmem>> -> memref<125xi32, #tpu.memory_space<vmem>>
      %dma_wait3A_82 = arith.constant 0 : i32
      %dma_wait3A_83 = arith.constant 0 : i32
      %dma_wait3A_84 = tpu.memref_slice %arg2[%dma_wait3A_82, %dma_wait3A_83] : memref<10000x128xf32, #tpu.memory_space<hbm>> -> memref<10000x128xf32, #tpu.memory_space<hbm>>
      tpu.wait_indirect_dma semaphore(%arg12 : memref<!tpu.dma_semaphore, #tpu.memory_space<semaphore_mem>>) src(%dma_wait3A_84 : memref<10000x128xf32, #tpu.memory_space<hbm>>) dst(%arg9 : memref<125x128xf32, #tpu.memory_space<vmem>>)
      "tpu.region"() ({
        %run_scoped3A_111 = tpu.sem_alloc : memref<!tpu.dma_semaphore, #tpu.memory_space<semaphore_mem>>
        %dma_start3A_112 = arith.constant 0 : i32
        %dma_start3A_113 = tpu.memref_slice %arg8[%mul3A_78, %dma_start3A_112] : memref<40x125xi32, #tpu.memory_space<vmem>> -> memref<1x125xi32, #tpu.memory_space<vmem>>
        %dma_start3A_114 = tpu.memref_squeeze %dma_start3A_113 : memref<1x125xi32, #tpu.memory_space<vmem>> -> memref<125xi32, #tpu.memory_space<vmem>>
        %dma_start3A_115 = arith.constant 0 : i32
        %dma_start3A_116 = arith.constant 0 : i32
        %dma_start3A_117 = tpu.memref_slice %arg11[%dma_start3A_115, %dma_start3A_116] : memref<10112x128xf32, #tpu.memory_space<vmem_shared>> -> memref<10112x128xf32, #tpu.memory_space<vmem_shared>>
        tpu.enqueue_indirect_dma source(%arg9 : memref<125x128xf32, #tpu.memory_space<vmem>>) target(%dma_start3A_117 : memref<10112x128xf32, #tpu.memory_space<vmem_shared>>) offsets(%dma_start3A_114 : memref<125xi32, #tpu.memory_space<vmem>>) semaphore(%run_scoped3A_111 : memref<!tpu.dma_semaphore, #tpu.memory_space<semaphore_mem>>) {add = true}
        %dma_wait3A_118 = arith.constant 0 : i32
        %dma_wait3A_119 = tpu.memref_slice %arg8[%mul3A_78, %dma_wait3A_118] : memref<40x125xi32, #tpu.memory_space<vmem>> -> memref<1x125xi32, #tpu.memory_space<vmem>>
        %dma_wait3A_120 = tpu.memref_squeeze %dma_wait3A_119 : memref<1x125xi32, #tpu.memory_space<vmem>> -> memref<125xi32, #tpu.memory_space<vmem>>
        %dma_wait3A_121 = arith.constant 0 : i32
        %dma_wait3A_122 = arith.constant 0 : i32
        %dma_wait3A_123 = tpu.memref_slice %arg11[%dma_wait3A_121, %dma_wait3A_122] : memref<10112x128xf32, #tpu.memory_space<vmem_shared>> -> memref<10112x128xf32, #tpu.memory_space<vmem_shared>>
        tpu.wait_indirect_dma semaphore(%run_scoped3A_111 : memref<!tpu.dma_semaphore, #tpu.memory_space<semaphore_mem>>) src(%arg9 : memref<125x128xf32, #tpu.memory_space<vmem>>) dst(%dma_wait3A_123 : memref<10112x128xf32, #tpu.memory_space<vmem_shared>>)
        tpu.yield
      }) : () -> ()
      %add3A_85 = arith.constant 2 : i32
      %add3A_86 = arith.addi %mul3A_78, %add3A_85 : i32
      %dma_start3A_87 = arith.constant 0 : i32
      %dma_start3A_88 = tpu.memref_slice %arg7[%add3A_86, %dma_start3A_87] : memref<40x125xi32, #tpu.memory_space<vmem>> -> memref<1x125xi32, #tpu.memory_space<vmem>>
      %dma_start3A_89 = tpu.memref_squeeze %dma_start3A_88 : memref<1x125xi32, #tpu.memory_space<vmem>> -> memref<125xi32, #tpu.memory_space<vmem>>
      %dma_start3A_90 = arith.constant 0 : i32
      %dma_start3A_91 = arith.constant 0 : i32
      %dma_start3A_92 = tpu.memref_slice %arg2[%dma_start3A_90, %dma_start3A_91] : memref<10000x128xf32, #tpu.memory_space<hbm>> -> memref<10000x128xf32, #tpu.memory_space<hbm>>
      tpu.enqueue_indirect_dma source(%dma_start3A_92 : memref<10000x128xf32, #tpu.memory_space<hbm>>) target(%arg9 : memref<125x128xf32, #tpu.memory_space<vmem>>) offsets(%dma_start3A_89 : memref<125xi32, #tpu.memory_space<vmem>>) semaphore(%arg12 : memref<!tpu.dma_semaphore, #tpu.memory_space<semaphore_mem>>)
      %add3A_93 = arith.constant 1 : i32
      %add3A_94 = arith.addi %mul3A_78, %add3A_93 : i32
      %dma_wait3A_95 = arith.constant 0 : i32
      %dma_wait3A_96 = tpu.memref_slice %arg7[%add3A_94, %dma_wait3A_95] : memref<40x125xi32, #tpu.memory_space<vmem>> -> memref<1x125xi32, #tpu.memory_space<vmem>>
      %dma_wait3A_97 = tpu.memref_squeeze %dma_wait3A_96 : memref<1x125xi32, #tpu.memory_space<vmem>> -> memref<125xi32, #tpu.memory_space<vmem>>
      %dma_wait3A_98 = arith.constant 0 : i32
      %dma_wait3A_99 = arith.constant 0 : i32
      %dma_wait3A_100 = tpu.memref_slice %arg2[%dma_wait3A_98, %dma_wait3A_99] : memref<10000x128xf32, #tpu.memory_space<hbm>> -> memref<10000x128xf32, #tpu.memory_space<hbm>>
      tpu.wait_indirect_dma semaphore(%arg13 : memref<!tpu.dma_semaphore, #tpu.memory_space<semaphore_mem>>) src(%dma_wait3A_100 : memref<10000x128xf32, #tpu.memory_space<hbm>>) dst(%arg10 : memref<125x128xf32, #tpu.memory_space<vmem>>)
      %add3A_101 = arith.constant 1 : i32
      %add3A_102 = arith.addi %mul3A_78, %add3A_101 : i32
      "tpu.region"() ({
        %run_scoped3A_111 = tpu.sem_alloc : memref<!tpu.dma_semaphore, #tpu.memory_space<semaphore_mem>>
        %dma_start3A_112 = arith.constant 0 : i32
        %dma_start3A_113 = tpu.memref_slice %arg8[%add3A_102, %dma_start3A_112] : memref<40x125xi32, #tpu.memory_space<vmem>> -> memref<1x125xi32, #tpu.memory_space<vmem>>
        %dma_start3A_114 = tpu.memref_squeeze %dma_start3A_113 : memref<1x125xi32, #tpu.memory_space<vmem>> -> memref<125xi32, #tpu.memory_space<vmem>>
        %dma_start3A_115 = arith.constant 0 : i32
        %dma_start3A_116 = arith.constant 0 : i32
        %dma_start3A_117 = tpu.memref_slice %arg11[%dma_start3A_115, %dma_start3A_116] : memref<10112x128xf32, #tpu.memory_space<vmem_shared>> -> memref<10112x128xf32, #tpu.memory_space<vmem_shared>>
        tpu.enqueue_indirect_dma source(%arg10 : memref<125x128xf32, #tpu.memory_space<vmem>>) target(%dma_start3A_117 : memref<10112x128xf32, #tpu.memory_space<vmem_shared>>) offsets(%dma_start3A_114 : memref<125xi32, #tpu.memory_space<vmem>>) semaphore(%run_scoped3A_111 : memref<!tpu.dma_semaphore, #tpu.memory_space<semaphore_mem>>) {add = true}
        %dma_wait3A_118 = arith.constant 0 : i32
        %dma_wait3A_119 = tpu.memref_slice %arg8[%add3A_102, %dma_wait3A_118] : memref<40x125xi32, #tpu.memory_space<vmem>> -> memref<1x125xi32, #tpu.memory_space<vmem>>
        %dma_wait3A_120 = tpu.memref_squeeze %dma_wait3A_119 : memref<1x125xi32, #tpu.memory_space<vmem>> -> memref<125xi32, #tpu.memory_space<vmem>>
        %dma_wait3A_121 = arith.constant 0 : i32
        %dma_wait3A_122 = arith.constant 0 : i32
        %dma_wait3A_123 = tpu.memref_slice %arg11[%dma_wait3A_121, %dma_wait3A_122] : memref<10112x128xf32, #tpu.memory_space<vmem_shared>> -> memref<10112x128xf32, #tpu.memory_space<vmem_shared>>
        tpu.wait_indirect_dma semaphore(%run_scoped3A_111 : memref<!tpu.dma_semaphore, #tpu.memory_space<semaphore_mem>>) src(%arg10 : memref<125x128xf32, #tpu.memory_space<vmem>>) dst(%dma_wait3A_123 : memref<10112x128xf32, #tpu.memory_space<vmem_shared>>)
        tpu.yield
      }) : () -> ()
      %add3A_103 = arith.constant 3 : i32
      %add3A_104 = arith.addi %mul3A_78, %add3A_103 : i32
      %dma_start3A_105 = arith.constant 0 : i32
      %dma_start3A_106 = tpu.memref_slice %arg7[%add3A_104, %dma_start3A_105] : memref<40x125xi32, #tpu.memory_space<vmem>> -> memref<1x125xi32, #tpu.memory_space<vmem>>
      %dma_start3A_107 = tpu.memref_squeeze %dma_start3A_106 : memref<1x125xi32, #tpu.memory_space<vmem>> -> memref<125xi32, #tpu.memory_space<vmem>>
      %dma_start3A_108 = arith.constant 0 : i32
      %dma_start3A_109 = arith.constant 0 : i32
      %dma_start3A_110 = tpu.memref_slice %arg2[%dma_start3A_108, %dma_start3A_109] : memref<10000x128xf32, #tpu.memory_space<hbm>> -> memref<10000x128xf32, #tpu.memory_space<hbm>>
      tpu.enqueue_indirect_dma source(%dma_start3A_110 : memref<10000x128xf32, #tpu.memory_space<hbm>>) target(%arg10 : memref<125x128xf32, #tpu.memory_space<vmem>>) offsets(%dma_start3A_107 : memref<125xi32, #tpu.memory_space<vmem>>) semaphore(%arg13 : memref<!tpu.dma_semaphore, #tpu.memory_space<semaphore_mem>>)
    }
    %scan3A_54 = arith.constant 19 : i32
    %dma_wait3A_55 = arith.constant 38 : i32
    %dma_wait3A_56 = arith.constant 0 : i32
    %dma_wait3A_57 = tpu.memref_slice %arg7[%dma_wait3A_55, %dma_wait3A_56] : memref<40x125xi32, #tpu.memory_space<vmem>> -> memref<1x125xi32, #tpu.memory_space<vmem>>
    %dma_wait3A_58 = tpu.memref_squeeze %dma_wait3A_57 : memref<1x125xi32, #tpu.memory_space<vmem>> -> memref<125xi32, #tpu.memory_space<vmem>>
    %dma_wait3A_59 = arith.constant 0 : i32
    %dma_wait3A_60 = arith.constant 0 : i32
    %dma_wait3A_61 = tpu.memref_slice %arg2[%dma_wait3A_59, %dma_wait3A_60] : memref<10000x128xf32, #tpu.memory_space<hbm>> -> memref<10000x128xf32, #tpu.memory_space<hbm>>
    tpu.wait_indirect_dma semaphore(%arg12 : memref<!tpu.dma_semaphore, #tpu.memory_space<semaphore_mem>>) src(%dma_wait3A_61 : memref<10000x128xf32, #tpu.memory_space<hbm>>) dst(%arg9 : memref<125x128xf32, #tpu.memory_space<vmem>>)
    %run_scoped3A_62 = arith.constant 38 : i32
    "tpu.region"() ({
      %run_scoped3A_76 = tpu.sem_alloc : memref<!tpu.dma_semaphore, #tpu.memory_space<semaphore_mem>>
      %dma_start3A_77 = arith.constant 0 : i32
      %dma_start3A_78 = tpu.memref_slice %arg8[%run_scoped3A_62, %dma_start3A_77] : memref<40x125xi32, #tpu.memory_space<vmem>> -> memref<1x125xi32, #tpu.memory_space<vmem>>
      %dma_start3A_79 = tpu.memref_squeeze %dma_start3A_78 : memref<1x125xi32, #tpu.memory_space<vmem>> -> memref<125xi32, #tpu.memory_space<vmem>>
      %dma_start3A_80 = arith.constant 0 : i32
      %dma_start3A_81 = arith.constant 0 : i32
      %dma_start3A_82 = tpu.memref_slice %arg11[%dma_start3A_80, %dma_start3A_81] : memref<10112x128xf32, #tpu.memory_space<vmem_shared>> -> memref<10112x128xf32, #tpu.memory_space<vmem_shared>>
      tpu.enqueue_indirect_dma source(%arg9 : memref<125x128xf32, #tpu.memory_space<vmem>>) target(%dma_start3A_82 : memref<10112x128xf32, #tpu.memory_space<vmem_shared>>) offsets(%dma_start3A_79 : memref<125xi32, #tpu.memory_space<vmem>>) semaphore(%run_scoped3A_76 : memref<!tpu.dma_semaphore, #tpu.memory_space<semaphore_mem>>) {add = true}
      %dma_wait3A_83 = arith.constant 0 : i32
      %dma_wait3A_84 = tpu.memref_slice %arg8[%run_scoped3A_62, %dma_wait3A_83] : memref<40x125xi32, #tpu.memory_space<vmem>> -> memref<1x125xi32, #tpu.memory_space<vmem>>
      %dma_wait3A_85 = tpu.memref_squeeze %dma_wait3A_84 : memref<1x125xi32, #tpu.memory_space<vmem>> -> memref<125xi32, #tpu.memory_space<vmem>>
      %dma_wait3A_86 = arith.constant 0 : i32
      %dma_wait3A_87 = arith.constant 0 : i32
      %dma_wait3A_88 = tpu.memref_slice %arg11[%dma_wait3A_86, %dma_wait3A_87] : memref<10112x128xf32, #tpu.memory_space<vmem_shared>> -> memref<10112x128xf32, #tpu.memory_space<vmem_shared>>
      tpu.wait_indirect_dma semaphore(%run_scoped3A_76 : memref<!tpu.dma_semaphore, #tpu.memory_space<semaphore_mem>>) src(%arg9 : memref<125x128xf32, #tpu.memory_space<vmem>>) dst(%dma_wait3A_88 : memref<10112x128xf32, #tpu.memory_space<vmem_shared>>)
      tpu.yield
    }) : () -> ()
    %dma_wait3A_63 = arith.constant 39 : i32
    %dma_wait3A_64 = arith.constant 0 : i32
    %dma_wait3A_65 = tpu.memref_slice %arg7[%dma_wait3A_63, %dma_wait3A_64] : memref<40x125xi32, #tpu.memory_space<vmem>> -> memref<1x125xi32, #tpu.memory_space<vmem>>
    %dma_wait3A_66 = tpu.memref_squeeze %dma_wait3A_65 : memref<1x125xi32, #tpu.memory_space<vmem>> -> memref<125xi32, #tpu.memory_space<vmem>>
    %dma_wait3A_67 = arith.constant 0 : i32
    %dma_wait3A_68 = arith.constant 0 : i32
    %dma_wait3A_69 = tpu.memref_slice %arg2[%dma_wait3A_67, %dma_wait3A_68] : memref<10000x128xf32, #tpu.memory_space<hbm>> -> memref<10000x128xf32, #tpu.memory_space<hbm>>
    tpu.wait_indirect_dma semaphore(%arg13 : memref<!tpu.dma_semaphore, #tpu.memory_space<semaphore_mem>>) src(%dma_wait3A_69 : memref<10000x128xf32, #tpu.memory_space<hbm>>) dst(%arg10 : memref<125x128xf32, #tpu.memory_space<vmem>>)
    %run_scoped3A_70 = arith.constant 39 : i32
    "tpu.region"() ({
      %run_scoped3A_76 = tpu.sem_alloc : memref<!tpu.dma_semaphore, #tpu.memory_space<semaphore_mem>>
      %dma_start3A_77 = arith.constant 0 : i32
      %dma_start3A_78 = tpu.memref_slice %arg8[%run_scoped3A_70, %dma_start3A_77] : memref<40x125xi32, #tpu.memory_space<vmem>> -> memref<1x125xi32, #tpu.memory_space<vmem>>
      %dma_start3A_79 = tpu.memref_squeeze %dma_start3A_78 : memref<1x125xi32, #tpu.memory_space<vmem>> -> memref<125xi32, #tpu.memory_space<vmem>>
      %dma_start3A_80 = arith.constant 0 : i32
      %dma_start3A_81 = arith.constant 0 : i32
      %dma_start3A_82 = tpu.memref_slice %arg11[%dma_start3A_80, %dma_start3A_81] : memref<10112x128xf32, #tpu.memory_space<vmem_shared>> -> memref<10112x128xf32, #tpu.memory_space<vmem_shared>>
      tpu.enqueue_indirect_dma source(%arg10 : memref<125x128xf32, #tpu.memory_space<vmem>>) target(%dma_start3A_82 : memref<10112x128xf32, #tpu.memory_space<vmem_shared>>) offsets(%dma_start3A_79 : memref<125xi32, #tpu.memory_space<vmem>>) semaphore(%run_scoped3A_76 : memref<!tpu.dma_semaphore, #tpu.memory_space<semaphore_mem>>) {add = true}
      %dma_wait3A_83 = arith.constant 0 : i32
      %dma_wait3A_84 = tpu.memref_slice %arg8[%run_scoped3A_70, %dma_wait3A_83] : memref<40x125xi32, #tpu.memory_space<vmem>> -> memref<1x125xi32, #tpu.memory_space<vmem>>
      %dma_wait3A_85 = tpu.memref_squeeze %dma_wait3A_84 : memref<1x125xi32, #tpu.memory_space<vmem>> -> memref<125xi32, #tpu.memory_space<vmem>>
      %dma_wait3A_86 = arith.constant 0 : i32
      %dma_wait3A_87 = arith.constant 0 : i32
      %dma_wait3A_88 = tpu.memref_slice %arg11[%dma_wait3A_86, %dma_wait3A_87] : memref<10112x128xf32, #tpu.memory_space<vmem_shared>> -> memref<10112x128xf32, #tpu.memory_space<vmem_shared>>
      tpu.wait_indirect_dma semaphore(%run_scoped3A_76 : memref<!tpu.dma_semaphore, #tpu.memory_space<semaphore_mem>>) src(%arg10 : memref<125x128xf32, #tpu.memory_space<vmem>>) dst(%dma_wait3A_88 : memref<10112x128xf32, #tpu.memory_space<vmem_shared>>)
      tpu.yield
    }) : () -> ()
    %barrier3A_71 = arith.constant 0 : index
    tpu.barrier barrier_id(%barrier3A_71)
    %mul3A_72 = arith.constant 632 : i32
    %mul3A_73 = arith.muli %arg1, %mul3A_72 : i32
    %mul3A_74 = arith.constant 632 : i32
    %mul3A_75 = arith.muli %arg1, %mul3A_74 : i32
    "tpu.region"() ({
      %run_scoped3A_76 = tpu.sem_alloc : memref<!tpu.dma_semaphore, #tpu.memory_space<semaphore_mem>>
      %dma_start3A_77 = arith.constant 0 : i32
      %dma_start3A_78 = tpu.memref_slice %arg6[%arg0, %mul3A_75, %dma_start3A_77] : memref<2x10112x128xf32, #tpu.memory_space<hbm>> -> memref<1x632x128xf32, #tpu.memory_space<hbm>>
      %dma_start3A_79 = tpu.memref_squeeze %dma_start3A_78 : memref<1x632x128xf32, #tpu.memory_space<hbm>> -> memref<632x128xf32, #tpu.memory_space<hbm>>
      %dma_start3A_80 = arith.constant 0 : i32
      %dma_start3A_81 = tpu.memref_slice %arg11[%mul3A_73, %dma_start3A_80] : memref<10112x128xf32, #tpu.memory_space<vmem_shared>> -> memref<632x128xf32, #tpu.memory_space<vmem_shared>>
      tpu.enqueue_dma source(%dma_start3A_81 : memref<632x128xf32, #tpu.memory_space<vmem_shared>>) target(%dma_start3A_79 : memref<632x128xf32, #tpu.memory_space<hbm>>) target_semaphore(%run_scoped3A_76 : memref<!tpu.dma_semaphore, #tpu.memory_space<semaphore_mem>>)
      %dma_wait3A_82 = arith.constant 0 : i32
      %dma_wait3A_83 = tpu.memref_slice %arg6[%arg0, %mul3A_75, %dma_wait3A_82] : memref<2x10112x128xf32, #tpu.memory_space<hbm>> -> memref<1x632x128xf32, #tpu.memory_space<hbm>>
      %dma_wait3A_84 = tpu.memref_squeeze %dma_wait3A_83 : memref<1x632x128xf32, #tpu.memory_space<hbm>> -> memref<632x128xf32, #tpu.memory_space<hbm>>
      %dma_wait3A_85 = arith.constant 0 : i32
      %dma_wait3A_86 = tpu.memref_slice %arg11[%mul3A_73, %dma_wait3A_85] : memref<10112x128xf32, #tpu.memory_space<vmem_shared>> -> memref<632x128xf32, #tpu.memory_space<vmem_shared>>
      tpu.wait_dma2 semaphore(%run_scoped3A_76 : memref<!tpu.dma_semaphore, #tpu.memory_space<semaphore_mem>>) src(%dma_wait3A_86 : memref<632x128xf32, #tpu.memory_space<vmem_shared>>) dst(%dma_wait3A_84 : memref<632x128xf32, #tpu.memory_space<hbm>>)
      tpu.yield
    }) : () -> ()
    return
  }
}

module attributes {stable_mosaic.version = 14 : i64} {
  func.func @_prep_body(%arg0: i32, %arg1: memref<1000x128xf32, #tpu.memory_space<vmem>>, %arg2: memref<2x1000x16xf32, #tpu.memory_space<vmem>>, %arg3: memref<1000x128xf32, #tpu.memory_space<vmem>>) attributes {dimension_semantics = [#tpu.dimension_semantics<arbitrary>], iteration_bounds = array<i64: 10>, scalar_prefetch = 0 : i64, scratch_operands = 0 : i64, tpu.core_type = #tpu.core_type<tc>, window_params = [{transform_indices = @transform_0, window_bounds = array<i64: 1000, 128>}, {transform_indices = @transform_1, window_bounds = array<i64: 2, 1000, 16>}, {transform_indices = @transform_2, window_bounds = array<i64: 1000, 128>}]} {
    %get3A = arith.constant 0 : index
    %get3A_0 = arith.constant 0 : index
    %get3A_1 = arith.constant 0 : index
    %get3A_2 = vector.load %arg2[%get3A, %get3A_0, %get3A_1] : memref<2x1000x16xf32, #tpu.memory_space<vmem>>, vector<2x1000x16xf32>
    %slice3A = vector.extract_strided_slice %get3A_2 {offsets = [0, 0, 0], sizes = [1, 1000, 1], strides = [1, 1, 1]} : vector<2x1000x16xf32> to vector<1x1000x1xf32>
    %squeeze3A = vector.shape_cast %slice3A : vector<1x1000x1xf32> to vector<1000x1xf32>
    %add3A = arith.constant 1.000000e+00 : f32
    %add3A_3 = vector.broadcast %add3A : f32 to vector<1000x1xf32>
    %add3A_4 = arith.addf %add3A_3, %squeeze3A : vector<1000x1xf32>
    %slice3A_5 = vector.extract_strided_slice %get3A_2 {offsets = [1, 0, 0], sizes = [1, 1000, 1], strides = [1, 1, 1]} : vector<2x1000x16xf32> to vector<1x1000x1xf32>
    %squeeze3A_6 = vector.shape_cast %slice3A_5 : vector<1x1000x1xf32> to vector<1000x1xf32>
    %add3A_7 = arith.addf %add3A_4, %squeeze3A_6 : vector<1000x1xf32>
    %rsqrt3A = math.rsqrt %add3A_7 : vector<1000x1xf32>
    %get3A_8 = arith.constant 0 : index
    %get3A_9 = arith.constant 0 : index
    %get3A_10 = vector.load %arg1[%get3A_8, %get3A_9] : memref<1000x128xf32, #tpu.memory_space<vmem>>, vector<1000x128xf32>
    %max3A = arith.constant 0.000000e+00 : f32
    %max3A_11 = vector.broadcast %max3A : f32 to vector<1000x128xf32>
    %max3A_12 = arith.maximumf %get3A_10, %max3A_11 : vector<1000x128xf32>
    %mul3A = vector.broadcast %rsqrt3A : vector<1000x1xf32> to vector<1000x128xf32>
    %mul3A_13 = arith.mulf %mul3A, %max3A_12 : vector<1000x128xf32>
    %swap3A = arith.constant 0 : index
    %swap3A_14 = arith.constant 0 : index
    %swap3A_15 = vector.load %arg3[%swap3A, %swap3A_14] : memref<1000x128xf32, #tpu.memory_space<vmem>>, vector<1000x128xf32>
    tpu.vector_store %arg3[%swap3A, %swap3A_14], %mul3A_13 {strides = array<i32>} : memref<1000x128xf32, #tpu.memory_space<vmem>>, vector<1000x128xf32>,
    return
  }
  func.func @transform_0(%arg0: i32) -> (i32, i32) {
    %c0_i32 = arith.constant 0 : i32
    %c0_i32_0 = arith.constant 0 : i32
    return %arg0, %c0_i32 : i32, i32
  }
  func.func @transform_1(%arg0: i32) -> (i32, i32, i32) {
    %c0_i32 = arith.constant 0 : i32
    %c0_i32_0 = arith.constant 0 : i32
    %c0_i32_1 = arith.constant 0 : i32
    return %c0_i32, %arg0, %c0_i32_0 : i32, i32, i32
  }
  func.func @transform_2(%arg0: i32) -> (i32, i32) {
    %c0_i32 = arith.constant 0 : i32
    %c0_i32_0 = arith.constant 0 : i32
    return %arg0, %c0_i32 : i32, i32
  }
}

module attributes {stable_mosaic.version = 14 : i64} {
  func.func @_bterm_body(%arg0: i32, %arg1: memref<1000x128xf32, #tpu.memory_space<vmem>>, %arg2: memref<2x128x128xf32, #tpu.memory_space<vmem>>, %arg3: memref<1000x128xf32, #tpu.memory_space<vmem>>, %arg4: memref<1000x128xf32, #tpu.memory_space<vmem>>) attributes {dimension_semantics = [#tpu.dimension_semantics<arbitrary>], iteration_bounds = array<i64: 10>, scalar_prefetch = 0 : i64, scratch_operands = 0 : i64, tpu.core_type = #tpu.core_type<tc>, window_params = [{transform_indices = @transform_0, window_bounds = array<i64: 1000, 128>}, {pipeline_mode = #tpu.pipeline_mode<synchronous>, transform_indices = @transform_1, window_bounds = array<i64: 2, 128, 128>}, {transform_indices = @transform_2, window_bounds = array<i64: 1000, 128>}, {transform_indices = @transform_3, window_bounds = array<i64: 1000, 128>}]} {
    %get3A = arith.constant 0 : index
    %get3A_0 = arith.constant 0 : index
    %get3A_1 = vector.load %arg1[%get3A, %get3A_0] : memref<1000x128xf32, #tpu.memory_space<vmem>>, vector<1000x128xf32>
    %max3A = arith.constant 0.000000e+00 : f32
    %max3A_2 = vector.broadcast %max3A : f32 to vector<1000x128xf32>
    %max3A_3 = arith.maximumf %get3A_1, %max3A_2 : vector<1000x128xf32>
    %mul3A = arith.constant 5.000000e-01 : f32
    %mul3A_4 = vector.broadcast %mul3A : f32 to vector<1000x128xf32>
    %mul3A_5 = arith.mulf %mul3A_4, %max3A_3 : vector<1000x128xf32>
    %mul3A_6 = arith.constant 0.306852818 : f32
    %mul3A_7 = vector.broadcast %mul3A_6 : f32 to vector<1000x128xf32>
    %mul3A_8 = arith.mulf %mul3A_7, %mul3A_5 : vector<1000x128xf32>
    %get3A_9 = arith.constant 0 : index
    %get3A_10 = arith.constant 0 : index
    %get3A_11 = arith.constant 0 : index
    %get3A_12 = vector.load %arg2[%get3A_9, %get3A_10, %get3A_11] : memref<2x128x128xf32, #tpu.memory_space<vmem>>, vector<1x128x128xf32>
    %get3A_13 = vector.shape_cast %get3A_12 : vector<1x128x128xf32> to vector<128x128xf32>
    %dot_general3A = arith.constant dense<0.000000e+00> : vector<1000x128xf32>
    %dot_general3A_14 = tpu.matmul %mul3A_5, %get3A_13, %dot_general3A {dimension_numbers = #tpu.dot_dimension_numbers<[1], [0], [0], [1], [0, 0, 1, 1], [], []>, transpose_lhs_hint = false} : vector<1000x128xf32>, vector<128x128xf32>, vector<1000x128xf32> -> vector<1000x128xf32>
    %mul3A_15 = arith.constant 0.693147182 : f32
    %mul3A_16 = vector.broadcast %mul3A_15 : f32 to vector<1000x128xf32>
    %mul3A_17 = arith.mulf %mul3A_16, %dot_general3A_14 : vector<1000x128xf32>
    %add3A = arith.addf %mul3A_8, %mul3A_17 : vector<1000x128xf32>
    %swap3A = arith.constant 0 : index
    %swap3A_18 = arith.constant 0 : index
    %swap3A_19 = vector.load %arg3[%swap3A, %swap3A_18] : memref<1000x128xf32, #tpu.memory_space<vmem>>, vector<1000x128xf32>
    tpu.vector_store %arg3[%swap3A, %swap3A_18], %add3A {strides = array<i32>} : memref<1000x128xf32, #tpu.memory_space<vmem>>, vector<1000x128xf32>,
    %mul3A_20 = arith.constant 0.594534874 : f32
    %mul3A_21 = vector.broadcast %mul3A_20 : f32 to vector<1000x128xf32>
    %mul3A_22 = arith.mulf %mul3A_21, %mul3A_5 : vector<1000x128xf32>
    %get3A_23 = arith.constant 1 : index
    %get3A_24 = arith.constant 0 : index
    %get3A_25 = arith.constant 0 : index
    %get3A_26 = vector.load %arg2[%get3A_23, %get3A_24, %get3A_25] : memref<2x128x128xf32, #tpu.memory_space<vmem>>, vector<1x128x128xf32>
    %get3A_27 = vector.shape_cast %get3A_26 : vector<1x128x128xf32> to vector<128x128xf32>
    %dot_general3A_28 = arith.constant dense<0.000000e+00> : vector<1000x128xf32>
    %dot_general3A_29 = tpu.matmul %mul3A_5, %get3A_27, %dot_general3A_28 {dimension_numbers = #tpu.dot_dimension_numbers<[1], [0], [0], [1], [0, 0, 1, 1], [], []>, transpose_lhs_hint = false} : vector<1000x128xf32>, vector<128x128xf32>, vector<1000x128xf32> -> vector<1000x128xf32>
    %mul3A_30 = arith.constant 0.405465096 : f32
    %mul3A_31 = vector.broadcast %mul3A_30 : f32 to vector<1000x128xf32>
    %mul3A_32 = arith.mulf %mul3A_31, %dot_general3A_29 : vector<1000x128xf32>
    %add3A_33 = arith.addf %mul3A_22, %mul3A_32 : vector<1000x128xf32>
    %swap3A_34 = arith.constant 0 : index
    %swap3A_35 = arith.constant 0 : index
    %swap3A_36 = vector.load %arg4[%swap3A_34, %swap3A_35] : memref<1000x128xf32, #tpu.memory_space<vmem>>, vector<1000x128xf32>
    tpu.vector_store %arg4[%swap3A_34, %swap3A_35], %add3A_33 {strides = array<i32>} : memref<1000x128xf32, #tpu.memory_space<vmem>>, vector<1000x128xf32>,
    return
  }
  func.func @transform_0(%arg0: i32) -> (i32, i32) {
    %c0_i32 = arith.constant 0 : i32
    %c0_i32_0 = arith.constant 0 : i32
    return %arg0, %c0_i32 : i32, i32
  }
  func.func @transform_1(%arg0: i32) -> (i32, i32, i32) {
    %c0_i32 = arith.constant 0 : i32
    %c0_i32_0 = arith.constant 0 : i32
    %c0_i32_1 = arith.constant 0 : i32
    %c0_i32_2 = arith.constant 0 : i32
    return %c0_i32, %c0_i32_0, %c0_i32_1 : i32, i32, i32
  }
  func.func @transform_2(%arg0: i32) -> (i32, i32) {
    %c0_i32 = arith.constant 0 : i32
    %c0_i32_0 = arith.constant 0 : i32
    return %arg0, %c0_i32 : i32, i32
  }
  func.func @transform_3(%arg0: i32) -> (i32, i32) {
    %c0_i32 = arith.constant 0 : i32
    %c0_i32_0 = arith.constant 0 : i32
    return %arg0, %c0_i32 : i32, i32
  }
}

module attributes {stable_mosaic.version = 14 : i64} {
  func.func @_layer_body(%arg0: i32, %arg1: memref<2x1000x128xf32, #tpu.memory_space<vmem>>, %arg2: memref<1000x128xf32, #tpu.memory_space<vmem>>, %arg3: memref<1000x128xf32, #tpu.memory_space<vmem>>, %arg4: memref<2x1000x16xf32, #tpu.memory_space<vmem>>, %arg5: memref<1x128x128xf32, #tpu.memory_space<vmem>>, %arg6: memref<1000x128xf32, #tpu.memory_space<vmem>>) attributes {dimension_semantics = [#tpu.dimension_semantics<arbitrary>], iteration_bounds = array<i64: 10>, scalar_prefetch = 0 : i64, scratch_operands = 0 : i64, tpu.core_type = #tpu.core_type<tc>, window_params = [{transform_indices = @transform_0, window_bounds = array<i64: 2, 1000, 128>}, {transform_indices = @transform_1, window_bounds = array<i64: 1000, 128>}, {transform_indices = @transform_2, window_bounds = array<i64: 1000, 128>}, {transform_indices = @transform_3, window_bounds = array<i64: 2, 1000, 16>}, {transform_indices = @transform_4, window_bounds = array<i64: 1, 128, 128>}, {transform_indices = @transform_5, window_bounds = array<i64: 1000, 128>}]} {
    %get3A = arith.constant 0 : index
    %get3A_0 = arith.constant 0 : index
    %get3A_1 = arith.constant 0 : index
    %get3A_2 = vector.load %arg4[%get3A, %get3A_0, %get3A_1] : memref<2x1000x16xf32, #tpu.memory_space<vmem>>, vector<2x1000x16xf32>
    %slice3A = vector.extract_strided_slice %get3A_2 {offsets = [0, 0, 0], sizes = [1, 1000, 1], strides = [1, 1, 1]} : vector<2x1000x16xf32> to vector<1x1000x1xf32>
    %squeeze3A = vector.shape_cast %slice3A : vector<1x1000x1xf32> to vector<1000x1xf32>
    %add3A = arith.constant 1.000000e+00 : f32
    %add3A_3 = vector.broadcast %add3A : f32 to vector<1000x1xf32>
    %add3A_4 = arith.addf %add3A_3, %squeeze3A : vector<1000x1xf32>
    %slice3A_5 = vector.extract_strided_slice %get3A_2 {offsets = [1, 0, 0], sizes = [1, 1000, 1], strides = [1, 1, 1]} : vector<2x1000x16xf32> to vector<1x1000x1xf32>
    %squeeze3A_6 = vector.shape_cast %slice3A_5 : vector<1x1000x1xf32> to vector<1000x1xf32>
    %add3A_7 = arith.addf %add3A_4, %squeeze3A_6 : vector<1000x1xf32>
    %rsqrt3A = math.rsqrt %add3A_7 : vector<1000x1xf32>
    %get3A_8 = arith.constant 0 : index
    %get3A_9 = arith.constant 0 : index
    %get3A_10 = arith.constant 0 : index
    %get3A_11 = vector.load %arg1[%get3A_8, %get3A_9, %get3A_10] : memref<2x1000x128xf32, #tpu.memory_space<vmem>>, vector<1x1000x128xf32>
    %get3A_12 = vector.shape_cast %get3A_11 : vector<1x1000x128xf32> to vector<1000x128xf32>
    %get3A_13 = arith.constant 1 : index
    %get3A_14 = arith.constant 0 : index
    %get3A_15 = arith.constant 0 : index
    %get3A_16 = vector.load %arg1[%get3A_13, %get3A_14, %get3A_15] : memref<2x1000x128xf32, #tpu.memory_space<vmem>>, vector<1x1000x128xf32>
    %get3A_17 = vector.shape_cast %get3A_16 : vector<1x1000x128xf32> to vector<1000x128xf32>
    %add3A_18 = arith.addf %get3A_12, %get3A_17 : vector<1000x128xf32>
    %get3A_19 = arith.constant 0 : index
    %get3A_20 = arith.constant 0 : index
    %get3A_21 = vector.load %arg2[%get3A_19, %get3A_20] : memref<1000x128xf32, #tpu.memory_space<vmem>>, vector<1000x128xf32>
    %add3A_22 = arith.addf %add3A_18, %get3A_21 : vector<1000x128xf32>
    %mul3A = vector.broadcast %rsqrt3A : vector<1000x1xf32> to vector<1000x128xf32>
    %mul3A_23 = arith.mulf %mul3A, %add3A_22 : vector<1000x128xf32>
    %mul3A_24 = arith.constant 5.000000e-01 : f32
    %mul3A_25 = vector.broadcast %mul3A_24 : f32 to vector<1000x128xf32>
    %mul3A_26 = arith.mulf %mul3A_25, %mul3A_23 : vector<1000x128xf32>
    %mul3A_27 = arith.constant 0.306852818 : f32
    %mul3A_28 = vector.broadcast %mul3A_27 : f32 to vector<1000x128xf32>
    %mul3A_29 = arith.mulf %mul3A_28, %mul3A_26 : vector<1000x128xf32>
    %get3A_30 = arith.constant 0 : index
    %get3A_31 = arith.constant 0 : index
    %get3A_32 = arith.constant 0 : index
    %get3A_33 = vector.load %arg5[%get3A_30, %get3A_31, %get3A_32] : memref<1x128x128xf32, #tpu.memory_space<vmem>>, vector<1x128x128xf32>
    %get3A_34 = vector.shape_cast %get3A_33 : vector<1x128x128xf32> to vector<128x128xf32>
    %dot_general3A = arith.constant dense<0.000000e+00> : vector<1000x128xf32>
    %dot_general3A_35 = tpu.matmul %mul3A_26, %get3A_34, %dot_general3A {dimension_numbers = #tpu.dot_dimension_numbers<[1], [0], [0], [1], [0, 0, 1, 1], [], []>, transpose_lhs_hint = false} : vector<1000x128xf32>, vector<128x128xf32>, vector<1000x128xf32> -> vector<1000x128xf32>
    %mul3A_36 = arith.constant 0.693147182 : f32
    %mul3A_37 = vector.broadcast %mul3A_36 : f32 to vector<1000x128xf32>
    %mul3A_38 = arith.mulf %mul3A_37, %dot_general3A_35 : vector<1000x128xf32>
    %add3A_39 = arith.addf %mul3A_29, %mul3A_38 : vector<1000x128xf32>
    %get3A_40 = arith.constant 0 : index
    %get3A_41 = arith.constant 0 : index
    %get3A_42 = vector.load %arg3[%get3A_40, %get3A_41] : memref<1000x128xf32, #tpu.memory_space<vmem>>, vector<1000x128xf32>
    %add3A_43 = arith.addf %add3A_39, %get3A_42 : vector<1000x128xf32>
    %max3A = arith.constant 0.000000e+00 : f32
    %max3A_44 = vector.broadcast %max3A : f32 to vector<1000x128xf32>
    %max3A_45 = arith.maximumf %add3A_43, %max3A_44 : vector<1000x128xf32>
    %mul3A_46 = vector.broadcast %rsqrt3A : vector<1000x1xf32> to vector<1000x128xf32>
    %mul3A_47 = arith.mulf %mul3A_46, %max3A_45 : vector<1000x128xf32>
    %swap3A = arith.constant 0 : index
    %swap3A_48 = arith.constant 0 : index
    %swap3A_49 = vector.load %arg6[%swap3A, %swap3A_48] : memref<1000x128xf32, #tpu.memory_space<vmem>>, vector<1000x128xf32>
    tpu.vector_store %arg6[%swap3A, %swap3A_48], %mul3A_47 {strides = array<i32>} : memref<1000x128xf32, #tpu.memory_space<vmem>>, vector<1000x128xf32>,
    return
  }
  func.func @transform_0(%arg0: i32) -> (i32, i32, i32) {
    %c0_i32 = arith.constant 0 : i32
    %c0_i32_0 = arith.constant 0 : i32
    %c0_i32_1 = arith.constant 0 : i32
    return %c0_i32, %arg0, %c0_i32_0 : i32, i32, i32
  }
  func.func @transform_1(%arg0: i32) -> (i32, i32) {
    %c0_i32 = arith.constant 0 : i32
    %c0_i32_0 = arith.constant 0 : i32
    return %arg0, %c0_i32 : i32, i32
  }
  func.func @transform_2(%arg0: i32) -> (i32, i32) {
    %c0_i32 = arith.constant 0 : i32
    %c0_i32_0 = arith.constant 0 : i32
    return %arg0, %c0_i32 : i32, i32
  }
  func.func @transform_3(%arg0: i32) -> (i32, i32, i32) {
    %c0_i32 = arith.constant 0 : i32
    %c0_i32_0 = arith.constant 0 : i32
    %c0_i32_1 = arith.constant 0 : i32
    return %c0_i32, %arg0, %c0_i32_0 : i32, i32, i32
  }
  func.func @transform_4(%arg0: i32) -> (i32, i32, i32) {
    %c0_i32 = arith.constant 0 : i32
    %c0_i32_0 = arith.constant 0 : i32
    %c0_i32_1 = arith.constant 0 : i32
    %c0_i32_2 = arith.constant 0 : i32
    return %c0_i32, %c0_i32_0, %c0_i32_1 : i32, i32, i32
  }
  func.func @transform_5(%arg0: i32) -> (i32, i32) {
    %c0_i32 = arith.constant 0 : i32
    %c0_i32_0 = arith.constant 0 : i32
    return %arg0, %c0_i32 : i32, i32
  }
}

module attributes {stable_mosaic.version = 14 : i64} {
  func.func @_layer_body(%arg0: i32, %arg1: memref<2x1000x128xf32, #tpu.memory_space<vmem>>, %arg2: memref<1000x128xf32, #tpu.memory_space<vmem>>, %arg3: memref<1000x128xf32, #tpu.memory_space<vmem>>, %arg4: memref<2x1000x16xf32, #tpu.memory_space<vmem>>, %arg5: memref<1x128x128xf32, #tpu.memory_space<vmem>>, %arg6: memref<1000x128xf32, #tpu.memory_space<vmem>>) attributes {dimension_semantics = [#tpu.dimension_semantics<arbitrary>], iteration_bounds = array<i64: 10>, scalar_prefetch = 0 : i64, scratch_operands = 0 : i64, tpu.core_type = #tpu.core_type<tc>, window_params = [{transform_indices = @transform_0, window_bounds = array<i64: 2, 1000, 128>}, {transform_indices = @transform_1, window_bounds = array<i64: 1000, 128>}, {transform_indices = @transform_2, window_bounds = array<i64: 1000, 128>}, {transform_indices = @transform_3, window_bounds = array<i64: 2, 1000, 16>}, {transform_indices = @transform_4, window_bounds = array<i64: 1, 128, 128>}, {transform_indices = @transform_5, window_bounds = array<i64: 1000, 128>}]} {
    %get3A = arith.constant 0 : index
    %get3A_0 = arith.constant 0 : index
    %get3A_1 = arith.constant 0 : index
    %get3A_2 = vector.load %arg4[%get3A, %get3A_0, %get3A_1] : memref<2x1000x16xf32, #tpu.memory_space<vmem>>, vector<2x1000x16xf32>
    %slice3A = vector.extract_strided_slice %get3A_2 {offsets = [0, 0, 0], sizes = [1, 1000, 1], strides = [1, 1, 1]} : vector<2x1000x16xf32> to vector<1x1000x1xf32>
    %squeeze3A = vector.shape_cast %slice3A : vector<1x1000x1xf32> to vector<1000x1xf32>
    %add3A = arith.constant 1.000000e+00 : f32
    %add3A_3 = vector.broadcast %add3A : f32 to vector<1000x1xf32>
    %add3A_4 = arith.addf %add3A_3, %squeeze3A : vector<1000x1xf32>
    %slice3A_5 = vector.extract_strided_slice %get3A_2 {offsets = [1, 0, 0], sizes = [1, 1000, 1], strides = [1, 1, 1]} : vector<2x1000x16xf32> to vector<1x1000x1xf32>
    %squeeze3A_6 = vector.shape_cast %slice3A_5 : vector<1x1000x1xf32> to vector<1000x1xf32>
    %add3A_7 = arith.addf %add3A_4, %squeeze3A_6 : vector<1000x1xf32>
    %rsqrt3A = math.rsqrt %add3A_7 : vector<1000x1xf32>
    %get3A_8 = arith.constant 0 : index
    %get3A_9 = arith.constant 0 : index
    %get3A_10 = arith.constant 0 : index
    %get3A_11 = vector.load %arg1[%get3A_8, %get3A_9, %get3A_10] : memref<2x1000x128xf32, #tpu.memory_space<vmem>>, vector<1x1000x128xf32>
    %get3A_12 = vector.shape_cast %get3A_11 : vector<1x1000x128xf32> to vector<1000x128xf32>
    %get3A_13 = arith.constant 1 : index
    %get3A_14 = arith.constant 0 : index
    %get3A_15 = arith.constant 0 : index
    %get3A_16 = vector.load %arg1[%get3A_13, %get3A_14, %get3A_15] : memref<2x1000x128xf32, #tpu.memory_space<vmem>>, vector<1x1000x128xf32>
    %get3A_17 = vector.shape_cast %get3A_16 : vector<1x1000x128xf32> to vector<1000x128xf32>
    %add3A_18 = arith.addf %get3A_12, %get3A_17 : vector<1000x128xf32>
    %get3A_19 = arith.constant 0 : index
    %get3A_20 = arith.constant 0 : index
    %get3A_21 = vector.load %arg2[%get3A_19, %get3A_20] : memref<1000x128xf32, #tpu.memory_space<vmem>>, vector<1000x128xf32>
    %add3A_22 = arith.addf %add3A_18, %get3A_21 : vector<1000x128xf32>
    %mul3A = vector.broadcast %rsqrt3A : vector<1000x1xf32> to vector<1000x128xf32>
    %mul3A_23 = arith.mulf %mul3A, %add3A_22 : vector<1000x128xf32>
    %mul3A_24 = arith.constant 5.000000e-01 : f32
    %mul3A_25 = vector.broadcast %mul3A_24 : f32 to vector<1000x128xf32>
    %mul3A_26 = arith.mulf %mul3A_25, %mul3A_23 : vector<1000x128xf32>
    %mul3A_27 = arith.constant 0.594534874 : f32
    %mul3A_28 = vector.broadcast %mul3A_27 : f32 to vector<1000x128xf32>
    %mul3A_29 = arith.mulf %mul3A_28, %mul3A_26 : vector<1000x128xf32>
    %get3A_30 = arith.constant 0 : index
    %get3A_31 = arith.constant 0 : index
    %get3A_32 = arith.constant 0 : index
    %get3A_33 = vector.load %arg5[%get3A_30, %get3A_31, %get3A_32] : memref<1x128x128xf32, #tpu.memory_space<vmem>>, vector<1x128x128xf32>
    %get3A_34 = vector.shape_cast %get3A_33 : vector<1x128x128xf32> to vector<128x128xf32>
    %dot_general3A = arith.constant dense<0.000000e+00> : vector<1000x128xf32>
    %dot_general3A_35 = tpu.matmul %mul3A_26, %get3A_34, %dot_general3A {dimension_numbers = #tpu.dot_dimension_numbers<[1], [0], [0], [1], [0, 0, 1, 1], [], []>, transpose_lhs_hint = false} : vector<1000x128xf32>, vector<128x128xf32>, vector<1000x128xf32> -> vector<1000x128xf32>
    %mul3A_36 = arith.constant 0.405465096 : f32
    %mul3A_37 = vector.broadcast %mul3A_36 : f32 to vector<1000x128xf32>
    %mul3A_38 = arith.mulf %mul3A_37, %dot_general3A_35 : vector<1000x128xf32>
    %add3A_39 = arith.addf %mul3A_29, %mul3A_38 : vector<1000x128xf32>
    %get3A_40 = arith.constant 0 : index
    %get3A_41 = arith.constant 0 : index
    %get3A_42 = vector.load %arg3[%get3A_40, %get3A_41] : memref<1000x128xf32, #tpu.memory_space<vmem>>, vector<1000x128xf32>
    %add3A_43 = arith.addf %add3A_39, %get3A_42 : vector<1000x128xf32>
    %max3A = arith.constant 0.000000e+00 : f32
    %max3A_44 = vector.broadcast %max3A : f32 to vector<1000x128xf32>
    %max3A_45 = arith.maximumf %add3A_43, %max3A_44 : vector<1000x128xf32>
    %swap3A = arith.constant 0 : index
    %swap3A_46 = arith.constant 0 : index
    %swap3A_47 = vector.load %arg6[%swap3A, %swap3A_46] : memref<1000x128xf32, #tpu.memory_space<vmem>>, vector<1000x128xf32>
    tpu.vector_store %arg6[%swap3A, %swap3A_46], %max3A_45 {strides = array<i32>} : memref<1000x128xf32, #tpu.memory_space<vmem>>, vector<1000x128xf32>,
    return
  }
  func.func @transform_0(%arg0: i32) -> (i32, i32, i32) {
    %c0_i32 = arith.constant 0 : i32
    %c0_i32_0 = arith.constant 0 : i32
    %c0_i32_1 = arith.constant 0 : i32
    return %c0_i32, %arg0, %c0_i32_0 : i32, i32, i32
  }
  func.func @transform_1(%arg0: i32) -> (i32, i32) {
    %c0_i32 = arith.constant 0 : i32
    %c0_i32_0 = arith.constant 0 : i32
    return %arg0, %c0_i32 : i32, i32
  }
  func.func @transform_2(%arg0: i32) -> (i32, i32) {
    %c0_i32 = arith.constant 0 : i32
    %c0_i32_0 = arith.constant 0 : i32
    return %arg0, %c0_i32 : i32, i32
  }
  func.func @transform_3(%arg0: i32) -> (i32, i32, i32) {
    %c0_i32 = arith.constant 0 : i32
    %c0_i32_0 = arith.constant 0 : i32
    %c0_i32_1 = arith.constant 0 : i32
    return %c0_i32, %arg0, %c0_i32_0 : i32, i32, i32
  }
  func.func @transform_4(%arg0: i32) -> (i32, i32, i32) {
    %c1_i32 = arith.constant 1 : i32
    %c0_i32 = arith.constant 0 : i32
    %c0_i32_0 = arith.constant 0 : i32
    %c0_i32_1 = arith.constant 0 : i32
    return %c1_i32, %c0_i32, %c0_i32_0 : i32, i32, i32
  }
  func.func @transform_5(%arg0: i32) -> (i32, i32) {
    %c0_i32 = arith.constant 0 : i32
    %c0_i32_0 = arith.constant 0 : i32
    return %arg0, %c0_i32 : i32, i32
  }
}

</mosaic_0001>

<sc_bundles>
// kernel: kernel.12.cloned.1.call-start
scs
__scs_entry_jumppad:
0x0: {  	(pc) =	sbr.rel $0x88, $3  }
0x1: {  	(tag) =	ssettag $0x0;
	lr =	simm.s32 $0x1  }
0x2: {  	[smem:$0x3F9D] =	sst lr;
	_ =	strace $0xD0000000  }
0x3: {  	_ = 	snop  }
0x4: {  	_ = 	snop  }
0x5: {  	_ = 	snop  }
0x6: {  	_ = 	snop  }
0x7: {  	_ = 	snop  }
__scs_overlays_trampoline_lowered:
0x8: {  	[smem:$0x3FAC] =	sst s0  }
0x9: {  	[smem:$0x3FAD] =	sst s1  }
0xa: {  	[smem:$0x3FAE] =	sst s2  }
0xb: {  	[smem:$0x3FAF] =	sst s3  }
0xc: {  	[smem:$0x3FB0] =	sst s4  }
0xd: {  	[smem:$0x3FB1] =	sst s5  }
0xe: {  	[smem:$0x3FB2] =	sst s6  }
0xf: {  	[smem:$0x3FB3] =	sst s7  }
0x10: {  	[smem:$0x3FB4] =	sst s8  }
0x11: {  	[smem:$0x3FB5] =	sst s9;
	s0 =	simm.s32 @!p0 $0x0  }
0x12: {  	s1 =	sld [smem:$0x3F9B];
	s0 =	simm.s32 @p0 $0x1  }
0x13: {  	[smem:$0x3FB6] =	sst s0;
	s0 =	simm.s32 @!p1 $0x0  }
0x14: {  	s2 =	sld [smem:$0x3F9A];
	s0 =	simm.s32 @p1 $0x1  }
0x15: {  	[smem:$0x3FB7] =	sst s0;
	s0 =	simm.s32 @!p2 $0x0  }
0x16: {  	s3 =	sld [smem:$0x3FDB];
	s0 =	simm.s32 @p2 $0x1  }
0x17: {  	s4 =	simm.s32 $0x1BF5;
	[smem:$0x3FB9] =	sst s0  }
0x18: {  	s0 =	sld [smem:$0x3F9C];
	_ =	swait.ge [sflag:s4], $0x0  }
0x19: {  	s7 =	sld [smem:$0x3F9D]  }
0x1a: {  	s8 =	sadd.s32 $0xFFFFE003, lr  }
0x1b: {  	s9 =	sadd.s32 $0xFFFFFEF7, lr;
	s5 =	simm.s32 $0xFFFFFFFF;
	p2 =	slt.u32 s8, $0xFFFFF086  }
0x1c: {  	p1 =	slt.u32 s9, $0xF7A;
	s5 =	simm.s32 @!p2 $0x0  }
0x1d: {  	s5 =	simm.s32 @p1 $0x1;
	p0 =	seq.s32 s7, s2  }
0x1e: {  	s7 =	smul.u32 @!p0 $0xF7A, s2;
	p2 =	seq.s32 @!p0 s5, $0x0  }
0x1f: {  	s9 =	smul.u32 $0xF7A, s1;
	s8 =	simm.s32 @!p0 $0x1BF5;
	p2 =	por !p2, p0  }
0x20: {  	[sflag:s8] =	ssyncset.s32 @!p0 $0xFFFFF086;
	s6 =	sadd.s32 @!p0 s3, s7;
	s7 =	simm.s32 @!p0 $0x108  }
0x21: {  	s3 =	sadd.s32 s3, s9;
	s6 =	sadd.s32 @!p0 $0x88, s6;
	s7 =	simm.s32 @p2 $0x1082  }
0x22: {  	[simem:s7], [sflag:s8] =	dma.local @!p0 [hbm:s6], $0xF7A  }
0x23: {  	s9 =	sor.u32 $0xD0000000, s2;
	s6 =	simm.s32 $0x108;
	_ =	swait.ge @!p0 [sflag:s8], $0x0  }
0x24: {  	s3 =	sadd.s32 $0x88, s3;
	s6 =	simm.s32 @!p1 $0x1082;
	[sflag:s4] =	ssyncset.s32 $0xFFFFF086  }
0x25: {  	[simem:s6], [sflag:s4] =	dma.local [hbm:s3], $0xF7A  }
0x26: {  	[smem:$0x3F9D] =	sst s1;
	(tag) =	ssettag s2;
	_ =	strace s9  }
0x27: {  	s1 =	sld [smem:$0x3FAD]  }
0x28: {  	s2 =	sld [smem:$0x3FAE]  }
0x29: {  	s4 =	sld [smem:$0x3FB0]  }
0x2a: {  	p0 =	seq.s32 s5, $0x0;
	s5 =	sld [smem:$0x3FB1]  }
0x2b: {  	s6 =	sld [smem:$0x3FB2]  }
0x2c: {  	s7 =	sld [smem:$0x3FB3]  }
0x2d: {  	s3 =	simm.s32 $0x108;
	s8 =	sld [smem:$0x3FB4]  }
0x2e: {  	s3 =	simm.s32 @!p0 $0x1082;
	s9 =	sld [smem:$0x3FB5]  }
0x2f: {  	lr =	sadd.s32 s0, s3;
	s0 =	sld [smem:$0x3FAC]  }
0x30: {  	s3 =	sld [smem:$0x3FAF]  }
0x31: {  	[smem:$0x3FB8] =	sst s10  }
0x32: {  	s10 =	sld [smem:$0x3FB6];
	_ =	sdelay $0x3  }
0x33: {  	p0 =	seq.s32 s10, $0x1;
	s10 =	sld [smem:$0x3FB8];
	_ =	sdelay $0x3  }
0x34: {  	[smem:$0x3FB8] =	sst s10  }
0x35: {  	s10 =	sld [smem:$0x3FB7];
	_ =	sdelay $0x3  }
0x36: {  	p1 =	seq.s32 s10, $0x1;
	s10 =	sld [smem:$0x3FB8];
	_ =	sdelay $0x3  }
0x37: {  	[smem:$0x3FB8] =	sst s10  }
0x38: {  	s10 =	sld [smem:$0x3FB9]  }
0x39: {  	_ = 	snop;
	(pc) =	sbr.ind lr, $3  }
0x3a: {  	_ = 	snop  }
0x3b: {  	_ = 	snop  }
0x3c: {  	p2 =	seq.s32 s10, $0x1;
	s10 =	sld [smem:$0x3FB8]  }
0x3d: {  	_ =	shalt  }
0x3e: {  	_ =	shalt  }
0x3f: {  	_ =	shalt  }
0x40: {  	_ =	shalt  }
0x41: {  	_ =	shalt  }
0x42: {  	_ =	shalt  }
0x43: {  	_ =	shalt  }
0x44: {  	_ =	shalt  }
0x45: {  	_ =	shalt  }
0x46: {  	_ =	shalt  }
0x47: {  	_ =	shalt  }
0x48: {  	_ =	shalt  }
0x49: {  	_ =	shalt  }
0x4a: {  	_ =	shalt  }
0x4b: {  	_ =	shalt  }
0x4c: {  	_ =	shalt  }
0x4d: {  	_ =	shalt  }
0x4e: {  	_ =	shalt  }
0x4f: {  	_ =	shalt  }
0x50: {  	_ =	shalt  }
0x51: {  	_ =	shalt  }
0x52: {  	_ =	shalt  }
0x53: {  	_ =	shalt  }
0x54: {  	_ =	shalt  }
0x55: {  	_ =	shalt  }
0x56: {  	_ =	shalt  }
0x57: {  	_ =	shalt  }
0x58: {  	_ =	shalt  }
0x59: {  	_ =	shalt  }
0x5a: {  	_ =	shalt  }
0x5b: {  	_ =	shalt  }
0x5c: {  	_ =	shalt  }
0x5d: {  	_ =	shalt  }
0x5e: {  	_ =	shalt  }
0x5f: {  	_ =	shalt  }
0x60: {  	_ =	shalt  }
0x61: {  	_ =	shalt  }
0x62: {  	_ =	shalt  }
0x63: {  	_ =	shalt  }
0x64: {  	_ =	shalt  }
0x65: {  	_ =	shalt  }
0x66: {  	_ =	shalt  }
0x67: {  	_ =	shalt  }
0x68: {  	_ =	shalt  }
0x69: {  	_ =	shalt  }
0x6a: {  	_ =	shalt  }
0x6b: {  	_ =	shalt  }
0x6c: {  	_ =	shalt  }
0x6d: {  	_ =	shalt  }
0x6e: {  	_ =	shalt  }
0x6f: {  	_ =	shalt  }
0x70: {  	_ =	shalt  }
0x71: {  	_ =	shalt  }
0x72: {  	_ =	shalt  }
0x73: {  	_ =	shalt  }
0x74: {  	_ =	shalt  }
0x75: {  	_ =	shalt  }
0x76: {  	_ =	shalt  }
0x77: {  	_ =	shalt  }
0x78: {  	_ =	shalt  }
0x79: {  	_ =	shalt  }
0x7a: {  	_ =	shalt  }
0x7b: {  	_ =	shalt  }
0x7c: {  	_ =	shalt  }
0x7d: {  	_ =	shalt  }
0x7e: {  	_ =	shalt  }
0x7f: {  	_ =	shalt  }
0x80: {  	_ =	shalt  }
0x81: {  	_ =	shalt  }
0x82: {  	_ =	shalt  }
0x83: {  	_ =	shalt  }
0x84: {  	_ =	shalt  }
0x85: {  	_ =	shalt  }
0x86: {  	_ =	shalt  }
0x87: {  	_ =	shalt  }
.Lfunc_end0:
.L_simem_size_0:
called_computation.1_lowered:
.L_overlay_start_0:
0x88: {  	s2 =	sld [smem:$0x3FD9]  }
0x89: {  	s3 =	sld [smem:$0x3FFE];
	_ =	sdelay $0x1  }
0x8a: {  	s1 =	srdreg.scid  }
0x8b: {  	s0 =	sand.u32 $0x1, s1  }
0x8c: {  	s17 =	sshll.u32 s0, $0xA;
	s2 =	sadd.s32 s3, s2  }
0x8d: {  	s2 =	sadd.s32 s2, s17  }
0x8e: {  	[smem:$0x3FC4] =	sst s2  }
0x8f: {  	_ = 	snop  }
0x90: {  	s2 =	sld [smem:$0x3FD0];
	(tm) =	ssettm $0x1  }
0x91: {  	s18 =	sld [smem:$0x3FFB];
	_ =	sdelay $0x3  }
0x92: {  	_ =	strace s18  }
0x93: {  	s3 =	sld [smem:$0x3FFC];
	_ =	sdelay $0x3  }
0x94: {  	_ =	strace s3  }
0x95: {  	s3 =	sld [smem:$0x3FFD];
	_ =	sdelay $0x3  }
0x96: {  	_ =	strace s3  }
0x97: {  	_ =	strace $0x8FFFFFFF  }
0x98: {  	s19 =	sld [smem:$0x3FDB];
	_ =	sdelay $0x1  }
0x99: {  	s4 =	simm.s32 $_scs_section_size  }
0x9a: {  	s5 =	simm.s32 $_size__tile_overlayer_lowered;
	s6 =	simm.s32 $_tile_overlayer_lowered  }
0x9b: {  	s22 =	simm.s32 $0x1BFF;
	s21 =	sshll.u32 s6, $0x1;
	s3 =	sadd.s32 s4, s19  }
0x9c: {  	s7 =	simm.s32 $0x0;
	s20 =	sshll.u32 s5, $0x1;
	s5 =	sadd.s32 s21, s3  }
0x9d: {  	[timem:s7], [sflag:s22] =	dma.local [hbm:s5], s20  }
0x9e: {  	_ =	swait.ge [sflag:s22], s20  }
0x9f: {  	s4 =	ssub.s32 $0x0, s20;
	[sflag:s22] =	ssyncset.done $0x0  }
0xa0: {  	[sflag:s22] =	ssyncadd.s32 s4;
	_ =	sdelay $0x1  }
0xa1: {  	s23 =	simm.s32 $0x1B8B  }
0xa2: {  	_ =	swait.ge [sflag:s23], $0x1  }
0xa3: {  	[sflag:s23] =	ssyncset.done $0x0  }
0xa4: {  	s25 =	simm.s32 $0x1B8E;
	s24 =	sld [smem:$0x3FFE];
	[sflag:s23] =	ssyncadd.s32 $0xFFFFFFFF  }
0xa5: {  	s26 =	simm.s32 $execute0_lowered;
	[smem:$0x3FD2] =	sst s25  }
0xa6: {  	s5 =	sshll.u32 s26, $0x1;
	_ =	strace $0x80000049;
	[dreg:$0x1] =	wrdreg $0xFFFFFFFF  }
0xa7: {  	s28 =	simm.s32 $_size_execute0_lowered;
	s3 =	sadd.s32 s3, s5;
	[dreg:$0x0] =	wrdreg $0x0  }
0xa8: {  	s5 =	sshll.u32 s28, $0x1;
	[dreg:$0x2] =	wrdreg s3  }
0xa9: {  	[dreg:$0x3] =	wrdreg s5  }
0xaa: {  	[dreg:$0x4] =	wrdreg $0xC0  }
0xab: {  	_ =	task [dreg:s7], $0x5FFFF  }
0xac: {  	[dreg:$0x1] =	wrdreg $0xFFFFFFFF  }
0xad: {  	[dreg:$0x0] =	wrdreg $0x60  }
0xae: {  	[dreg:$0x2] =	wrdreg s2  }
0xaf: {  	[dreg:$0x3] =	wrdreg s24  }
0xb0: {  	[dreg:$0x4] =	wrdreg $0xA8000  }
0xb1: {  	[dreg:$0x5] =	wrdreg $0x9  }
0xb2: {  	_ =	task.clear_ibuf [dreg:s7], $0x6FFFF;
	_ =	strace $0x90000049  }
0xb3: {  	s29 =	simm.s32 $0x9;
	_ =	strace $0x8000004B  }
0xb4: {  	_ =	swait.ge [sflag:s29], $0x1  }
0xb5: {  	[sflag:s29] =	ssyncadd.s32 $0xFFFFFFFF  }
0xb6: {  	_ =	strace $0x9000004B  }
0xb7: {  	_ =	sfence  }
0xb8: {  	s30 =	sld [smem:$0x0];
	_ =	sdelay $0x2  }
0xb9: {  	s31 =	sshll.u32 s1, $0xD;
	s1 =	sshrl.u32 s1, $0x2  }
0xba: {  	s3 =	sand.u32 $0x4000, s31;
	s1 =	sadd.s32 s1, s30  }
0xbb: {  	s0 =	sor.u32 s3, s0;
	s1 =	sshll.u32 s1, $0x11  }
0xbc: {  	s0 =	sor.u32 s1, s0  }
0xbd: {  	s0 =	sadd.s32 $0x8F2B, s0  }
0xbe: {  	[sflag:s0] =	ssyncadd.remote.s32 $0x1  }
0xbf: {  	_ =	sfence.sel $0xFFFF  }
0xc0: {  	[dreg:$0x0] =	wrdreg $0xFFFFFFFF;
	(pc) =	sbr.abs _section_cstart, $3  }
0xc1: {  	[dreg:$0x1] =	wrdreg $0xFFFFFFFF  }
0xc2: {  	_ =	task.clear_ibuf [dreg:s7], $0x2FFFF;
	_ =	strace $0x9FFFFFFF  }
0xc3: {  	(tm) =	ssettm $0x7FFFFFFF  }
tec
execute0_lowered:
.L_overlay_start_1:
0x0: {  	(tag) =	ssettag $0x1  }
0x1: {  	s1 =	rddreg [dreg:$0x0]  }
0x2: {  	s6 =	rddreg [dreg:$0x1]  }
0x3: {  	s2 =	rddreg [dreg:$0x2];
	s3 =	srdreg.scid  }
0x4: {  	s0 =	rddreg [dreg:$0x3];
	s4 =	simm.s32 $0x0;
	s15 =	simm.s32 $0x1400  }
0x5: {  	s16 =	simm.s32 $0x7D;
	s17 =	simm.s32 $0x2800;
	s18 =	simm.s32 $0x80  }
0x6: {  	s19 =	simm.s32 $0x6800;
	s20 =	simm.s32 $0x1;
	s21 =	simm.s32 $0x2  }
0x7: {  	s22 =	simm.s32 $0x2700;
	s5 =	sand.u32 $0x1, s3;
	s3 =	stileid.u32  }
0x8: {  	[smem:$0x7FF] =	sst s4;
	s9 =	sadd.s32 $0x17400, s6;
	s7 =	smul.u32 $0x13C000, s5  }
0x9: {  	s10 =	sadd.s32 $0x2E00, s6;
	s8 =	smul.u32 $0x13C00, s3;
	_ =	strace $0x8000004A  }
0xa: {  	s23 =	sshll.u32 s5, $0x4;
	s11 =	ssub.s32 $0x2, s5;
	s25 =	smul.u32 $0x4F000, s3  }
0xb: {  	s5 =	sadd.s32 $0xCE00, s6;
	s28 =	sshll.u32 s3, $0x6;
	s24 =	sor.u32 s3, s23  }
0xc: {  	s12 =	sshrl.u32 s11, $0x1;
	s23 =	simm.s32 $0x2780;
	s7 =	sadd.s32 s8, s7  }
0xd: {  	s13 =	smul.u32 $0x2800, s24;
	s12 =	ssub.s32 s11, s12;
	s26 =	sshrl.u32 s25, $0x2  }
0xe: {  	s24 =	simm.s32 $0x0;
	s7 =	sshrl.u32 s7, $0x3;
	s30 =	sadd.s32 s26, s2  }
0xf: {  	s12 =	smax.u32 s12, $0x1;
	s14 =	sadd.s32 s7, s6;
	s29 =	sshrl.u32 s13, $0x3  }
0x10: {  	s6 =	sor.u32 $0x1C03, s28;
	s13 =	sshrl.u32 s30, $0x3;
	s31 =	sadd.s32 $0x280, s29  }
0x11: {  	s7 =	sadd.s32 s9, s29;
	s8 =	sadd.s32 s10, s29;
	s11 =	sadd.s32 $0x70400, s14  }
0x12: {  	s14 =	simm.s32 $0x3;
	s9 =	sadd.s32 s9, s31;
	s10 =	sadd.s32 s10, s31  }
.LBB2_1:
0x13: {  	[spmem:s13], [sflag:s6] =	dma.local [hbm:s5], $0x2780  }
0x14: {  	_ =	swait.ge [sflag:s14], $0x2780  }
0x15: {  	[sflag:s14] =	ssyncset.done $0x0  }
0x16: {  	[sflag:s14] =	ssyncadd.s32 $0xFFFFD880  }
0x17: {  	[bflag:$0x0] =	sbarrier.arrive $0xFFFF  }
0x18: {  	[tilespmem:s4], [sflag:$0x3] =	stream.linear.gather [hbm4b:s7+s4], $0x1400, $0x38;
	[tilespmem:$0x1E400] =	vst v63  }
0x19: {  	_ =	swait.ge [sflag:s14], $0x1400  }
0x1a: {  	[sflag:s14] =	ssyncset.done $0x0  }
0x1b: {  	[sflag:s14] =	ssyncadd.s32 $0xFFFFEC00  }
0x1c: {  	[tilespmem:s15], [sflag:$0x3] =	stream.linear.gather [hbm4b:s8+s4], $0x1400, $0x38;
	[tilespmem:$0x1E400] =	vst v63  }
0x1d: {  	_ =	swait.ge [sflag:s14], $0x1400  }
0x1e: {  	[sflag:s14] =	ssyncset.done $0x0  }
0x1f: {  	[sflag:s14] =	ssyncadd.s32 $0xFFFFEC00  }
0x20: {  	[tilespmem:s17], [sflag:$0x1] =	stream.indirect.gather [hbm4b:s1+s16], $0x80, s4, s16, $0xb8;
	[tilespmem:$0x1E400] =	vst v63  }
0x21: {  	_ = 	snop  }
0x22: {  	[tilespmem:s19], [sflag:$0x2] =	stream.indirect.gather [hbm4b:s1+s16], $0x80, s18, s16, $0xb8;
	[tilespmem:$0x1E400] =	vst v63  }
0x23: {  	_ =	swait.ge [sflag:s20], $0x3E80  }
0x24: {  	[sflag:s20] =	ssyncset.done $0x0  }
0x25: {  	s25 =	simm.s32 $0x1400;
	[sflag:s20] =	ssyncadd.s32 $0xFFFFC180  }
0x26: {  	[spmem:s2] =	stream.indirect.scatter.add.f32 [tilespmem:s17], [sflag:$0x3], $0x80, s25, s16, $0xb8;
	[tilespmem:$0x1E400] =	vst v63  }
0x27: {  	_ =	swait.ge [sflag:s14], $0x3E80  }
0x28: {  	[sflag:s14] =	ssyncset.done $0x0  }
0x29: {  	s30 =	simm.s32 $0x100;
	[sflag:s14] =	ssyncadd.s32 $0xFFFFC180  }
0x2a: {  	[tilespmem:s17], [sflag:$0x1] =	stream.indirect.gather [hbm4b:s1+s16], $0x80, s30, s16, $0xb8;
	[tilespmem:$0x1E400] =	vst v63  }
0x2b: {  	_ =	swait.ge [sflag:s21], $0x3E80  }
0x2c: {  	[sflag:s21] =	ssyncset.done $0x0  }
0x2d: {  	s31 =	simm.s32 $0x1480;
	[sflag:s21] =	ssyncadd.s32 $0xFFFFC180  }
0x2e: {  	[spmem:s2] =	stream.indirect.scatter.add.f32 [tilespmem:s19], [sflag:$0x3], $0x80, s31, s16, $0xb8;
	[tilespmem:$0x1E400] =	vst v63  }
0x2f: {  	_ =	swait.ge [sflag:s14], $0x3E80  }
0x30: {  	[sflag:s14] =	ssyncset.done $0x0  }
0x31: {  	s26 =	simm.s32 $0x180;
	s25 =	simm.s32 $0x400;
	[sflag:s14] =	ssyncadd.s32 $0xFFFFC180  }
.LBB2_2:
0x32: {  	[tilespmem:s19], [sflag:$0x2] =	stream.indirect.gather [hbm4b:s1+s16], $0x80, s26, s16, $0xb8;
	[tilespmem:$0x1E400] =	vst v63  }
0x33: {  	s26 =	smov.u32 s25  }
0x34: {  	p0 =	sne.s32 s25, $0x4800;
	s25 =	sadd.s32 $0x400, s25;
	_ =	swait.ge [sflag:s20], $0x3E80  }
0x35: {  	s26 =	sshra.s32 s26, $0x2;
	[sflag:s20] =	ssyncset.done $0x0  }
0x36: {  	s28 =	sadd.s32 $0x1400, s26;
	[sflag:s20] =	ssyncadd.s32 $0xFFFFC180  }
0x37: {  	[spmem:s2] =	stream.indirect.scatter.add.f32 [tilespmem:s17], [sflag:$0x3], $0x80, s28, s16, $0xb8;
	[tilespmem:$0x1E400] =	vst v63  }
0x38: {  	_ =	swait.ge [sflag:s14], $0x3E80  }
0x39: {  	[sflag:s14] =	ssyncset.done $0x0  }
0x3a: {  	s28 =	sadd.s32 $0x100, s26;
	[sflag:s14] =	ssyncadd.s32 $0xFFFFC180  }
0x3b: {  	[tilespmem:s17], [sflag:$0x1] =	stream.indirect.gather [hbm4b:s1+s16], $0x80, s28, s16, $0xb8;
	[tilespmem:$0x1E400] =	vst v63  }
0x3c: {  	_ =	swait.ge [sflag:s21], $0x3E80  }
0x3d: {  	[sflag:s21] =	ssyncset.done $0x0  }
.Ltmp0:
0x3e: {  	s28 =	sadd.s32 $0x1480, s26;
	[sflag:s21] =	ssyncadd.s32 $0xFFFFC180;
	(pc) =	sbr.rel @p0 .LBB2_2-.Ltmp0, $4  }
0x3f: {  	[spmem:s2] =	stream.indirect.scatter.add.f32 [tilespmem:s19], [sflag:$0x3], $0x80, s28, s16, $0xb8;
	[tilespmem:$0x1E400] =	vst v63  }
0x40: {  	_ =	swait.ge [sflag:s14], $0x3E80  }
0x41: {  	[sflag:s14] =	ssyncset.done $0x0  }
0x42: {  	s26 =	sadd.s32 $0x180, s26;
	[sflag:s14] =	ssyncadd.s32 $0xFFFFC180  }
0x43: {  	[tilespmem:s19], [sflag:$0x2] =	stream.indirect.gather [hbm4b:s1+s16], $0x80, s26, s16, $0xb8;
	[tilespmem:$0x1E400] =	vst v63  }
0x44: {  	_ =	swait.ge [sflag:s20], $0x3E80  }
0x45: {  	[sflag:s20] =	ssyncset.done $0x0  }
0x46: {  	[sflag:s20] =	ssyncadd.s32 $0xFFFFC180  }
0x47: {  	[spmem:s2] =	stream.indirect.scatter.add.f32 [tilespmem:s17], [sflag:$0x3], $0x80, s22, s16, $0xb8;
	[tilespmem:$0x1E400] =	vst v63  }
0x48: {  	_ =	swait.ge [sflag:s14], $0x3E80  }
0x49: {  	[sflag:s14] =	ssyncset.done $0x0  }
0x4a: {  	[sflag:s14] =	ssyncadd.s32 $0xFFFFC180  }
0x4b: {  	_ =	swait.ge [sflag:s21], $0x3E80  }
0x4c: {  	[sflag:s21] =	ssyncset.done $0x0  }
0x4d: {  	[sflag:s21] =	ssyncadd.s32 $0xFFFFC180  }
0x4e: {  	[spmem:s2] =	stream.indirect.scatter.add.f32 [tilespmem:s19], [sflag:$0x3], $0x80, s23, s16, $0xb8;
	[tilespmem:$0x1E400] =	vst v63  }
0x4f: {  	_ =	swait.ge [sflag:s14], $0x3E80  }
0x50: {  	[sflag:s14] =	ssyncset.done $0x0  }
0x51: {  	s25 =	simm.s32 $0x0;
	[sflag:s14] =	ssyncadd.s32 $0xFFFFC180  }
0x52: {  	[tilespmem:s25], [sflag:$0x3] =	stream.linear.gather [hbm4b:s9+s25], $0x1400, $0x38;
	[tilespmem:$0x1E400] =	vst v63  }
0x53: {  	_ =	swait.ge [sflag:s14], $0x1400  }
0x54: {  	[sflag:s14] =	ssyncset.done $0x0  }
0x55: {  	[sflag:s14] =	ssyncadd.s32 $0xFFFFEC00  }
0x56: {  	[tilespmem:s15], [sflag:$0x3] =	stream.linear.gather [hbm4b:s10+s25], $0x1400, $0x38;
	[tilespmem:$0x1E400] =	vst v63  }
0x57: {  	_ =	swait.ge [sflag:s14], $0x1400  }
0x58: {  	[sflag:s14] =	ssyncset.done $0x0  }
0x59: {  	[sflag:s14] =	ssyncadd.s32 $0xFFFFEC00  }
0x5a: {  	[tilespmem:s17], [sflag:$0x1] =	stream.indirect.gather [hbm4b:s1+s16], $0x80, s25, s16, $0xb8;
	[tilespmem:$0x1E400] =	vst v63  }
0x5b: {  	_ = 	snop  }
0x5c: {  	[tilespmem:s19], [sflag:$0x2] =	stream.indirect.gather [hbm4b:s1+s16], $0x80, s18, s16, $0xb8;
	[tilespmem:$0x1E400] =	vst v63  }
0x5d: {  	_ =	swait.ge [sflag:s20], $0x3E80  }
0x5e: {  	[sflag:s20] =	ssyncset.done $0x0  }
0x5f: {  	s29 =	simm.s32 $0x1400;
	[sflag:s20] =	ssyncadd.s32 $0xFFFFC180  }
0x60: {  	[spmem:s2] =	stream.indirect.scatter.add.f32 [tilespmem:s17], [sflag:$0x3], $0x80, s29, s16, $0xb8;
	[tilespmem:$0x1E400] =	vst v63  }
0x61: {  	_ =	swait.ge [sflag:s14], $0x3E80  }
0x62: {  	[sflag:s14] =	ssyncset.done $0x0  }
0x63: {  	s30 =	simm.s32 $0x100;
	[sflag:s14] =	ssyncadd.s32 $0xFFFFC180  }
0x64: {  	[tilespmem:s17], [sflag:$0x1] =	stream.indirect.gather [hbm4b:s1+s16], $0x80, s30, s16, $0xb8;
	[tilespmem:$0x1E400] =	vst v63  }
0x65: {  	_ =	swait.ge [sflag:s21], $0x3E80  }
0x66: {  	[sflag:s21] =	ssyncset.done $0x0  }
0x67: {  	s31 =	simm.s32 $0x1480;
	[sflag:s21] =	ssyncadd.s32 $0xFFFFC180  }
0x68: {  	[spmem:s2] =	stream.indirect.scatter.add.f32 [tilespmem:s19], [sflag:$0x3], $0x80, s31, s16, $0xb8;
	[tilespmem:$0x1E400] =	vst v63  }
0x69: {  	_ =	swait.ge [sflag:s14], $0x3E80  }
0x6a: {  	[sflag:s14] =	ssyncset.done $0x0  }
0x6b: {  	s26 =	simm.s32 $0x180;
	s25 =	simm.s32 $0x400;
	[sflag:s14] =	ssyncadd.s32 $0xFFFFC180  }
.LBB2_4:
0x6c: {  	[tilespmem:s19], [sflag:$0x2] =	stream.indirect.gather [hbm4b:s1+s16], $0x80, s26, s16, $0xb8;
	[tilespmem:$0x1E400] =	vst v63  }
0x6d: {  	s26 =	smov.u32 s25  }
0x6e: {  	p0 =	sne.s32 s25, $0x4800;
	s25 =	sadd.s32 $0x400, s25;
	_ =	swait.ge [sflag:s20], $0x3E80  }
0x6f: {  	s26 =	sshra.s32 s26, $0x2;
	[sflag:s20] =	ssyncset.done $0x0  }
0x70: {  	s28 =	sadd.s32 $0x1400, s26;
	[sflag:s20] =	ssyncadd.s32 $0xFFFFC180  }
0x71: {  	[spmem:s2] =	stream.indirect.scatter.add.f32 [tilespmem:s17], [sflag:$0x3], $0x80, s28, s16, $0xb8;
	[tilespmem:$0x1E400] =	vst v63  }
0x72: {  	_ =	swait.ge [sflag:s14], $0x3E80  }
0x73: {  	[sflag:s14] =	ssyncset.done $0x0  }
0x74: {  	s28 =	sadd.s32 $0x100, s26;
	[sflag:s14] =	ssyncadd.s32 $0xFFFFC180  }
0x75: {  	[tilespmem:s17], [sflag:$0x1] =	stream.indirect.gather [hbm4b:s1+s16], $0x80, s28, s16, $0xb8;
	[tilespmem:$0x1E400] =	vst v63  }
0x76: {  	_ =	swait.ge [sflag:s21], $0x3E80  }
0x77: {  	[sflag:s21] =	ssyncset.done $0x0  }
.Ltmp1:
0x78: {  	s28 =	sadd.s32 $0x1480, s26;
	[sflag:s21] =	ssyncadd.s32 $0xFFFFC180;
	(pc) =	sbr.rel @p0 .LBB2_4-.Ltmp1, $4  }
0x79: {  	[spmem:s2] =	stream.indirect.scatter.add.f32 [tilespmem:s19], [sflag:$0x3], $0x80, s28, s16, $0xb8;
	[tilespmem:$0x1E400] =	vst v63  }
0x7a: {  	_ =	swait.ge [sflag:s14], $0x3E80  }
0x7b: {  	[sflag:s14] =	ssyncset.done $0x0  }
0x7c: {  	s26 =	sadd.s32 $0x180, s26;
	[sflag:s14] =	ssyncadd.s32 $0xFFFFC180  }
0x7d: {  	[tilespmem:s19], [sflag:$0x2] =	stream.indirect.gather [hbm4b:s1+s16], $0x80, s26, s16, $0xb8;
	[tilespmem:$0x1E400] =	vst v63  }
0x7e: {  	_ =	swait.ge [sflag:s20], $0x3E80  }
0x7f: {  	[sflag:s20] =	ssyncset.done $0x0  }
0x80: {  	[sflag:s20] =	ssyncadd.s32 $0xFFFFC180  }
0x81: {  	[spmem:s2] =	stream.indirect.scatter.add.f32 [tilespmem:s17], [sflag:$0x3], $0x80, s22, s16, $0xb8;
	[tilespmem:$0x1E400] =	vst v63  }
0x82: {  	_ =	swait.ge [sflag:s14], $0x3E80  }
0x83: {  	[sflag:s14] =	ssyncset.done $0x0  }
0x84: {  	[sflag:s14] =	ssyncadd.s32 $0xFFFFC180  }
0x85: {  	_ =	swait.ge [sflag:s21], $0x3E80  }
0x86: {  	[sflag:s21] =	ssyncset.done $0x0  }
0x87: {  	[sflag:s21] =	ssyncadd.s32 $0xFFFFC180  }
0x88: {  	[spmem:s2] =	stream.indirect.scatter.add.f32 [tilespmem:s19], [sflag:$0x3], $0x80, s23, s16, $0xb8;
	[tilespmem:$0x1E400] =	vst v63  }
0x89: {  	_ =	swait.ge [sflag:s14], $0x3E80  }
0x8a: {  	s24 =	sadd.s32 $0x1, s24;
	[sflag:s14] =	ssyncset.done $0x0  }
0x8b: {  	p0 =	sne.s32 s24, s12;
	[sflag:s14] =	ssyncadd.s32 $0xFFFFC180  }
.Ltmp2:
0x8c: {  	[bflag:$0x0] =	sbarrier.arrive $0xFFFF;
	(pc) =	sbr.rel @p0 .LBB2_1-.Ltmp2, $4  }
0x8d: {  	[hbm:s11], [sflag:s6] =	dma.local [spmem:s13], $0x2780  }
0x8e: {  	_ =	swait.ge [sflag:s14], $0x2780  }
0x8f: {  	[sflag:s14] =	ssyncset.done $0x0  }
0x90: {  	[sflag:s14] =	ssyncadd.s32 $0xFFFFD880  }
0x91: {  	_ =	sfence.sel $0x180000  }
0x92: {  	[bflag:$0x0] =	sbarrier.arrive $0xFFFF  }
0x93: {  	p0 =	sne.s32 s3, $0x0;
	_ =	strace $0x9000004A  }
0x94: {  	s0 =	sadd.s32 @!p0 $0x100000, s0;
	[bflag:$0x2] =	sbarrier.arrive $0xFFFF  }
0x95: {  	[sflag:s0] =	ssyncadd.tile.s32 @!p0 $0x1;
	_ =	shalt  }
.Lfunc_end2:
_tile_overlayer_lowered:
.L_overlay_start_2:
0x96: {  	(tag) =	ssettag $0x2  }
0x97: {  	s0 =	rddreg [dreg:$0x0];
	s2 =	stileid.u32  }
0x98: {  	s1 =	rddreg [dreg:$0x1];
	p0 =	sne.s32 s2, $0x0  }
0x99: {  	s3 =	rddreg [dreg:$0x2];
	[bflag:$0x3] =	sbarrier.arrive $0xFFFF;
	s2 =	simm.s32 @!p0 $0x1C03  }
0x9a: {  	[timem:s3], [sflag:s2] =	dma.local @!p0 [hbm:s0], s1  }
0x9b: {  	s0 =	simm.s32 @!p0 $0x3  }
0x9c: {  	_ =	swait.ge @!p0 [sflag:s0], s1  }
0x9d: {  	s1 =	ssub.s32 @!p0 $0x0, s1;
	[sflag:s0] =	ssyncset.done @!p0 $0x0  }
0x9e: {  	[sflag:s0] =	ssyncadd.s32 @!p0 s1  }
0x9f: {  	[bflag:$0x3] =	sbarrier.arrive $0xFFFF  }
0xa0: {  	_ =	shalt  }

// kernel: kernel.15.cloned.1.call-start
scs
__scs_entry_jumppad:
0x0: {  	(pc) =	sbr.rel $0x88, $3  }
0x1: {  	(tag) =	ssettag $0x0;
	lr =	simm.s32 $0x1  }
0x2: {  	[smem:$0x3F9D] =	sst lr;
	_ =	strace $0xD0000000  }
0x3: {  	_ = 	snop  }
0x4: {  	_ = 	snop  }
0x5: {  	_ = 	snop  }
0x6: {  	_ = 	snop  }
0x7: {  	_ = 	snop  }
__scs_overlays_trampoline_lowered:
0x8: {  	[smem:$0x3FAC] =	sst s0  }
0x9: {  	[smem:$0x3FAD] =	sst s1  }
0xa: {  	[smem:$0x3FAE] =	sst s2  }
0xb: {  	[smem:$0x3FAF] =	sst s3  }
0xc: {  	[smem:$0x3FB0] =	sst s4  }
0xd: {  	[smem:$0x3FB1] =	sst s5  }
0xe: {  	[smem:$0x3FB2] =	sst s6  }
0xf: {  	[smem:$0x3FB3] =	sst s7  }
0x10: {  	[smem:$0x3FB4] =	sst s8  }
0x11: {  	[smem:$0x3FB5] =	sst s9;
	s0 =	simm.s32 @!p0 $0x0  }
0x12: {  	s1 =	sld [smem:$0x3F9B];
	s0 =	simm.s32 @p0 $0x1  }
0x13: {  	[smem:$0x3FB6] =	sst s0;
	s0 =	simm.s32 @!p1 $0x0  }
0x14: {  	s2 =	sld [smem:$0x3F9A];
	s0 =	simm.s32 @p1 $0x1  }
0x15: {  	[smem:$0x3FB7] =	sst s0;
	s0 =	simm.s32 @!p2 $0x0  }
0x16: {  	s3 =	sld [smem:$0x3FDB];
	s0 =	simm.s32 @p2 $0x1  }
0x17: {  	s4 =	simm.s32 $0x1BF5;
	[smem:$0x3FB9] =	sst s0  }
0x18: {  	s0 =	sld [smem:$0x3F9C];
	_ =	swait.ge [sflag:s4], $0x0  }
0x19: {  	s7 =	sld [smem:$0x3F9D]  }
0x1a: {  	s8 =	sadd.s32 $0xFFFFE003, lr  }
0x1b: {  	s9 =	sadd.s32 $0xFFFFFEF7, lr;
	s5 =	simm.s32 $0xFFFFFFFF;
	p2 =	slt.u32 s8, $0xFFFFF086  }
0x1c: {  	p1 =	slt.u32 s9, $0xF7A;
	s5 =	simm.s32 @!p2 $0x0  }
0x1d: {  	s5 =	simm.s32 @p1 $0x1;
	p0 =	seq.s32 s7, s2  }
0x1e: {  	s7 =	smul.u32 @!p0 $0xF7A, s2;
	p2 =	seq.s32 @!p0 s5, $0x0  }
0x1f: {  	s9 =	smul.u32 $0xF7A, s1;
	s8 =	simm.s32 @!p0 $0x1BF5;
	p2 =	por !p2, p0  }
0x20: {  	[sflag:s8] =	ssyncset.s32 @!p0 $0xFFFFF086;
	s6 =	sadd.s32 @!p0 s3, s7;
	s7 =	simm.s32 @!p0 $0x108  }
0x21: {  	s3 =	sadd.s32 s3, s9;
	s6 =	sadd.s32 @!p0 $0x88, s6;
	s7 =	simm.s32 @p2 $0x1082  }
0x22: {  	[simem:s7], [sflag:s8] =	dma.local @!p0 [hbm:s6], $0xF7A  }
0x23: {  	s9 =	sor.u32 $0xD0000000, s2;
	s6 =	simm.s32 $0x108;
	_ =	swait.ge @!p0 [sflag:s8], $0x0  }
0x24: {  	s3 =	sadd.s32 $0x88, s3;
	s6 =	simm.s32 @!p1 $0x1082;
	[sflag:s4] =	ssyncset.s32 $0xFFFFF086  }
0x25: {  	[simem:s6], [sflag:s4] =	dma.local [hbm:s3], $0xF7A  }
0x26: {  	[smem:$0x3F9D] =	sst s1;
	(tag) =	ssettag s2;
	_ =	strace s9  }
0x27: {  	s1 =	sld [smem:$0x3FAD]  }
0x28: {  	s2 =	sld [smem:$0x3FAE]  }
0x29: {  	s4 =	sld [smem:$0x3FB0]  }
0x2a: {  	p0 =	seq.s32 s5, $0x0;
	s5 =	sld [smem:$0x3FB1]  }
0x2b: {  	s6 =	sld [smem:$0x3FB2]  }
0x2c: {  	s7 =	sld [smem:$0x3FB3]  }
0x2d: {  	s3 =	simm.s32 $0x108;
	s8 =	sld [smem:$0x3FB4]  }
0x2e: {  	s3 =	simm.s32 @!p0 $0x1082;
	s9 =	sld [smem:$0x3FB5]  }
0x2f: {  	lr =	sadd.s32 s0, s3;
	s0 =	sld [smem:$0x3FAC]  }
0x30: {  	s3 =	sld [smem:$0x3FAF]  }
0x31: {  	[smem:$0x3FB8] =	sst s10  }
0x32: {  	s10 =	sld [smem:$0x3FB6];
	_ =	sdelay $0x3  }
0x33: {  	p0 =	seq.s32 s10, $0x1;
	s10 =	sld [smem:$0x3FB8];
	_ =	sdelay $0x3  }
0x34: {  	[smem:$0x3FB8] =	sst s10  }
0x35: {  	s10 =	sld [smem:$0x3FB7];
	_ =	sdelay $0x3  }
0x36: {  	p1 =	seq.s32 s10, $0x1;
	s10 =	sld [smem:$0x3FB8];
	_ =	sdelay $0x3  }
0x37: {  	[smem:$0x3FB8] =	sst s10  }
0x38: {  	s10 =	sld [smem:$0x3FB9]  }
0x39: {  	_ = 	snop;
	(pc) =	sbr.ind lr, $3  }
0x3a: {  	_ = 	snop  }
0x3b: {  	_ = 	snop  }
0x3c: {  	p2 =	seq.s32 s10, $0x1;
	s10 =	sld [smem:$0x3FB8]  }
0x3d: {  	_ =	shalt  }
0x3e: {  	_ =	shalt  }
0x3f: {  	_ =	shalt  }
0x40: {  	_ =	shalt  }
0x41: {  	_ =	shalt  }
0x42: {  	_ =	shalt  }
0x43: {  	_ =	shalt  }
0x44: {  	_ =	shalt  }
0x45: {  	_ =	shalt  }
0x46: {  	_ =	shalt  }
0x47: {  	_ =	shalt  }
0x48: {  	_ =	shalt  }
0x49: {  	_ =	shalt  }
0x4a: {  	_ =	shalt  }
0x4b: {  	_ =	shalt  }
0x4c: {  	_ =	shalt  }
0x4d: {  	_ =	shalt  }
0x4e: {  	_ =	shalt  }
0x4f: {  	_ =	shalt  }
0x50: {  	_ =	shalt  }
0x51: {  	_ =	shalt  }
0x52: {  	_ =	shalt  }
0x53: {  	_ =	shalt  }
0x54: {  	_ =	shalt  }
0x55: {  	_ =	shalt  }
0x56: {  	_ =	shalt  }
0x57: {  	_ =	shalt  }
0x58: {  	_ =	shalt  }
0x59: {  	_ =	shalt  }
0x5a: {  	_ =	shalt  }
0x5b: {  	_ =	shalt  }
0x5c: {  	_ =	shalt  }
0x5d: {  	_ =	shalt  }
0x5e: {  	_ =	shalt  }
0x5f: {  	_ =	shalt  }
0x60: {  	_ =	shalt  }
0x61: {  	_ =	shalt  }
0x62: {  	_ =	shalt  }
0x63: {  	_ =	shalt  }
0x64: {  	_ =	shalt  }
0x65: {  	_ =	shalt  }
0x66: {  	_ =	shalt  }
0x67: {  	_ =	shalt  }
0x68: {  	_ =	shalt  }
0x69: {  	_ =	shalt  }
0x6a: {  	_ =	shalt  }
0x6b: {  	_ =	shalt  }
0x6c: {  	_ =	shalt  }
0x6d: {  	_ =	shalt  }
0x6e: {  	_ =	shalt  }
0x6f: {  	_ =	shalt  }
0x70: {  	_ =	shalt  }
0x71: {  	_ =	shalt  }
0x72: {  	_ =	shalt  }
0x73: {  	_ =	shalt  }
0x74: {  	_ =	shalt  }
0x75: {  	_ =	shalt  }
0x76: {  	_ =	shalt  }
0x77: {  	_ =	shalt  }
0x78: {  	_ =	shalt  }
0x79: {  	_ =	shalt  }
0x7a: {  	_ =	shalt  }
0x7b: {  	_ =	shalt  }
0x7c: {  	_ =	shalt  }
0x7d: {  	_ =	shalt  }
0x7e: {  	_ =	shalt  }
0x7f: {  	_ =	shalt  }
0x80: {  	_ =	shalt  }
0x81: {  	_ =	shalt  }
0x82: {  	_ =	shalt  }
0x83: {  	_ =	shalt  }
0x84: {  	_ =	shalt  }
0x85: {  	_ =	shalt  }
0x86: {  	_ =	shalt  }
0x87: {  	_ =	shalt  }
.Lfunc_end0:
.L_simem_size_0:
called_computation.2_lowered:
.L_overlay_start_0:
0x88: {  	s2 =	sld [smem:$0x3FD9]  }
0x89: {  	s3 =	sld [smem:$0x3FFE];
	_ =	sdelay $0x1  }
0x8a: {  	s1 =	srdreg.scid  }
0x8b: {  	s0 =	sand.u32 $0x1, s1  }
0x8c: {  	s17 =	sshll.u32 s0, $0xA;
	s2 =	sadd.s32 s3, s2  }
0x8d: {  	s2 =	sadd.s32 s2, s17  }
0x8e: {  	[smem:$0x3FC4] =	sst s2  }
0x8f: {  	_ = 	snop  }
0x90: {  	s2 =	sld [smem:$0x3FD0];
	(tm) =	ssettm $0x1  }
0x91: {  	s18 =	sld [smem:$0x3FFB];
	_ =	sdelay $0x3  }
0x92: {  	_ =	strace s18  }
0x93: {  	s3 =	sld [smem:$0x3FFC];
	_ =	sdelay $0x3  }
0x94: {  	_ =	strace s3  }
0x95: {  	s3 =	sld [smem:$0x3FFD];
	_ =	sdelay $0x3  }
0x96: {  	_ =	strace s3  }
0x97: {  	_ =	strace $0x8FFFFFFF  }
0x98: {  	s19 =	sld [smem:$0x3FDB];
	_ =	sdelay $0x1  }
0x99: {  	s4 =	simm.s32 $_scs_section_size  }
0x9a: {  	s5 =	simm.s32 $_size__tile_overlayer_lowered;
	s6 =	simm.s32 $_tile_overlayer_lowered  }
0x9b: {  	s22 =	simm.s32 $0x1BFF;
	s21 =	sshll.u32 s6, $0x1;
	s3 =	sadd.s32 s4, s19  }
0x9c: {  	s7 =	simm.s32 $0x0;
	s20 =	sshll.u32 s5, $0x1;
	s5 =	sadd.s32 s21, s3  }
0x9d: {  	[timem:s7], [sflag:s22] =	dma.local [hbm:s5], s20  }
0x9e: {  	_ =	swait.ge [sflag:s22], s20  }
0x9f: {  	s4 =	ssub.s32 $0x0, s20;
	[sflag:s22] =	ssyncset.done $0x0  }
0xa0: {  	[sflag:s22] =	ssyncadd.s32 s4;
	_ =	sdelay $0x1  }
0xa1: {  	s23 =	simm.s32 $0x1B8B  }
0xa2: {  	_ =	swait.ge [sflag:s23], $0x1  }
0xa3: {  	[sflag:s23] =	ssyncset.done $0x0  }
0xa4: {  	s25 =	simm.s32 $0x1B8E;
	s24 =	sld [smem:$0x3FFE];
	[sflag:s23] =	ssyncadd.s32 $0xFFFFFFFF  }
0xa5: {  	s26 =	simm.s32 $execute0_lowered;
	[smem:$0x3FD2] =	sst s25  }
0xa6: {  	s5 =	sshll.u32 s26, $0x1;
	_ =	strace $0x8000004C;
	[dreg:$0x1] =	wrdreg $0xFFFFFFFF  }
0xa7: {  	s28 =	simm.s32 $_size_execute0_lowered;
	s3 =	sadd.s32 s3, s5;
	[dreg:$0x0] =	wrdreg $0x0  }
0xa8: {  	s5 =	sshll.u32 s28, $0x1;
	[dreg:$0x2] =	wrdreg s3  }
0xa9: {  	[dreg:$0x3] =	wrdreg s5  }
0xaa: {  	[dreg:$0x4] =	wrdreg $0xC0  }
0xab: {  	_ =	task [dreg:s7], $0x5FFFF  }
0xac: {  	[dreg:$0x1] =	wrdreg $0xFFFFFFFF  }
0xad: {  	[dreg:$0x0] =	wrdreg $0x60  }
0xae: {  	[dreg:$0x2] =	wrdreg s2  }
0xaf: {  	[dreg:$0x3] =	wrdreg s24  }
0xb0: {  	[dreg:$0x4] =	wrdreg $0xA8000  }
0xb1: {  	[dreg:$0x5] =	wrdreg $0x9  }
0xb2: {  	_ =	task.clear_ibuf [dreg:s7], $0x6FFFF;
	_ =	strace $0x9000004C  }
0xb3: {  	s29 =	simm.s32 $0x9;
	_ =	strace $0x8000004E  }
0xb4: {  	_ =	swait.ge [sflag:s29], $0x1  }
0xb5: {  	[sflag:s29] =	ssyncadd.s32 $0xFFFFFFFF  }
0xb6: {  	_ =	strace $0x9000004E  }
0xb7: {  	_ =	sfence  }
0xb8: {  	s30 =	sld [smem:$0x0];
	_ =	sdelay $0x2  }
0xb9: {  	s31 =	sshll.u32 s1, $0xD;
	s1 =	sshrl.u32 s1, $0x2  }
0xba: {  	s3 =	sand.u32 $0x4000, s31;
	s1 =	sadd.s32 s1, s30  }
0xbb: {  	s0 =	sor.u32 s3, s0;
	s1 =	sshll.u32 s1, $0x11  }
0xbc: {  	s0 =	sor.u32 s1, s0  }
0xbd: {  	s0 =	sadd.s32 $0x8F2B, s0  }
0xbe: {  	[sflag:s0] =	ssyncadd.remote.s32 $0x1  }
0xbf: {  	_ =	sfence.sel $0xFFFF  }
0xc0: {  	[dreg:$0x0] =	wrdreg $0xFFFFFFFF;
	(pc) =	sbr.abs _section_cstart, $3  }
0xc1: {  	[dreg:$0x1] =	wrdreg $0xFFFFFFFF  }
0xc2: {  	_ =	task.clear_ibuf [dreg:s7], $0x2FFFF;
	_ =	strace $0x9FFFFFFF  }
0xc3: {  	(tm) =	ssettm $0x7FFFFFFF  }
tec
execute0_lowered:
.L_overlay_start_1:
0x0: {  	(tag) =	ssettag $0x1  }
0x1: {  	s1 =	rddreg [dreg:$0x0]  }
0x2: {  	s6 =	rddreg [dreg:$0x1]  }
0x3: {  	s2 =	rddreg [dreg:$0x2];
	s3 =	srdreg.scid  }
0x4: {  	s0 =	rddreg [dreg:$0x3];
	s4 =	simm.s32 $0x0;
	s15 =	simm.s32 $0x1400  }
0x5: {  	s16 =	simm.s32 $0x7D;
	s17 =	simm.s32 $0x2800;
	s18 =	simm.s32 $0x80  }
0x6: {  	s19 =	simm.s32 $0x6800;
	s20 =	simm.s32 $0x1;
	s21 =	simm.s32 $0x2  }
0x7: {  	s22 =	simm.s32 $0x2700;
	s5 =	sand.u32 $0x1, s3;
	s3 =	stileid.u32  }
0x8: {  	[smem:$0x7FF] =	sst s4;
	s9 =	sadd.s32 $0x17400, s6;
	s7 =	smul.u32 $0x13C000, s5  }
0x9: {  	s10 =	sadd.s32 $0x2E00, s6;
	s8 =	smul.u32 $0x13C00, s3;
	_ =	strace $0x8000004D  }
0xa: {  	s23 =	sshll.u32 s5, $0x4;
	s11 =	ssub.s32 $0x2, s5;
	s25 =	smul.u32 $0x4F000, s3  }
0xb: {  	s5 =	sadd.s32 $0xCE00, s6;
	s28 =	sshll.u32 s3, $0x6;
	s24 =	sor.u32 s3, s23  }
0xc: {  	s12 =	sshrl.u32 s11, $0x1;
	s23 =	simm.s32 $0x2780;
	s7 =	sadd.s32 s8, s7  }
0xd: {  	s13 =	smul.u32 $0x2800, s24;
	s12 =	ssub.s32 s11, s12;
	s26 =	sshrl.u32 s25, $0x2  }
0xe: {  	s24 =	simm.s32 $0x0;
	s7 =	sshrl.u32 s7, $0x3;
	s30 =	sadd.s32 s26, s2  }
0xf: {  	s12 =	smax.u32 s12, $0x1;
	s14 =	sadd.s32 s7, s6;
	s29 =	sshrl.u32 s13, $0x3  }
0x10: {  	s6 =	sor.u32 $0x1C03, s28;
	s13 =	sshrl.u32 s30, $0x3;
	s31 =	sadd.s32 $0x280, s29  }
0x11: {  	s7 =	sadd.s32 s9, s29;
	s8 =	sadd.s32 s10, s29;
	s11 =	sadd.s32 $0x70400, s14  }
0x12: {  	s14 =	simm.s32 $0x3;
	s9 =	sadd.s32 s9, s31;
	s10 =	sadd.s32 s10, s31  }
.LBB2_1:
0x13: {  	[spmem:s13], [sflag:s6] =	dma.local [hbm:s5], $0x2780  }
0x14: {  	_ =	swait.ge [sflag:s14], $0x2780  }
0x15: {  	[sflag:s14] =	ssyncset.done $0x0  }
0x16: {  	[sflag:s14] =	ssyncadd.s32 $0xFFFFD880  }
0x17: {  	[bflag:$0x0] =	sbarrier.arrive $0xFFFF  }
0x18: {  	[tilespmem:s4], [sflag:$0x3] =	stream.linear.gather [hbm4b:s7+s4], $0x1400, $0x38;
	[tilespmem:$0x1E400] =	vst v63  }
0x19: {  	_ =	swait.ge [sflag:s14], $0x1400  }
0x1a: {  	[sflag:s14] =	ssyncset.done $0x0  }
0x1b: {  	[sflag:s14] =	ssyncadd.s32 $0xFFFFEC00  }
0x1c: {  	[tilespmem:s15], [sflag:$0x3] =	stream.linear.gather [hbm4b:s8+s4], $0x1400, $0x38;
	[tilespmem:$0x1E400] =	vst v63  }
0x1d: {  	_ =	swait.ge [sflag:s14], $0x1400  }
0x1e: {  	[sflag:s14] =	ssyncset.done $0x0  }
0x1f: {  	[sflag:s14] =	ssyncadd.s32 $0xFFFFEC00  }
0x20: {  	[tilespmem:s17], [sflag:$0x1] =	stream.indirect.gather [hbm4b:s1+s16], $0x80, s4, s16, $0xb8;
	[tilespmem:$0x1E400] =	vst v63  }
0x21: {  	_ = 	snop  }
0x22: {  	[tilespmem:s19], [sflag:$0x2] =	stream.indirect.gather [hbm4b:s1+s16], $0x80, s18, s16, $0xb8;
	[tilespmem:$0x1E400] =	vst v63  }
0x23: {  	_ =	swait.ge [sflag:s20], $0x3E80  }
0x24: {  	[sflag:s20] =	ssyncset.done $0x0  }
0x25: {  	s25 =	simm.s32 $0x1400;
	[sflag:s20] =	ssyncadd.s32 $0xFFFFC180  }
0x26: {  	[spmem:s2] =	stream.indirect.scatter.add.f32 [tilespmem:s17], [sflag:$0x3], $0x80, s25, s16, $0xb8;
	[tilespmem:$0x1E400] =	vst v63  }
0x27: {  	_ =	swait.ge [sflag:s14], $0x3E80  }
0x28: {  	[sflag:s14] =	ssyncset.done $0x0  }
0x29: {  	s30 =	simm.s32 $0x100;
	[sflag:s14] =	ssyncadd.s32 $0xFFFFC180  }
0x2a: {  	[tilespmem:s17], [sflag:$0x1] =	stream.indirect.gather [hbm4b:s1+s16], $0x80, s30, s16, $0xb8;
	[tilespmem:$0x1E400] =	vst v63  }
0x2b: {  	_ =	swait.ge [sflag:s21], $0x3E80  }
0x2c: {  	[sflag:s21] =	ssyncset.done $0x0  }
0x2d: {  	s31 =	simm.s32 $0x1480;
	[sflag:s21] =	ssyncadd.s32 $0xFFFFC180  }
0x2e: {  	[spmem:s2] =	stream.indirect.scatter.add.f32 [tilespmem:s19], [sflag:$0x3], $0x80, s31, s16, $0xb8;
	[tilespmem:$0x1E400] =	vst v63  }
0x2f: {  	_ =	swait.ge [sflag:s14], $0x3E80  }
0x30: {  	[sflag:s14] =	ssyncset.done $0x0  }
0x31: {  	s26 =	simm.s32 $0x180;
	s25 =	simm.s32 $0x400;
	[sflag:s14] =	ssyncadd.s32 $0xFFFFC180  }
.LBB2_2:
0x32: {  	[tilespmem:s19], [sflag:$0x2] =	stream.indirect.gather [hbm4b:s1+s16], $0x80, s26, s16, $0xb8;
	[tilespmem:$0x1E400] =	vst v63  }
0x33: {  	s26 =	smov.u32 s25  }
0x34: {  	p0 =	sne.s32 s25, $0x4800;
	s25 =	sadd.s32 $0x400, s25;
	_ =	swait.ge [sflag:s20], $0x3E80  }
0x35: {  	s26 =	sshra.s32 s26, $0x2;
	[sflag:s20] =	ssyncset.done $0x0  }
0x36: {  	s28 =	sadd.s32 $0x1400, s26;
	[sflag:s20] =	ssyncadd.s32 $0xFFFFC180  }
0x37: {  	[spmem:s2] =	stream.indirect.scatter.add.f32 [tilespmem:s17], [sflag:$0x3], $0x80, s28, s16, $0xb8;
	[tilespmem:$0x1E400] =	vst v63  }
0x38: {  	_ =	swait.ge [sflag:s14], $0x3E80  }
0x39: {  	[sflag:s14] =	ssyncset.done $0x0  }
0x3a: {  	s28 =	sadd.s32 $0x100, s26;
	[sflag:s14] =	ssyncadd.s32 $0xFFFFC180  }
0x3b: {  	[tilespmem:s17], [sflag:$0x1] =	stream.indirect.gather [hbm4b:s1+s16], $0x80, s28, s16, $0xb8;
	[tilespmem:$0x1E400] =	vst v63  }
0x3c: {  	_ =	swait.ge [sflag:s21], $0x3E80  }
0x3d: {  	[sflag:s21] =	ssyncset.done $0x0  }
.Ltmp0:
0x3e: {  	s28 =	sadd.s32 $0x1480, s26;
	[sflag:s21] =	ssyncadd.s32 $0xFFFFC180;
	(pc) =	sbr.rel @p0 .LBB2_2-.Ltmp0, $4  }
0x3f: {  	[spmem:s2] =	stream.indirect.scatter.add.f32 [tilespmem:s19], [sflag:$0x3], $0x80, s28, s16, $0xb8;
	[tilespmem:$0x1E400] =	vst v63  }
0x40: {  	_ =	swait.ge [sflag:s14], $0x3E80  }
0x41: {  	[sflag:s14] =	ssyncset.done $0x0  }
0x42: {  	s26 =	sadd.s32 $0x180, s26;
	[sflag:s14] =	ssyncadd.s32 $0xFFFFC180  }
0x43: {  	[tilespmem:s19], [sflag:$0x2] =	stream.indirect.gather [hbm4b:s1+s16], $0x80, s26, s16, $0xb8;
	[tilespmem:$0x1E400] =	vst v63  }
0x44: {  	_ =	swait.ge [sflag:s20], $0x3E80  }
0x45: {  	[sflag:s20] =	ssyncset.done $0x0  }
0x46: {  	[sflag:s20] =	ssyncadd.s32 $0xFFFFC180  }
0x47: {  	[spmem:s2] =	stream.indirect.scatter.add.f32 [tilespmem:s17], [sflag:$0x3], $0x80, s22, s16, $0xb8;
	[tilespmem:$0x1E400] =	vst v63  }
0x48: {  	_ =	swait.ge [sflag:s14], $0x3E80  }
0x49: {  	[sflag:s14] =	ssyncset.done $0x0  }
0x4a: {  	[sflag:s14] =	ssyncadd.s32 $0xFFFFC180  }
0x4b: {  	_ =	swait.ge [sflag:s21], $0x3E80  }
0x4c: {  	[sflag:s21] =	ssyncset.done $0x0  }
0x4d: {  	[sflag:s21] =	ssyncadd.s32 $0xFFFFC180  }
0x4e: {  	[spmem:s2] =	stream.indirect.scatter.add.f32 [tilespmem:s19], [sflag:$0x3], $0x80, s23, s16, $0xb8;
	[tilespmem:$0x1E400] =	vst v63  }
0x4f: {  	_ =	swait.ge [sflag:s14], $0x3E80  }
0x50: {  	[sflag:s14] =	ssyncset.done $0x0  }
0x51: {  	s25 =	simm.s32 $0x0;
	[sflag:s14] =	ssyncadd.s32 $0xFFFFC180  }
0x52: {  	[tilespmem:s25], [sflag:$0x3] =	stream.linear.gather [hbm4b:s9+s25], $0x1400, $0x38;
	[tilespmem:$0x1E400] =	vst v63  }
0x53: {  	_ =	swait.ge [sflag:s14], $0x1400  }
0x54: {  	[sflag:s14] =	ssyncset.done $0x0  }
0x55: {  	[sflag:s14] =	ssyncadd.s32 $0xFFFFEC00  }
0x56: {  	[tilespmem:s15], [sflag:$0x3] =	stream.linear.gather [hbm4b:s10+s25], $0x1400, $0x38;
	[tilespmem:$0x1E400] =	vst v63  }
0x57: {  	_ =	swait.ge [sflag:s14], $0x1400  }
0x58: {  	[sflag:s14] =	ssyncset.done $0x0  }
0x59: {  	[sflag:s14] =	ssyncadd.s32 $0xFFFFEC00  }
0x5a: {  	[tilespmem:s17], [sflag:$0x1] =	stream.indirect.gather [hbm4b:s1+s16], $0x80, s25, s16, $0xb8;
	[tilespmem:$0x1E400] =	vst v63  }
0x5b: {  	_ = 	snop  }
0x5c: {  	[tilespmem:s19], [sflag:$0x2] =	stream.indirect.gather [hbm4b:s1+s16], $0x80, s18, s16, $0xb8;
	[tilespmem:$0x1E400] =	vst v63  }
0x5d: {  	_ =	swait.ge [sflag:s20], $0x3E80  }
0x5e: {  	[sflag:s20] =	ssyncset.done $0x0  }
0x5f: {  	s29 =	simm.s32 $0x1400;
	[sflag:s20] =	ssyncadd.s32 $0xFFFFC180  }
0x60: {  	[spmem:s2] =	stream.indirect.scatter.add.f32 [tilespmem:s17], [sflag:$0x3], $0x80, s29, s16, $0xb8;
	[tilespmem:$0x1E400] =	vst v63  }
0x61: {  	_ =	swait.ge [sflag:s14], $0x3E80  }
0x62: {  	[sflag:s14] =	ssyncset.done $0x0  }
0x63: {  	s30 =	simm.s32 $0x100;
	[sflag:s14] =	ssyncadd.s32 $0xFFFFC180  }
0x64: {  	[tilespmem:s17], [sflag:$0x1] =	stream.indirect.gather [hbm4b:s1+s16], $0x80, s30, s16, $0xb8;
	[tilespmem:$0x1E400] =	vst v63  }
0x65: {  	_ =	swait.ge [sflag:s21], $0x3E80  }
0x66: {  	[sflag:s21] =	ssyncset.done $0x0  }
0x67: {  	s31 =	simm.s32 $0x1480;
	[sflag:s21] =	ssyncadd.s32 $0xFFFFC180  }
0x68: {  	[spmem:s2] =	stream.indirect.scatter.add.f32 [tilespmem:s19], [sflag:$0x3], $0x80, s31, s16, $0xb8;
	[tilespmem:$0x1E400] =	vst v63  }
0x69: {  	_ =	swait.ge [sflag:s14], $0x3E80  }
0x6a: {  	[sflag:s14] =	ssyncset.done $0x0  }
0x6b: {  	s26 =	simm.s32 $0x180;
	s25 =	simm.s32 $0x400;
	[sflag:s14] =	ssyncadd.s32 $0xFFFFC180  }
.LBB2_4:
0x6c: {  	[tilespmem:s19], [sflag:$0x2] =	stream.indirect.gather [hbm4b:s1+s16], $0x80, s26, s16, $0xb8;
	[tilespmem:$0x1E400] =	vst v63  }
0x6d: {  	s26 =	smov.u32 s25  }
0x6e: {  	p0 =	sne.s32 s25, $0x4800;
	s25 =	sadd.s32 $0x400, s25;
	_ =	swait.ge [sflag:s20], $0x3E80  }
0x6f: {  	s26 =	sshra.s32 s26, $0x2;
	[sflag:s20] =	ssyncset.done $0x0  }
0x70: {  	s28 =	sadd.s32 $0x1400, s26;
	[sflag:s20] =	ssyncadd.s32 $0xFFFFC180  }
0x71: {  	[spmem:s2] =	stream.indirect.scatter.add.f32 [tilespmem:s17], [sflag:$0x3], $0x80, s28, s16, $0xb8;
	[tilespmem:$0x1E400] =	vst v63  }
0x72: {  	_ =	swait.ge [sflag:s14], $0x3E80  }
0x73: {  	[sflag:s14] =	ssyncset.done $0x0  }
0x74: {  	s28 =	sadd.s32 $0x100, s26;
	[sflag:s14] =	ssyncadd.s32 $0xFFFFC180  }
0x75: {  	[tilespmem:s17], [sflag:$0x1] =	stream.indirect.gather [hbm4b:s1+s16], $0x80, s28, s16, $0xb8;
	[tilespmem:$0x1E400] =	vst v63  }
0x76: {  	_ =	swait.ge [sflag:s21], $0x3E80  }
0x77: {  	[sflag:s21] =	ssyncset.done $0x0  }
.Ltmp1:
0x78: {  	s28 =	sadd.s32 $0x1480, s26;
	[sflag:s21] =	ssyncadd.s32 $0xFFFFC180;
	(pc) =	sbr.rel @p0 .LBB2_4-.Ltmp1, $4  }
0x79: {  	[spmem:s2] =	stream.indirect.scatter.add.f32 [tilespmem:s19], [sflag:$0x3], $0x80, s28, s16, $0xb8;
	[tilespmem:$0x1E400] =	vst v63  }
0x7a: {  	_ =	swait.ge [sflag:s14], $0x3E80  }
0x7b: {  	[sflag:s14] =	ssyncset.done $0x0  }
0x7c: {  	s26 =	sadd.s32 $0x180, s26;
	[sflag:s14] =	ssyncadd.s32 $0xFFFFC180  }
0x7d: {  	[tilespmem:s19], [sflag:$0x2] =	stream.indirect.gather [hbm4b:s1+s16], $0x80, s26, s16, $0xb8;
	[tilespmem:$0x1E400] =	vst v63  }
0x7e: {  	_ =	swait.ge [sflag:s20], $0x3E80  }
0x7f: {  	[sflag:s20] =	ssyncset.done $0x0  }
0x80: {  	[sflag:s20] =	ssyncadd.s32 $0xFFFFC180  }
0x81: {  	[spmem:s2] =	stream.indirect.scatter.add.f32 [tilespmem:s17], [sflag:$0x3], $0x80, s22, s16, $0xb8;
	[tilespmem:$0x1E400] =	vst v63  }
0x82: {  	_ =	swait.ge [sflag:s14], $0x3E80  }
0x83: {  	[sflag:s14] =	ssyncset.done $0x0  }
0x84: {  	[sflag:s14] =	ssyncadd.s32 $0xFFFFC180  }
0x85: {  	_ =	swait.ge [sflag:s21], $0x3E80  }
0x86: {  	[sflag:s21] =	ssyncset.done $0x0  }
0x87: {  	[sflag:s21] =	ssyncadd.s32 $0xFFFFC180  }
0x88: {  	[spmem:s2] =	stream.indirect.scatter.add.f32 [tilespmem:s19], [sflag:$0x3], $0x80, s23, s16, $0xb8;
	[tilespmem:$0x1E400] =	vst v63  }
0x89: {  	_ =	swait.ge [sflag:s14], $0x3E80  }
0x8a: {  	s24 =	sadd.s32 $0x1, s24;
	[sflag:s14] =	ssyncset.done $0x0  }
0x8b: {  	p0 =	sne.s32 s24, s12;
	[sflag:s14] =	ssyncadd.s32 $0xFFFFC180  }
.Ltmp2:
0x8c: {  	[bflag:$0x0] =	sbarrier.arrive $0xFFFF;
	(pc) =	sbr.rel @p0 .LBB2_1-.Ltmp2, $4  }
0x8d: {  	[hbm:s11], [sflag:s6] =	dma.local [spmem:s13], $0x2780  }
0x8e: {  	_ =	swait.ge [sflag:s14], $0x2780  }
0x8f: {  	[sflag:s14] =	ssyncset.done $0x0  }
0x90: {  	[sflag:s14] =	ssyncadd.s32 $0xFFFFD880  }
0x91: {  	_ =	sfence.sel $0x180000  }
0x92: {  	[bflag:$0x0] =	sbarrier.arrive $0xFFFF  }
0x93: {  	p0 =	sne.s32 s3, $0x0;
	_ =	strace $0x9000004D  }
0x94: {  	s0 =	sadd.s32 @!p0 $0x100000, s0;
	[bflag:$0x2] =	sbarrier.arrive $0xFFFF  }
0x95: {  	[sflag:s0] =	ssyncadd.tile.s32 @!p0 $0x1;
	_ =	shalt  }
.Lfunc_end2:
_tile_overlayer_lowered:
.L_overlay_start_2:
0x96: {  	(tag) =	ssettag $0x2  }
0x97: {  	s0 =	rddreg [dreg:$0x0];
	s2 =	stileid.u32  }
0x98: {  	s1 =	rddreg [dreg:$0x1];
	p0 =	sne.s32 s2, $0x0  }
0x99: {  	s3 =	rddreg [dreg:$0x2];
	[bflag:$0x3] =	sbarrier.arrive $0xFFFF;
	s2 =	simm.s32 @!p0 $0x1C03  }
0x9a: {  	[timem:s3], [sflag:s2] =	dma.local @!p0 [hbm:s0], s1  }
0x9b: {  	s0 =	simm.s32 @!p0 $0x3  }
0x9c: {  	_ =	swait.ge @!p0 [sflag:s0], s1  }
0x9d: {  	s1 =	ssub.s32 @!p0 $0x0, s1;
	[sflag:s0] =	ssyncset.done @!p0 $0x0  }
0x9e: {  	[sflag:s0] =	ssyncadd.s32 @!p0 s1  }
0x9f: {  	[bflag:$0x3] =	sbarrier.arrive $0xFFFF  }
0xa0: {  	_ =	shalt  }

// kernel: kernel.9.cloned.1.call-start
scs
__scs_entry_jumppad:
0x0: {  	(pc) =	sbr.rel $0x88, $3  }
0x1: {  	(tag) =	ssettag $0x0;
	lr =	simm.s32 $0x1  }
0x2: {  	[smem:$0x3F9D] =	sst lr;
	_ =	strace $0xD0000000  }
0x3: {  	_ = 	snop  }
0x4: {  	_ = 	snop  }
0x5: {  	_ = 	snop  }
0x6: {  	_ = 	snop  }
0x7: {  	_ = 	snop  }
__scs_overlays_trampoline_lowered:
0x8: {  	[smem:$0x3FAC] =	sst s0  }
0x9: {  	[smem:$0x3FAD] =	sst s1  }
0xa: {  	[smem:$0x3FAE] =	sst s2  }
0xb: {  	[smem:$0x3FAF] =	sst s3  }
0xc: {  	[smem:$0x3FB0] =	sst s4  }
0xd: {  	[smem:$0x3FB1] =	sst s5  }
0xe: {  	[smem:$0x3FB2] =	sst s6  }
0xf: {  	[smem:$0x3FB3] =	sst s7  }
0x10: {  	[smem:$0x3FB4] =	sst s8  }
0x11: {  	[smem:$0x3FB5] =	sst s9;
	s0 =	simm.s32 @!p0 $0x0  }
0x12: {  	s1 =	sld [smem:$0x3F9B];
	s0 =	simm.s32 @p0 $0x1  }
0x13: {  	[smem:$0x3FB6] =	sst s0;
	s0 =	simm.s32 @!p1 $0x0  }
0x14: {  	s2 =	sld [smem:$0x3F9A];
	s0 =	simm.s32 @p1 $0x1  }
0x15: {  	[smem:$0x3FB7] =	sst s0;
	s0 =	simm.s32 @!p2 $0x0  }
0x16: {  	s3 =	sld [smem:$0x3FDB];
	s0 =	simm.s32 @p2 $0x1  }
0x17: {  	s4 =	simm.s32 $0x1BF5;
	[smem:$0x3FB9] =	sst s0  }
0x18: {  	s0 =	sld [smem:$0x3F9C];
	_ =	swait.ge [sflag:s4], $0x0  }
0x19: {  	s7 =	sld [smem:$0x3F9D]  }
0x1a: {  	s8 =	sadd.s32 $0xFFFFE003, lr  }
0x1b: {  	s9 =	sadd.s32 $0xFFFFFEF7, lr;
	s5 =	simm.s32 $0xFFFFFFFF;
	p2 =	slt.u32 s8, $0xFFFFF086  }
0x1c: {  	p1 =	slt.u32 s9, $0xF7A;
	s5 =	simm.s32 @!p2 $0x0  }
0x1d: {  	s5 =	simm.s32 @p1 $0x1;
	p0 =	seq.s32 s7, s2  }
0x1e: {  	s7 =	smul.u32 @!p0 $0xF7A, s2;
	p2 =	seq.s32 @!p0 s5, $0x0  }
0x1f: {  	s9 =	smul.u32 $0xF7A, s1;
	s8 =	simm.s32 @!p0 $0x1BF5;
	p2 =	por !p2, p0  }
0x20: {  	[sflag:s8] =	ssyncset.s32 @!p0 $0xFFFFF086;
	s6 =	sadd.s32 @!p0 s3, s7;
	s7 =	simm.s32 @!p0 $0x108  }
0x21: {  	s3 =	sadd.s32 s3, s9;
	s6 =	sadd.s32 @!p0 $0x88, s6;
	s7 =	simm.s32 @p2 $0x1082  }
0x22: {  	[simem:s7], [sflag:s8] =	dma.local @!p0 [hbm:s6], $0xF7A  }
0x23: {  	s9 =	sor.u32 $0xD0000000, s2;
	s6 =	simm.s32 $0x108;
	_ =	swait.ge @!p0 [sflag:s8], $0x0  }
0x24: {  	s3 =	sadd.s32 $0x88, s3;
	s6 =	simm.s32 @!p1 $0x1082;
	[sflag:s4] =	ssyncset.s32 $0xFFFFF086  }
0x25: {  	[simem:s6], [sflag:s4] =	dma.local [hbm:s3], $0xF7A  }
0x26: {  	[smem:$0x3F9D] =	sst s1;
	(tag) =	ssettag s2;
	_ =	strace s9  }
0x27: {  	s1 =	sld [smem:$0x3FAD]  }
0x28: {  	s2 =	sld [smem:$0x3FAE]  }
0x29: {  	s4 =	sld [smem:$0x3FB0]  }
0x2a: {  	p0 =	seq.s32 s5, $0x0;
	s5 =	sld [smem:$0x3FB1]  }
0x2b: {  	s6 =	sld [smem:$0x3FB2]  }
0x2c: {  	s7 =	sld [smem:$0x3FB3]  }
0x2d: {  	s3 =	simm.s32 $0x108;
	s8 =	sld [smem:$0x3FB4]  }
0x2e: {  	s3 =	simm.s32 @!p0 $0x1082;
	s9 =	sld [smem:$0x3FB5]  }
0x2f: {  	lr =	sadd.s32 s0, s3;
	s0 =	sld [smem:$0x3FAC]  }
0x30: {  	s3 =	sld [smem:$0x3FAF]  }
0x31: {  	[smem:$0x3FB8] =	sst s10  }
0x32: {  	s10 =	sld [smem:$0x3FB6];
	_ =	sdelay $0x3  }
0x33: {  	p0 =	seq.s32 s10, $0x1;
	s10 =	sld [smem:$0x3FB8];
	_ =	sdelay $0x3  }
0x34: {  	[smem:$0x3FB8] =	sst s10  }
0x35: {  	s10 =	sld [smem:$0x3FB7];
	_ =	sdelay $0x3  }
0x36: {  	p1 =	seq.s32 s10, $0x1;
	s10 =	sld [smem:$0x3FB8];
	_ =	sdelay $0x3  }
0x37: {  	[smem:$0x3FB8] =	sst s10  }
0x38: {  	s10 =	sld [smem:$0x3FB9]  }
0x39: {  	_ = 	snop;
	(pc) =	sbr.ind lr, $3  }
0x3a: {  	_ = 	snop  }
0x3b: {  	_ = 	snop  }
0x3c: {  	p2 =	seq.s32 s10, $0x1;
	s10 =	sld [smem:$0x3FB8]  }
0x3d: {  	_ =	shalt  }
0x3e: {  	_ =	shalt  }
0x3f: {  	_ =	shalt  }
0x40: {  	_ =	shalt  }
0x41: {  	_ =	shalt  }
0x42: {  	_ =	shalt  }
0x43: {  	_ =	shalt  }
0x44: {  	_ =	shalt  }
0x45: {  	_ =	shalt  }
0x46: {  	_ =	shalt  }
0x47: {  	_ =	shalt  }
0x48: {  	_ =	shalt  }
0x49: {  	_ =	shalt  }
0x4a: {  	_ =	shalt  }
0x4b: {  	_ =	shalt  }
0x4c: {  	_ =	shalt  }
0x4d: {  	_ =	shalt  }
0x4e: {  	_ =	shalt  }
0x4f: {  	_ =	shalt  }
0x50: {  	_ =	shalt  }
0x51: {  	_ =	shalt  }
0x52: {  	_ =	shalt  }
0x53: {  	_ =	shalt  }
0x54: {  	_ =	shalt  }
0x55: {  	_ =	shalt  }
0x56: {  	_ =	shalt  }
0x57: {  	_ =	shalt  }
0x58: {  	_ =	shalt  }
0x59: {  	_ =	shalt  }
0x5a: {  	_ =	shalt  }
0x5b: {  	_ =	shalt  }
0x5c: {  	_ =	shalt  }
0x5d: {  	_ =	shalt  }
0x5e: {  	_ =	shalt  }
0x5f: {  	_ =	shalt  }
0x60: {  	_ =	shalt  }
0x61: {  	_ =	shalt  }
0x62: {  	_ =	shalt  }
0x63: {  	_ =	shalt  }
0x64: {  	_ =	shalt  }
0x65: {  	_ =	shalt  }
0x66: {  	_ =	shalt  }
0x67: {  	_ =	shalt  }
0x68: {  	_ =	shalt  }
0x69: {  	_ =	shalt  }
0x6a: {  	_ =	shalt  }
0x6b: {  	_ =	shalt  }
0x6c: {  	_ =	shalt  }
0x6d: {  	_ =	shalt  }
0x6e: {  	_ =	shalt  }
0x6f: {  	_ =	shalt  }
0x70: {  	_ =	shalt  }
0x71: {  	_ =	shalt  }
0x72: {  	_ =	shalt  }
0x73: {  	_ =	shalt  }
0x74: {  	_ =	shalt  }
0x75: {  	_ =	shalt  }
0x76: {  	_ =	shalt  }
0x77: {  	_ =	shalt  }
0x78: {  	_ =	shalt  }
0x79: {  	_ =	shalt  }
0x7a: {  	_ =	shalt  }
0x7b: {  	_ =	shalt  }
0x7c: {  	_ =	shalt  }
0x7d: {  	_ =	shalt  }
0x7e: {  	_ =	shalt  }
0x7f: {  	_ =	shalt  }
0x80: {  	_ =	shalt  }
0x81: {  	_ =	shalt  }
0x82: {  	_ =	shalt  }
0x83: {  	_ =	shalt  }
0x84: {  	_ =	shalt  }
0x85: {  	_ =	shalt  }
0x86: {  	_ =	shalt  }
0x87: {  	_ =	shalt  }
.Lfunc_end0:
.L_simem_size_0:
called_computation_lowered:
.L_overlay_start_0:
0x88: {  	s2 =	sld [smem:$0x3FD9]  }
0x89: {  	s3 =	sld [smem:$0x3FFE];
	_ =	sdelay $0x1  }
0x8a: {  	s1 =	srdreg.scid  }
0x8b: {  	s0 =	sand.u32 $0x1, s1  }
0x8c: {  	s17 =	sshll.u32 s0, $0xA;
	s2 =	sadd.s32 s3, s2  }
0x8d: {  	s2 =	sadd.s32 s2, s17  }
0x8e: {  	[smem:$0x3FC4] =	sst s2  }
0x8f: {  	_ = 	snop  }
0x90: {  	s2 =	sld [smem:$0x3FD0];
	(tm) =	ssettm $0x1  }
0x91: {  	s18 =	sld [smem:$0x3FFB];
	_ =	sdelay $0x3  }
0x92: {  	_ =	strace s18  }
0x93: {  	s3 =	sld [smem:$0x3FFC];
	_ =	sdelay $0x3  }
0x94: {  	_ =	strace s3  }
0x95: {  	s3 =	sld [smem:$0x3FFD];
	_ =	sdelay $0x3  }
0x96: {  	_ =	strace s3  }
0x97: {  	_ =	strace $0x8FFFFFFF  }
0x98: {  	s19 =	sld [smem:$0x3FDB];
	_ =	sdelay $0x1  }
0x99: {  	s4 =	simm.s32 $_scs_section_size  }
0x9a: {  	s5 =	simm.s32 $_size__tile_overlayer_lowered;
	s6 =	simm.s32 $_tile_overlayer_lowered  }
0x9b: {  	s22 =	simm.s32 $0x1BFF;
	s21 =	sshll.u32 s6, $0x1;
	s3 =	sadd.s32 s4, s19  }
0x9c: {  	s7 =	simm.s32 $0x0;
	s20 =	sshll.u32 s5, $0x1;
	s5 =	sadd.s32 s21, s3  }
0x9d: {  	[timem:s7], [sflag:s22] =	dma.local [hbm:s5], s20  }
0x9e: {  	_ =	swait.ge [sflag:s22], s20  }
0x9f: {  	s4 =	ssub.s32 $0x0, s20;
	[sflag:s22] =	ssyncset.done $0x0  }
0xa0: {  	[sflag:s22] =	ssyncadd.s32 s4;
	_ =	sdelay $0x1  }
0xa1: {  	s23 =	simm.s32 $0x1B8B  }
0xa2: {  	_ =	swait.ge [sflag:s23], $0x1  }
0xa3: {  	[sflag:s23] =	ssyncset.done $0x0  }
0xa4: {  	s25 =	simm.s32 $0x1B8E;
	s24 =	sld [smem:$0x3FFE];
	[sflag:s23] =	ssyncadd.s32 $0xFFFFFFFF  }
0xa5: {  	s26 =	simm.s32 $execute0_lowered;
	[smem:$0x3FD2] =	sst s25  }
0xa6: {  	s5 =	sshll.u32 s26, $0x1;
	_ =	strace $0x80000046;
	[dreg:$0x1] =	wrdreg $0xFFFFFFFF  }
0xa7: {  	s28 =	simm.s32 $_size_execute0_lowered;
	s3 =	sadd.s32 s3, s5;
	[dreg:$0x0] =	wrdreg $0x0  }
0xa8: {  	s5 =	sshll.u32 s28, $0x1;
	[dreg:$0x2] =	wrdreg s3  }
0xa9: {  	[dreg:$0x3] =	wrdreg s5  }
0xaa: {  	[dreg:$0x4] =	wrdreg $0xC0  }
0xab: {  	_ =	task [dreg:s7], $0x5FFFF  }
0xac: {  	[dreg:$0x1] =	wrdreg $0xFFFFFFFF  }
0xad: {  	[dreg:$0x0] =	wrdreg $0x60  }
0xae: {  	[dreg:$0x2] =	wrdreg s2  }
0xaf: {  	[dreg:$0x3] =	wrdreg s24  }
0xb0: {  	[dreg:$0x4] =	wrdreg $0x2FD00  }
0xb1: {  	[dreg:$0x5] =	wrdreg $0x9  }
0xb2: {  	_ =	task.clear_ibuf [dreg:s7], $0x6FFFF;
	_ =	strace $0x90000046  }
0xb3: {  	s29 =	simm.s32 $0x9;
	_ =	strace $0x80000048  }
0xb4: {  	_ =	swait.ge [sflag:s29], $0x1  }
0xb5: {  	[sflag:s29] =	ssyncadd.s32 $0xFFFFFFFF  }
0xb6: {  	_ =	strace $0x90000048  }
0xb7: {  	_ =	sfence  }
0xb8: {  	s30 =	sld [smem:$0x0];
	_ =	sdelay $0x2  }
0xb9: {  	s31 =	sshll.u32 s1, $0xD;
	s1 =	sshrl.u32 s1, $0x2  }
0xba: {  	s3 =	sand.u32 $0x4000, s31;
	s1 =	sadd.s32 s1, s30  }
0xbb: {  	s0 =	sor.u32 s3, s0;
	s1 =	sshll.u32 s1, $0x11  }
0xbc: {  	s0 =	sor.u32 s1, s0  }
0xbd: {  	s0 =	sadd.s32 $0x8F2B, s0  }
0xbe: {  	[sflag:s0] =	ssyncadd.remote.s32 $0x1  }
0xbf: {  	_ =	sfence.sel $0xFFFF  }
0xc0: {  	[dreg:$0x0] =	wrdreg $0xFFFFFFFF;
	(pc) =	sbr.abs _section_cstart, $3  }
0xc1: {  	[dreg:$0x1] =	wrdreg $0xFFFFFFFF  }
0xc2: {  	_ =	task.clear_ibuf [dreg:s7], $0x2FFFF;
	_ =	strace $0x9FFFFFFF  }
0xc3: {  	(tm) =	ssettm $0x7FFFFFFF  }
tec
execute0_lowered:
.L_overlay_start_1:
0x0: {  	(tag) =	ssettag $0x1  }
0x1: {  	s7 =	rddreg [dreg:$0x0]  }
0x2: {  	s6 =	rddreg [dreg:$0x1];
	s1 =	srdreg.scid  }
0x3: {  	s0 =	stileid.u32;
	s2 =	rddreg [dreg:$0x2]  }
0x4: {  	s3 =	simm.s32 $0x0;
	s14 =	simm.s32 $0x1;
	s15 =	simm.s32 $0x0  }
0x5: {  	s8 =	sand.u32 $0x1, s1;
	s9 =	smul.u32 $0x2780, s0;
	s1 =	rddreg [dreg:$0x3]  }
0x6: {  	[smem:$0x7FF] =	sst s3;
	s4 =	sadd.s32 $0xCE00, s6;
	s12 =	sshll.u32 s0, $0x6  }
0x7: {  	s5 =	smul.u32 $0x27800, s8;
	s11 =	sshll.u32 s8, $0x4;
	s29 =	ssub.s32 $0x2, s8  }
0x8: {  	_ =	strace $0x80000047;
	s30 =	sor.u32 s0, s11;
	s31 =	sshrl.u32 s29, $0x1  }
0x9: {  	s13 =	sadd.s32 s9, s2;
	s10 =	sadd.s32 s9, s5;
	s5 =	sadd.s32 $0xD000, s6  }
0xa: {  	s8 =	smul.u32 $0x500, s30;
	s11 =	ssub.s32 s29, s31;
	s10 =	sshrl.u32 s10, $0x3  }
0xb: {  	s9 =	smax.u32 s11, $0x1;
	s11 =	simm.s32 $0x2;
	s10 =	sadd.s32 s10, s6  }
0xc: {  	s6 =	sor.u32 $0x1C02, s12;
	s7 =	sadd.s32 s7, s8;
	s12 =	simm.s32 $0x2800  }
0xd: {  	s8 =	sadd.s32 $0xD600, s10;
	s10 =	sshrl.u32 s13, $0x3;
	s13 =	simm.s32 $0x7D  }
.LBB2_1:
0xe: {  	[spmem:s10], [sflag:s6] =	dma.local [hbm:s5], $0x4F0  }
0xf: {  	_ =	swait.ge [sflag:s11], $0x4F0  }
0x10: {  	[sflag:s11] =	ssyncset.done $0x0  }
0x11: {  	[sflag:s11] =	ssyncadd.s32 $0xFFFFFB10  }
0x12: {  	[tilespmem:s12], [sflag:$0x2] =	stream.linear.gather [hbm4b:s4+s3], $0x7D0, $0x38;
	[tilespmem:$0x5750] =	vst v63  }
0x13: {  	_ =	swait.ge [sflag:s11], $0x7D0  }
0x14: {  	[sflag:s11] =	ssyncset.done $0x0  }
0x15: {  	[sflag:s11] =	ssyncadd.s32 $0xFFFFF830  }
0x16: {  	[tilespmem:s3], [sflag:$0x2] =	stream.linear.gather [hbm4b:s7+s3], $0x2800, $0x38;
	[tilespmem:$0x5750] =	vst v63  }
0x17: {  	_ =	swait.ge [sflag:s11], $0x2800  }
0x18: {  	[sflag:s11] =	ssyncset.done $0x0  }
0x19: {  	[sflag:s11] =	ssyncadd.s32 $0xFFFFD800  }
0x1a: {  	s16 =	simm.s32 $0x0;
	[bflag:$0x0] =	sbarrier.arrive $0xFFFF  }
0x1b: {  	[spmem:s2] =	stream.indirect.scatter.add.f32 [tilespmem:s12], [sflag:$0x1], $0x10, s16, s13, $0xb8;
	[tilespmem:$0x5750] =	vst v63  }
0x1c: {  	s24 =	simm.s32 $0x80  }
0x1d: {  	[spmem:s2] =	stream.indirect.scatter.add.f32 [tilespmem:s12], [sflag:$0x1], $0x10, s24, s13, $0xb8;
	[tilespmem:$0x5750] =	vst v63  }
0x1e: {  	s25 =	simm.s32 $0x100  }
0x1f: {  	[spmem:s2] =	stream.indirect.scatter.add.f32 [tilespmem:s12], [sflag:$0x1], $0x10, s25, s13, $0xb8;
	[tilespmem:$0x5750] =	vst v63  }
0x20: {  	s26 =	simm.s32 $0x180  }
0x21: {  	[spmem:s2] =	stream.indirect.scatter.add.f32 [tilespmem:s12], [sflag:$0x1], $0x10, s26, s13, $0xb8;
	[tilespmem:$0x5750] =	vst v63  }
0x22: {  	s28 =	simm.s32 $0x200  }
0x23: {  	[spmem:s2] =	stream.indirect.scatter.add.f32 [tilespmem:s12], [sflag:$0x1], $0x10, s28, s13, $0xb8;
	[tilespmem:$0x5750] =	vst v63  }
0x24: {  	s29 =	simm.s32 $0x280  }
0x25: {  	[spmem:s2] =	stream.indirect.scatter.add.f32 [tilespmem:s12], [sflag:$0x1], $0x10, s29, s13, $0xb8;
	[tilespmem:$0x5750] =	vst v63  }
0x26: {  	s30 =	simm.s32 $0x300  }
0x27: {  	[spmem:s2] =	stream.indirect.scatter.add.f32 [tilespmem:s12], [sflag:$0x1], $0x10, s30, s13, $0xb8;
	[tilespmem:$0x5750] =	vst v63  }
0x28: {  	s31 =	simm.s32 $0x380  }
0x29: {  	[spmem:s2] =	stream.indirect.scatter.add.f32 [tilespmem:s12], [sflag:$0x1], $0x10, s31, s13, $0xb8;
	[tilespmem:$0x5750] =	vst v63  }
0x2a: {  	_ =	swait.ge [sflag:s14], $0x7D0  }
0x2b: {  	[sflag:s14] =	ssyncset.done $0x0  }
0x2c: {  	[sflag:s14] =	ssyncadd.s32 $0xFFFFF830  }
0x2d: {  	_ =	swait.ge [sflag:s14], $0x7D0  }
0x2e: {  	[sflag:s14] =	ssyncset.done $0x0  }
0x2f: {  	[sflag:s14] =	ssyncadd.s32 $0xFFFFF830  }
0x30: {  	_ =	swait.ge [sflag:s14], $0x7D0  }
0x31: {  	[sflag:s14] =	ssyncset.done $0x0  }
0x32: {  	[sflag:s14] =	ssyncadd.s32 $0xFFFFF830  }
0x33: {  	_ =	swait.ge [sflag:s14], $0x7D0  }
0x34: {  	[sflag:s14] =	ssyncset.done $0x0  }
0x35: {  	[sflag:s14] =	ssyncadd.s32 $0xFFFFF830  }
0x36: {  	_ =	swait.ge [sflag:s14], $0x7D0  }
0x37: {  	[sflag:s14] =	ssyncset.done $0x0  }
0x38: {  	[sflag:s14] =	ssyncadd.s32 $0xFFFFF830  }
0x39: {  	_ =	swait.ge [sflag:s14], $0x7D0  }
0x3a: {  	[sflag:s14] =	ssyncset.done $0x0  }
0x3b: {  	[sflag:s14] =	ssyncadd.s32 $0xFFFFF830  }
0x3c: {  	_ =	swait.ge [sflag:s14], $0x7D0  }
0x3d: {  	[sflag:s14] =	ssyncset.done $0x0  }
0x3e: {  	[sflag:s14] =	ssyncadd.s32 $0xFFFFF830  }
0x3f: {  	_ =	swait.ge [sflag:s14], $0x7D0  }
0x40: {  	s18 =	simm.s32 $0x2000;
	s16 =	simm.s32 $0x1000;
	[sflag:s14] =	ssyncset.done $0x0  }
.LBB2_2:
0x41: {  	s19 =	sshra.s32 s16, $0x2  }
0x42: {  	[sflag:s14] =	ssyncadd.s32 $0xFFFFF830;
	s16 =	smov.u32 s18;
	s17 =	sadd.s32 $0x1000, s18  }
0x43: {  	[spmem:s2] =	stream.indirect.scatter.add.f32 [tilespmem:s12], [sflag:$0x1], $0x10, s19, s13, $0xb8;
	[tilespmem:$0x5750] =	vst v63  }
0x44: {  	p0 =	sne.s32 s18, $0x9000;
	s18 =	sadd.s32 $0x80, s19  }
0x45: {  	[spmem:s2] =	stream.indirect.scatter.add.f32 [tilespmem:s12], [sflag:$0x1], $0x10, s18, s13, $0xb8;
	[tilespmem:$0x5750] =	vst v63  }
0x46: {  	s18 =	sadd.s32 $0x100, s19  }
0x47: {  	[spmem:s2] =	stream.indirect.scatter.add.f32 [tilespmem:s12], [sflag:$0x1], $0x10, s18, s13, $0xb8;
	[tilespmem:$0x5750] =	vst v63  }
0x48: {  	s18 =	sadd.s32 $0x180, s19  }
0x49: {  	[spmem:s2] =	stream.indirect.scatter.add.f32 [tilespmem:s12], [sflag:$0x1], $0x10, s18, s13, $0xb8;
	[tilespmem:$0x5750] =	vst v63  }
0x4a: {  	s18 =	sadd.s32 $0x200, s19  }
0x4b: {  	[spmem:s2] =	stream.indirect.scatter.add.f32 [tilespmem:s12], [sflag:$0x1], $0x10, s18, s13, $0xb8;
	[tilespmem:$0x5750] =	vst v63  }
0x4c: {  	s18 =	sadd.s32 $0x280, s19  }
0x4d: {  	[spmem:s2] =	stream.indirect.scatter.add.f32 [tilespmem:s12], [sflag:$0x1], $0x10, s18, s13, $0xb8;
	[tilespmem:$0x5750] =	vst v63  }
0x4e: {  	s18 =	sadd.s32 $0x300, s19  }
0x4f: {  	[spmem:s2] =	stream.indirect.scatter.add.f32 [tilespmem:s12], [sflag:$0x1], $0x10, s18, s13, $0xb8;
	[tilespmem:$0x5750] =	vst v63  }
0x50: {  	s18 =	sadd.s32 $0x380, s19  }
0x51: {  	[spmem:s2] =	stream.indirect.scatter.add.f32 [tilespmem:s12], [sflag:$0x1], $0x10, s18, s13, $0xb8;
	[tilespmem:$0x5750] =	vst v63  }
0x52: {  	_ =	swait.ge [sflag:s14], $0x7D0  }
0x53: {  	[sflag:s14] =	ssyncset.done $0x0  }
0x54: {  	[sflag:s14] =	ssyncadd.s32 $0xFFFFF830  }
0x55: {  	_ =	swait.ge [sflag:s14], $0x7D0  }
0x56: {  	[sflag:s14] =	ssyncset.done $0x0  }
0x57: {  	[sflag:s14] =	ssyncadd.s32 $0xFFFFF830  }
0x58: {  	_ =	swait.ge [sflag:s14], $0x7D0  }
0x59: {  	[sflag:s14] =	ssyncset.done $0x0  }
0x5a: {  	[sflag:s14] =	ssyncadd.s32 $0xFFFFF830  }
0x5b: {  	_ =	swait.ge [sflag:s14], $0x7D0  }
0x5c: {  	[sflag:s14] =	ssyncset.done $0x0  }
0x5d: {  	[sflag:s14] =	ssyncadd.s32 $0xFFFFF830  }
0x5e: {  	_ =	swait.ge [sflag:s14], $0x7D0  }
0x5f: {  	[sflag:s14] =	ssyncset.done $0x0  }
0x60: {  	[sflag:s14] =	ssyncadd.s32 $0xFFFFF830  }
0x61: {  	_ =	swait.ge [sflag:s14], $0x7D0  }
0x62: {  	[sflag:s14] =	ssyncset.done $0x0  }
0x63: {  	[sflag:s14] =	ssyncadd.s32 $0xFFFFF830  }
.Ltmp0:
0x64: {  	_ =	swait.ge [sflag:s14], $0x7D0;
	(pc) =	sbr.rel @p0 .LBB2_2-.Ltmp0, $4  }
0x65: {  	[sflag:s14] =	ssyncset.done $0x0  }
0x66: {  	[sflag:s14] =	ssyncadd.s32 $0xFFFFF830  }
0x67: {  	_ =	swait.ge [sflag:s14], $0x7D0  }
0x68: {  	s18 =	smov.u32 s17;
	[sflag:s14] =	ssyncset.done $0x0  }
0x69: {  	s16 =	sshra.s32 s16, $0x2;
	[sflag:s14] =	ssyncadd.s32 $0xFFFFF830  }
0x6a: {  	[spmem:s2] =	stream.indirect.scatter.add.f32 [tilespmem:s12], [sflag:$0x1], $0x10, s16, s13, $0xb8;
	[tilespmem:$0x5750] =	vst v63  }
0x6b: {  	s17 =	sadd.s32 $0x80, s16  }
0x6c: {  	[spmem:s2] =	stream.indirect.scatter.add.f32 [tilespmem:s12], [sflag:$0x1], $0x10, s17, s13, $0xb8;
	[tilespmem:$0x5750] =	vst v63  }
0x6d: {  	s26 =	sadd.s32 $0x100, s16  }
0x6e: {  	[spmem:s2] =	stream.indirect.scatter.add.f32 [tilespmem:s12], [sflag:$0x1], $0x10, s26, s13, $0xb8;
	[tilespmem:$0x5750] =	vst v63  }
0x6f: {  	s28 =	sadd.s32 $0x180, s16  }
0x70: {  	[spmem:s2] =	stream.indirect.scatter.add.f32 [tilespmem:s12], [sflag:$0x1], $0x10, s28, s13, $0xb8;
	[tilespmem:$0x5750] =	vst v63  }
0x71: {  	s29 =	sadd.s32 $0x200, s16  }
0x72: {  	[spmem:s2] =	stream.indirect.scatter.add.f32 [tilespmem:s12], [sflag:$0x1], $0x10, s29, s13, $0xb8;
	[tilespmem:$0x5750] =	vst v63  }
0x73: {  	s30 =	sadd.s32 $0x280, s16  }
0x74: {  	[spmem:s2] =	stream.indirect.scatter.add.f32 [tilespmem:s12], [sflag:$0x1], $0x10, s30, s13, $0xb8;
	[tilespmem:$0x5750] =	vst v63  }
0x75: {  	s31 =	sadd.s32 $0x300, s16  }
0x76: {  	[spmem:s2] =	stream.indirect.scatter.add.f32 [tilespmem:s12], [sflag:$0x1], $0x10, s31, s13, $0xb8;
	[tilespmem:$0x5750] =	vst v63  }
0x77: {  	s16 =	sadd.s32 $0x380, s16  }
0x78: {  	[spmem:s2] =	stream.indirect.scatter.add.f32 [tilespmem:s12], [sflag:$0x1], $0x10, s16, s13, $0xb8;
	[tilespmem:$0x5750] =	vst v63  }
0x79: {  	_ =	swait.ge [sflag:s14], $0x7D0  }
0x7a: {  	[sflag:s14] =	ssyncset.done $0x0  }
0x7b: {  	[sflag:s14] =	ssyncadd.s32 $0xFFFFF830  }
0x7c: {  	_ =	swait.ge [sflag:s14], $0x7D0  }
0x7d: {  	[sflag:s14] =	ssyncset.done $0x0  }
0x7e: {  	[sflag:s14] =	ssyncadd.s32 $0xFFFFF830  }
0x7f: {  	_ =	swait.ge [sflag:s14], $0x7D0  }
0x80: {  	[sflag:s14] =	ssyncset.done $0x0  }
0x81: {  	[sflag:s14] =	ssyncadd.s32 $0xFFFFF830  }
0x82: {  	_ =	swait.ge [sflag:s14], $0x7D0  }
0x83: {  	[sflag:s14] =	ssyncset.done $0x0  }
0x84: {  	[sflag:s14] =	ssyncadd.s32 $0xFFFFF830  }
0x85: {  	_ =	swait.ge [sflag:s14], $0x7D0  }
0x86: {  	[sflag:s14] =	ssyncset.done $0x0  }
0x87: {  	[sflag:s14] =	ssyncadd.s32 $0xFFFFF830  }
0x88: {  	_ =	swait.ge [sflag:s14], $0x7D0  }
0x89: {  	[sflag:s14] =	ssyncset.done $0x0  }
0x8a: {  	[sflag:s14] =	ssyncadd.s32 $0xFFFFF830  }
0x8b: {  	_ =	swait.ge [sflag:s14], $0x7D0  }
0x8c: {  	[sflag:s14] =	ssyncset.done $0x0  }
0x8d: {  	[sflag:s14] =	ssyncadd.s32 $0xFFFFF830  }
0x8e: {  	_ =	swait.ge [sflag:s14], $0x7D0  }
0x8f: {  	s15 =	sadd.s32 $0x1, s15;
	[sflag:s14] =	ssyncset.done $0x0  }
0x90: {  	p0 =	sne.s32 s15, s9;
	[sflag:s14] =	ssyncadd.s32 $0xFFFFF830  }
.Ltmp1:
0x91: {  	[bflag:$0x0] =	sbarrier.arrive $0xFFFF;
	(pc) =	sbr.rel @p0 .LBB2_1-.Ltmp1, $4  }
0x92: {  	[hbm:s8], [sflag:s6] =	dma.local [spmem:s10], $0x4F0  }
0x93: {  	_ =	swait.ge [sflag:s11], $0x4F0  }
0x94: {  	[sflag:s11] =	ssyncset.done $0x0  }
0x95: {  	[sflag:s11] =	ssyncadd.s32 $0xFFFFFB10  }
0x96: {  	_ =	sfence.sel $0x180000  }
0x97: {  	[bflag:$0x0] =	sbarrier.arrive $0xFFFF  }
0x98: {  	p0 =	sne.s32 s0, $0x0;
	_ =	strace $0x90000047  }
0x99: {  	s0 =	sadd.s32 @!p0 $0x100000, s1;
	[bflag:$0x2] =	sbarrier.arrive $0xFFFF  }
0x9a: {  	[sflag:s0] =	ssyncadd.tile.s32 @!p0 $0x1;
	_ =	shalt  }
.Lfunc_end2:
_tile_overlayer_lowered:
.L_overlay_start_2:
0x9b: {  	(tag) =	ssettag $0x2  }
0x9c: {  	s0 =	rddreg [dreg:$0x0];
	s2 =	stileid.u32  }
0x9d: {  	s1 =	rddreg [dreg:$0x1];
	p0 =	sne.s32 s2, $0x0  }
0x9e: {  	s3 =	rddreg [dreg:$0x2];
	[bflag:$0x3] =	sbarrier.arrive $0xFFFF;
	s2 =	simm.s32 @!p0 $0x1C02  }
0x9f: {  	[timem:s3], [sflag:s2] =	dma.local @!p0 [hbm:s0], s1  }
0xa0: {  	s0 =	simm.s32 @!p0 $0x2  }
0xa1: {  	_ =	swait.ge @!p0 [sflag:s0], s1  }
0xa2: {  	s1 =	ssub.s32 @!p0 $0x0, s1;
	[sflag:s0] =	ssyncset.done @!p0 $0x0  }
0xa3: {  	[sflag:s0] =	ssyncadd.s32 @!p0 s1  }
0xa4: {  	[bflag:$0x3] =	sbarrier.arrive $0xFFFF  }
0xa5: {  	_ =	shalt  }

</sc_bundles>
